<compile_context>
chip_gen: v7x
topology: tpu7x:2x2x1
jax: 0.10.2.dev20260603
libtpu: 0.0.44.dev20260713+nightly
codegen_flags: <defaults>
</compile_context>

<pallas_src>
import jax
import jax.numpy as jnp
from jax import lax
from jax.experimental import pallas as pl
from jax.experimental.pallas import tpu as pltpu
from jax.experimental.pallas import tpu_sc as plsc

N = 10000
D = 128
E = 320000

NC = 2
NS = 16
K = 128
CPT0 = 136
CPT1 = 24
NCH = NS * (CPT0 + CPT1)
E_PAD = NCH * K
N_PAD = 10240
RPT = N_PAD // NS
WSB = 2 * N_PAD


def _sc_body(src_hbm, dst_hbm, ew_hbm, feat_hbm, zrow_hbm, zws_hbm,
             hf_out, ws_out,
             sb0, sb1, db0, db1, wb0, wb1, rows0, rows1, wv, di2,
             hf_sh, ws_sh, semg0, semg1, seme0, seme1):
    cid = lax.axis_index("c")
    sid = lax.axis_index("s")
    base = jnp.where(cid == 0, sid * CPT0, NS * CPT0 + sid * CPT1)
    half_chunks = jnp.where(cid == 0, CPT0 // 2, CPT1 // 2)

    pltpu.sync_copy(zrow_hbm, rows0)
    for k in range(RPT // K):
        pltpu.sync_copy(rows0, hf_sh.at[pl.ds(sid * RPT + k * K, K)])
    pltpu.sync_copy(zws_hbm, ws_sh.at[pl.ds(sid * 2 * RPT, 2 * RPT)])

    plsc.subcore_barrier()

    pltpu.async_copy(src_hbm.at[base], sb0, seme0)
    pltpu.async_copy(dst_hbm.at[base], db0, seme0)
    pltpu.async_copy(ew_hbm.at[base], wb0, seme0)

    def chunk(j, sb, db, wb, rows_b, semg, sb_n, db_n, wb_n, seme_n, seme_b):
        pltpu.make_async_copy(src_hbm.at[base], sb, seme_b).wait()
        pltpu.make_async_copy(dst_hbm.at[base], db, seme_b).wait()
        pltpu.make_async_copy(ew_hbm.at[base], wb, seme_b).wait()
        cp = pltpu.async_copy(feat_hbm.at[sb.at[0]], rows_b, semg)
        pltpu.async_copy(src_hbm.at[base + j + 1], sb_n, seme_n)
        pltpu.async_copy(dst_hbm.at[base + j + 1], db_n, seme_n)
        pltpu.async_copy(ew_hbm.at[base + j + 1], wb_n, seme_n)
        for v in range(K // 16):
            w = wb[0, pl.ds(v * 16, 16)]
            d = db[0, pl.ds(v * 16, 16)]
            fp = ((d >> 10) << 11) + (d & 1023)
            wv[0, pl.ds(v * 16, 16)] = jnp.maximum(w, 0.0)
            wv[1, pl.ds(v * 16, 16)] = jnp.maximum(-w, 0.0)
            di2[0, pl.ds(v * 16, 16)] = fp
            di2[1, pl.ds(v * 16, 16)] = fp + 1024
        pltpu.sync_copy(wv.at[0], ws_sh.at[di2.at[0]], add=True)
        pltpu.sync_copy(wv.at[1], ws_sh.at[di2.at[1]], add=True)
        cp.wait()
        pltpu.sync_copy(rows_b, hf_sh.at[db.at[0]], add=True)

    def body(i, carry):
        chunk(2 * i, sb0, db0, wb0, rows0, semg0, sb1, db1, wb1, seme1, seme0)
        chunk(2 * i + 1, sb1, db1, wb1, rows1, semg1, sb0, db0, wb0, seme0,
              seme1)
        return carry

    lax.fori_loop(0, half_chunks, body, 0)
    pltpu.make_async_copy(src_hbm.at[base], sb0, seme0).wait()
    pltpu.make_async_copy(dst_hbm.at[base], db0, seme0).wait()
    pltpu.make_async_copy(ew_hbm.at[base], wb0, seme0).wait()
    plsc.subcore_barrier()

    for k in range(RPT // K):
        pltpu.sync_copy(hf_sh.at[pl.ds(sid * RPT + k * K, K)],
                        hf_out.at[cid, pl.ds(sid * RPT + k * K, K)])
    pltpu.sync_copy(ws_sh.at[pl.ds(sid * 2 * RPT, 2 * RPT)],
                    ws_out.at[cid, pl.ds(sid * 2 * RPT, 2 * RPT)])


def _sc_call(src2, dst2, ew2, feat, zrow, zws):
    mesh = plsc.VectorSubcoreMesh(core_axis_name="c", subcore_axis_name="s")
    f = pl.kernel(
        _sc_body,
        out_type=[
            jax.ShapeDtypeStruct((NC, N_PAD, D), jnp.float32),
            jax.ShapeDtypeStruct((NC, WSB), jnp.float32),
        ],
        mesh=mesh,
        scratch_types=[
            pltpu.VMEM((1, K), jnp.int32),
            pltpu.VMEM((1, K), jnp.int32),
            pltpu.VMEM((1, K), jnp.int32),
            pltpu.VMEM((1, K), jnp.int32),
            pltpu.VMEM((1, K), jnp.float32),
            pltpu.VMEM((1, K), jnp.float32),
            pltpu.VMEM((K, D), jnp.float32),
            pltpu.VMEM((K, D), jnp.float32),
            pltpu.VMEM((2, K), jnp.float32),
            pltpu.VMEM((2, K), jnp.int32),
            pltpu.VMEM_SHARED((N_PAD, D), jnp.float32),
            pltpu.VMEM_SHARED((WSB,), jnp.float32),
            pltpu.SemaphoreType.DMA,
            pltpu.SemaphoreType.DMA,
            pltpu.SemaphoreType.DMA,
            pltpu.SemaphoreType.DMA,
        ],
    )
    return f(src2, dst2, ew2, feat, zrow, zws)


def _tc_epilogue(x_ref, hf_ref, ws_ref, wx_ref, wf_ref, ww_ref, b_ref, wt_ref,
                 out_ref):
    f32 = jnp.float32
    wt = wt_ref[...]
    rw = jnp.concatenate([jnp.maximum(wt, 0.0), jnp.maximum(-wt, 0.0)], axis=0)
    v = lax.dot_general(rw, ww_ref[...], (((1,), (1,)), ((), ())),
                        preferred_element_type=f32)
    s2 = ws_ref[0, 0] + ws_ref[1, 0]
    hf = hf_ref[0] + hf_ref[1]
    acc = lax.dot_general(x_ref[...], wx_ref[...], (((1,), (1,)), ((), ())),
                          preferred_element_type=f32)
    acc += lax.dot_general(hf, wf_ref[...], (((1,), (1,)), ((), ())),
                           preferred_element_type=f32)
    acc += lax.dot_general(s2, v, (((0,), (0,)), ((), ())),
                           preferred_element_type=f32)
    acc += b_ref[...]
    out_ref[...] = jnp.maximum(acc, 0.0)


def _tc_call(x, hf, ws, W_x, W_f, W_w, b_f, weights):
    blk = 1024
    grid = (N_PAD // blk,)
    return pl.pallas_call(
        _tc_epilogue,
        grid=grid,
        in_specs=[
            pl.BlockSpec((blk, D), lambda i: (i, 0)),
            pl.BlockSpec((NC, blk, D), lambda i: (0, i, 0)),
            pl.BlockSpec((NC, 1, 2, blk), lambda i: (0, i, 0, 0)),
            pl.BlockSpec((D, D), lambda i: (0, 0)),
            pl.BlockSpec((D, D), lambda i: (0, 0)),
            pl.BlockSpec((D, D), lambda i: (0, 0)),
            pl.BlockSpec((1, D), lambda i: (0, 0)),
            pl.BlockSpec((1, D), lambda i: (0, 0)),
        ],
        out_specs=pl.BlockSpec((blk, D), lambda i: (i, 0)),
        out_shape=jax.ShapeDtypeStruct((N_PAD, D), jnp.float32),
    )(x, hf, ws, W_x, W_f, W_w, b_f, weights)


@jax.jit
def kernel(x, feat, edge_index, edge_w, W_x, W_w, W_f, b_f, weights):
    src = edge_index[0].astype(jnp.int32)
    dst = edge_index[1].astype(jnp.int32)
    pad = E_PAD - E
    pad_dst = N + jnp.arange(pad, dtype=jnp.int32) % (N_PAD - N)
    zk = jnp.zeros((K,), jnp.int32)
    src2 = jnp.concatenate([src, jnp.zeros((pad,), jnp.int32),
                            zk]).reshape(NCH + 1, 1, K)
    dst2 = jnp.concatenate([dst, pad_dst,
                            zk + N]).reshape(NCH + 1, 1, K)
    ew2 = jnp.concatenate([edge_w, jnp.zeros((pad + K,), jnp.float32)]
                          ).reshape(NCH + 1, 1, K)
    zrow = jnp.zeros((K, D), jnp.float32)
    zws = jnp.zeros((2 * RPT,), jnp.float32)
    hf, ws = _sc_call(src2, dst2, ew2, feat, zrow, zws)
    xp = jnp.concatenate([x, jnp.zeros((N_PAD - N, D), jnp.float32)])
    out = _tc_call(xp, hf, ws.reshape(NC, N_PAD // 1024, 2, 1024),
                   W_x, W_f, W_w, b_f.reshape(1, D), weights.reshape(1, D))
    return out[:N]

# --- scband reference (transcript-rebuilt; emitter-appended) ---
"""Pipeline reference for scband-structure2-vec-27771258536763 (READ-ONLY COPY).

The authoritative reference and input builder live on the scoring server;
editing this copy changes nothing except your own understanding.
"""

import jax, jax.numpy as jnp
import numpy as np

N = 10000
E = 320000
X_FEATS = 128
IN_FEATS = 128
OUT_FEATS = 128

def setup_inputs(seed: int = 0) -> dict:
    key = jax.random.key(seed)
    ks = jax.random.split(key, 10)
    x = jax.random.normal(ks[0], (N, X_FEATS), dtype=jnp.float32)
    feat = jax.random.normal(ks[1], (N, IN_FEATS), dtype=jnp.float32)
    edge_index = jax.random.randint(ks[2], (2, E), 0, N, dtype=jnp.int64)
    edge_w = jax.random.uniform(ks[3], (E,), dtype=jnp.float32)
    # learned parameters (nn.Linear weights stored as [out, in], applied as v @ W.T)
    W_x = jax.random.normal(ks[4], (OUT_FEATS, X_FEATS), dtype=jnp.float32) * (1.0 / np.sqrt(X_FEATS))
    W_w = jax.random.normal(ks[5], (OUT_FEATS, OUT_FEATS), dtype=jnp.float32) * (1.0 / np.sqrt(OUT_FEATS))
    W_f = jax.random.normal(ks[6], (OUT_FEATS, IN_FEATS), dtype=jnp.float32) * (1.0 / np.sqrt(IN_FEATS))
    b_f = jax.random.normal(ks[7], (OUT_FEATS,), dtype=jnp.float32) * (1.0 / np.sqrt(IN_FEATS))
    weights = jax.random.normal(ks[8], (OUT_FEATS,), dtype=jnp.float32) * 0.01
    return {"x": x, "feat": feat, "edge_index": edge_index, "edge_w": edge_w,
            "W_x": W_x, "W_w": W_w, "W_f": W_f, "b_f": b_f, "weights": weights}

def reference(x, feat, edge_index, edge_w, W_x, W_w, W_f, b_f, weights):
    src = edge_index[0]
    dst = edge_index[1]
    n = x.shape[0]
    # _aggw: per-edge g = relu(w_e * weights), scatter-sum to dst, then linear (no bias)
    g = jax.nn.relu(edge_w[:, None] * weights[None, :])  # [E, out_feats]
    h_w = jnp.zeros((n, weights.shape[0]), dtype=x.dtype).at[dst].add(g)
    aggw = h_w @ W_w.T
    # _aggf: copy source node feat along edges, scatter-sum to dst, then linear (with bias)
    msg = jnp.take(feat, src, axis=0)  # [E, in_feats]
    h_f = jnp.zeros((n, feat.shape[1]), dtype=feat.dtype).at[dst].add(msg)
    aggf = h_f @ W_f.T + b_f
    h = x @ W_x.T + aggw + aggf
    return jax.nn.relu(h)

if __name__ == "__main__":
    import jax
    _d = setup_inputs()
    print(jax.jit(kernel)(*tuple(_d.values())))

</pallas_src>

<mosaic_0001>
#map = affine_map<(d0, d1) -> (0, 0, 0)>
#map1 = affine_map<(d0, d1) -> (0, 0)>
#map2 = affine_map<(d0, d1) -> (0)>
module attributes {stable_mosaic.version = 14 : i64} {
  func.func @_sc_body(%arg0: i32, %arg1: i32, %arg2: memref<2561x1x128xi32, #tpu.memory_space<hbm>>, %arg3: memref<2561x1x128xi32, #tpu.memory_space<hbm>>, %arg4: memref<2561x1x128xf32, #tpu.memory_space<hbm>>, %arg5: memref<10000x128xf32, #tpu.memory_space<hbm>>, %arg6: memref<128x128xf32, #tpu.memory_space<hbm>>, %arg7: memref<1280xf32, #tpu.memory_space<hbm>>, %arg8: memref<2x10240x128xf32, #tpu.memory_space<hbm>>, %arg9: memref<2x20480xf32, #tpu.memory_space<hbm>>, %arg10: memref<1x128xi32, #tpu.memory_space<vmem>>, %arg11: memref<1x128xi32, #tpu.memory_space<vmem>>, %arg12: memref<1x128xi32, #tpu.memory_space<vmem>>, %arg13: memref<1x128xi32, #tpu.memory_space<vmem>>, %arg14: memref<1x128xf32, #tpu.memory_space<vmem>>, %arg15: memref<1x128xf32, #tpu.memory_space<vmem>>, %arg16: memref<128x128xf32, #tpu.memory_space<vmem>>, %arg17: memref<128x128xf32, #tpu.memory_space<vmem>>, %arg18: memref<2x128xf32, #tpu.memory_space<vmem>>, %arg19: memref<2x128xi32, #tpu.memory_space<vmem>>, %arg20: memref<10240x128xf32, #tpu.memory_space<vmem_shared>>, %arg21: memref<20480xf32, #tpu.memory_space<vmem_shared>>, %arg22: memref<!tpu.dma_semaphore, #tpu.memory_space<semaphore_mem>>, %arg23: memref<!tpu.dma_semaphore, #tpu.memory_space<semaphore_mem>>, %arg24: memref<!tpu.dma_semaphore, #tpu.memory_space<semaphore_mem>>, %arg25: memref<!tpu.dma_semaphore, #tpu.memory_space<semaphore_mem>>) attributes {dimension_semantics = [#tpu.dimension_semantics<core_parallel>, #tpu.dimension_semantics<subcore_parallel>], iteration_bounds = array<i64: 2, 16>, scalar_prefetch = 0 : i64, scratch_operands = 16 : i64, tpu.core_type = #tpu.core_type<sc_vector_subcore>, window_params = [{transform_indices = #map}, {transform_indices = #map}, {transform_indices = #map}, {transform_indices = #map1}, {transform_indices = #map1}, {transform_indices = #map2}, {transform_indices = #map}, {transform_indices = #map1}]} {
    %eq3A = arith.constant 0 : i32
    %eq3A_0 = arith.cmpi eq, %arg0, %eq3A : i32
    %mul3A = arith.constant 136 : i32
    %mul3A_1 = arith.muli %arg1, %mul3A : i32
    %mul3A_2 = arith.constant 24 : i32
    %mul3A_3 = arith.muli %arg1, %mul3A_2 : i32
    %add3A = arith.constant 2176 : i32
    %add3A_4 = arith.addi %add3A, %mul3A_3 : i32
    %select_n3A = arith.select %eq3A_0, %mul3A_1, %add3A_4 : i32
    %eq3A_5 = arith.constant 0 : i32
    %eq3A_6 = arith.cmpi eq, %arg0, %eq3A_5 : i32
    %jit3A = arith.constant 68 : i32
    %jit3A_7 = arith.constant 12 : i32
    %select_n3A_8 = arith.select %eq3A_6, %jit3A, %jit3A_7 : i32
    "tpu.region"() ({
      %run_scoped3A = tpu.sem_alloc : memref<!tpu.dma_semaphore, #tpu.memory_space<semaphore_mem>>
      tpu.enqueue_dma source(%arg6 : memref<128x128xf32, #tpu.memory_space<hbm>>) target(%arg16 : memref<128x128xf32, #tpu.memory_space<vmem>>) target_semaphore(%run_scoped3A : memref<!tpu.dma_semaphore, #tpu.memory_space<semaphore_mem>>)
      tpu.wait_dma2 semaphore(%run_scoped3A : memref<!tpu.dma_semaphore, #tpu.memory_space<semaphore_mem>>) src(%arg6 : memref<128x128xf32, #tpu.memory_space<hbm>>) dst(%arg16 : memref<128x128xf32, #tpu.memory_space<vmem>>)
      tpu.yield
    }) : () -> ()
    %mul3A_9 = arith.constant 640 : i32
    %mul3A_10 = arith.muli %arg1, %mul3A_9 : i32
    %add3A_11 = arith.constant 0 : i32
    %add3A_12 = arith.addi %mul3A_10, %add3A_11 : i32
    "tpu.region"() ({
      %run_scoped3A = tpu.sem_alloc : memref<!tpu.dma_semaphore, #tpu.memory_space<semaphore_mem>>
      %dma_start3A_137 = arith.constant 0 : i32
      %dma_start3A_138 = tpu.memref_slice %arg20[%add3A_12, %dma_start3A_137] : memref<10240x128xf32, #tpu.memory_space<vmem_shared>> -> memref<128x128xf32, #tpu.memory_space<vmem_shared>>
      %dma_start3A_139 = arith.constant 0 : i32
      %dma_start3A_140 = tpu.memref_slice %arg20[%add3A_12, %dma_start3A_139] : memref<10240x128xf32, #tpu.memory_space<vmem_shared>> -> memref<128x128xf32, #tpu.memory_space<vmem_shared>>
      tpu.enqueue_dma source(%arg16 : memref<128x128xf32, #tpu.memory_space<vmem>>) target(%dma_start3A_140 : memref<128x128xf32, #tpu.memory_space<vmem_shared>>) target_semaphore(%run_scoped3A : memref<!tpu.dma_semaphore, #tpu.memory_space<semaphore_mem>>)
      %dma_wait3A_141 = arith.constant 0 : i32
      %dma_wait3A_142 = tpu.memref_slice %arg20[%add3A_12, %dma_wait3A_141] : memref<10240x128xf32, #tpu.memory_space<vmem_shared>> -> memref<128x128xf32, #tpu.memory_space<vmem_shared>>
      %dma_wait3A_143 = arith.constant 0 : i32
      %dma_wait3A_144 = tpu.memref_slice %arg20[%add3A_12, %dma_wait3A_143] : memref<10240x128xf32, #tpu.memory_space<vmem_shared>> -> memref<128x128xf32, #tpu.memory_space<vmem_shared>>
      tpu.wait_dma2 semaphore(%run_scoped3A : memref<!tpu.dma_semaphore, #tpu.memory_space<semaphore_mem>>) src(%arg16 : memref<128x128xf32, #tpu.memory_space<vmem>>) dst(%dma_wait3A_144 : memref<128x128xf32, #tpu.memory_space<vmem_shared>>)
      tpu.yield
    }) : () -> ()
    %mul3A_13 = arith.constant 640 : i32
    %mul3A_14 = arith.muli %arg1, %mul3A_13 : i32
    %add3A_15 = arith.constant 128 : i32
    %add3A_16 = arith.addi %mul3A_14, %add3A_15 : i32
    "tpu.region"() ({
      %run_scoped3A = tpu.sem_alloc : memref<!tpu.dma_semaphore, #tpu.memory_space<semaphore_mem>>
      %dma_start3A_137 = arith.constant 0 : i32
      %dma_start3A_138 = tpu.memref_slice %arg20[%add3A_16, %dma_start3A_137] : memref<10240x128xf32, #tpu.memory_space<vmem_shared>> -> memref<128x128xf32, #tpu.memory_space<vmem_shared>>
      %dma_start3A_139 = arith.constant 0 : i32
      %dma_start3A_140 = tpu.memref_slice %arg20[%add3A_16, %dma_start3A_139] : memref<10240x128xf32, #tpu.memory_space<vmem_shared>> -> memref<128x128xf32, #tpu.memory_space<vmem_shared>>
      tpu.enqueue_dma source(%arg16 : memref<128x128xf32, #tpu.memory_space<vmem>>) target(%dma_start3A_140 : memref<128x128xf32, #tpu.memory_space<vmem_shared>>) target_semaphore(%run_scoped3A : memref<!tpu.dma_semaphore, #tpu.memory_space<semaphore_mem>>)
      %dma_wait3A_141 = arith.constant 0 : i32
      %dma_wait3A_142 = tpu.memref_slice %arg20[%add3A_16, %dma_wait3A_141] : memref<10240x128xf32, #tpu.memory_space<vmem_shared>> -> memref<128x128xf32, #tpu.memory_space<vmem_shared>>
      %dma_wait3A_143 = arith.constant 0 : i32
      %dma_wait3A_144 = tpu.memref_slice %arg20[%add3A_16, %dma_wait3A_143] : memref<10240x128xf32, #tpu.memory_space<vmem_shared>> -> memref<128x128xf32, #tpu.memory_space<vmem_shared>>
      tpu.wait_dma2 semaphore(%run_scoped3A : memref<!tpu.dma_semaphore, #tpu.memory_space<semaphore_mem>>) src(%arg16 : memref<128x128xf32, #tpu.memory_space<vmem>>) dst(%dma_wait3A_144 : memref<128x128xf32, #tpu.memory_space<vmem_shared>>)
      tpu.yield
    }) : () -> ()
    %mul3A_17 = arith.constant 640 : i32
    %mul3A_18 = arith.muli %arg1, %mul3A_17 : i32
    %add3A_19 = arith.constant 256 : i32
    %add3A_20 = arith.addi %mul3A_18, %add3A_19 : i32
    "tpu.region"() ({
      %run_scoped3A = tpu.sem_alloc : memref<!tpu.dma_semaphore, #tpu.memory_space<semaphore_mem>>
      %dma_start3A_137 = arith.constant 0 : i32
      %dma_start3A_138 = tpu.memref_slice %arg20[%add3A_20, %dma_start3A_137] : memref<10240x128xf32, #tpu.memory_space<vmem_shared>> -> memref<128x128xf32, #tpu.memory_space<vmem_shared>>
      %dma_start3A_139 = arith.constant 0 : i32
      %dma_start3A_140 = tpu.memref_slice %arg20[%add3A_20, %dma_start3A_139] : memref<10240x128xf32, #tpu.memory_space<vmem_shared>> -> memref<128x128xf32, #tpu.memory_space<vmem_shared>>
      tpu.enqueue_dma source(%arg16 : memref<128x128xf32, #tpu.memory_space<vmem>>) target(%dma_start3A_140 : memref<128x128xf32, #tpu.memory_space<vmem_shared>>) target_semaphore(%run_scoped3A : memref<!tpu.dma_semaphore, #tpu.memory_space<semaphore_mem>>)
      %dma_wait3A_141 = arith.constant 0 : i32
      %dma_wait3A_142 = tpu.memref_slice %arg20[%add3A_20, %dma_wait3A_141] : memref<10240x128xf32, #tpu.memory_space<vmem_shared>> -> memref<128x128xf32, #tpu.memory_space<vmem_shared>>
      %dma_wait3A_143 = arith.constant 0 : i32
      %dma_wait3A_144 = tpu.memref_slice %arg20[%add3A_20, %dma_wait3A_143] : memref<10240x128xf32, #tpu.memory_space<vmem_shared>> -> memref<128x128xf32, #tpu.memory_space<vmem_shared>>
      tpu.wait_dma2 semaphore(%run_scoped3A : memref<!tpu.dma_semaphore, #tpu.memory_space<semaphore_mem>>) src(%arg16 : memref<128x128xf32, #tpu.memory_space<vmem>>) dst(%dma_wait3A_144 : memref<128x128xf32, #tpu.memory_space<vmem_shared>>)
      tpu.yield
    }) : () -> ()
    %mul3A_21 = arith.constant 640 : i32
    %mul3A_22 = arith.muli %arg1, %mul3A_21 : i32
    %add3A_23 = arith.constant 384 : i32
    %add3A_24 = arith.addi %mul3A_22, %add3A_23 : i32
    "tpu.region"() ({
      %run_scoped3A = tpu.sem_alloc : memref<!tpu.dma_semaphore, #tpu.memory_space<semaphore_mem>>
      %dma_start3A_137 = arith.constant 0 : i32
      %dma_start3A_138 = tpu.memref_slice %arg20[%add3A_24, %dma_start3A_137] : memref<10240x128xf32, #tpu.memory_space<vmem_shared>> -> memref<128x128xf32, #tpu.memory_space<vmem_shared>>
      %dma_start3A_139 = arith.constant 0 : i32
      %dma_start3A_140 = tpu.memref_slice %arg20[%add3A_24, %dma_start3A_139] : memref<10240x128xf32, #tpu.memory_space<vmem_shared>> -> memref<128x128xf32, #tpu.memory_space<vmem_shared>>
      tpu.enqueue_dma source(%arg16 : memref<128x128xf32, #tpu.memory_space<vmem>>) target(%dma_start3A_140 : memref<128x128xf32, #tpu.memory_space<vmem_shared>>) target_semaphore(%run_scoped3A : memref<!tpu.dma_semaphore, #tpu.memory_space<semaphore_mem>>)
      %dma_wait3A_141 = arith.constant 0 : i32
      %dma_wait3A_142 = tpu.memref_slice %arg20[%add3A_24, %dma_wait3A_141] : memref<10240x128xf32, #tpu.memory_space<vmem_shared>> -> memref<128x128xf32, #tpu.memory_space<vmem_shared>>
      %dma_wait3A_143 = arith.constant 0 : i32
      %dma_wait3A_144 = tpu.memref_slice %arg20[%add3A_24, %dma_wait3A_143] : memref<10240x128xf32, #tpu.memory_space<vmem_shared>> -> memref<128x128xf32, #tpu.memory_space<vmem_shared>>
      tpu.wait_dma2 semaphore(%run_scoped3A : memref<!tpu.dma_semaphore, #tpu.memory_space<semaphore_mem>>) src(%arg16 : memref<128x128xf32, #tpu.memory_space<vmem>>) dst(%dma_wait3A_144 : memref<128x128xf32, #tpu.memory_space<vmem_shared>>)
      tpu.yield
    }) : () -> ()
    %mul3A_25 = arith.constant 640 : i32
    %mul3A_26 = arith.muli %arg1, %mul3A_25 : i32
    %add3A_27 = arith.constant 512 : i32
    %add3A_28 = arith.addi %mul3A_26, %add3A_27 : i32
    "tpu.region"() ({
      %run_scoped3A = tpu.sem_alloc : memref<!tpu.dma_semaphore, #tpu.memory_space<semaphore_mem>>
      %dma_start3A_137 = arith.constant 0 : i32
      %dma_start3A_138 = tpu.memref_slice %arg20[%add3A_28, %dma_start3A_137] : memref<10240x128xf32, #tpu.memory_space<vmem_shared>> -> memref<128x128xf32, #tpu.memory_space<vmem_shared>>
      %dma_start3A_139 = arith.constant 0 : i32
      %dma_start3A_140 = tpu.memref_slice %arg20[%add3A_28, %dma_start3A_139] : memref<10240x128xf32, #tpu.memory_space<vmem_shared>> -> memref<128x128xf32, #tpu.memory_space<vmem_shared>>
      tpu.enqueue_dma source(%arg16 : memref<128x128xf32, #tpu.memory_space<vmem>>) target(%dma_start3A_140 : memref<128x128xf32, #tpu.memory_space<vmem_shared>>) target_semaphore(%run_scoped3A : memref<!tpu.dma_semaphore, #tpu.memory_space<semaphore_mem>>)
      %dma_wait3A_141 = arith.constant 0 : i32
      %dma_wait3A_142 = tpu.memref_slice %arg20[%add3A_28, %dma_wait3A_141] : memref<10240x128xf32, #tpu.memory_space<vmem_shared>> -> memref<128x128xf32, #tpu.memory_space<vmem_shared>>
      %dma_wait3A_143 = arith.constant 0 : i32
      %dma_wait3A_144 = tpu.memref_slice %arg20[%add3A_28, %dma_wait3A_143] : memref<10240x128xf32, #tpu.memory_space<vmem_shared>> -> memref<128x128xf32, #tpu.memory_space<vmem_shared>>
      tpu.wait_dma2 semaphore(%run_scoped3A : memref<!tpu.dma_semaphore, #tpu.memory_space<semaphore_mem>>) src(%arg16 : memref<128x128xf32, #tpu.memory_space<vmem>>) dst(%dma_wait3A_144 : memref<128x128xf32, #tpu.memory_space<vmem_shared>>)
      tpu.yield
    }) : () -> ()
    %mul3A_29 = arith.constant 2 : i32
    %mul3A_30 = arith.muli %arg1, %mul3A_29 : i32
    %mul3A_31 = arith.constant 640 : i32
    %mul3A_32 = arith.muli %mul3A_30, %mul3A_31 : i32
    "tpu.region"() ({
      %run_scoped3A = tpu.sem_alloc : memref<!tpu.dma_semaphore, #tpu.memory_space<semaphore_mem>>
      %dma_start3A_137 = tpu.memref_slice %arg21[%mul3A_32] : memref<20480xf32, #tpu.memory_space<vmem_shared>> -> memref<1280xf32, #tpu.memory_space<vmem_shared>>
      tpu.enqueue_dma source(%arg7 : memref<1280xf32, #tpu.memory_space<hbm>>) target(%dma_start3A_137 : memref<1280xf32, #tpu.memory_space<vmem_shared>>) target_semaphore(%run_scoped3A : memref<!tpu.dma_semaphore, #tpu.memory_space<semaphore_mem>>)
      %dma_wait3A_138 = tpu.memref_slice %arg21[%mul3A_32] : memref<20480xf32, #tpu.memory_space<vmem_shared>> -> memref<1280xf32, #tpu.memory_space<vmem_shared>>
      tpu.wait_dma2 semaphore(%run_scoped3A : memref<!tpu.dma_semaphore, #tpu.memory_space<semaphore_mem>>) src(%arg7 : memref<1280xf32, #tpu.memory_space<hbm>>) dst(%dma_wait3A_138 : memref<1280xf32, #tpu.memory_space<vmem_shared>>)
      tpu.yield
    }) : () -> ()
    %barrier3A = arith.constant 0 : index
    tpu.barrier barrier_id(%barrier3A)
    %dma_start3A = arith.constant 0 : i32
    %dma_start3A_33 = arith.constant 0 : i32
    %dma_start3A_34 = tpu.memref_slice %arg2[%select_n3A, %dma_start3A, %dma_start3A_33] : memref<2561x1x128xi32, #tpu.memory_space<hbm>> -> memref<1x1x128xi32, #tpu.memory_space<hbm>>
    %dma_start3A_35 = tpu.memref_squeeze %dma_start3A_34 : memref<1x1x128xi32, #tpu.memory_space<hbm>> -> memref<1x128xi32, #tpu.memory_space<hbm>>
    %dma_start3A_36 = arith.constant 0 : i32
    %dma_start3A_37 = arith.constant 0 : i32
    %dma_start3A_38 = tpu.memref_slice %arg2[%select_n3A, %dma_start3A_36, %dma_start3A_37] : memref<2561x1x128xi32, #tpu.memory_space<hbm>> -> memref<1x1x128xi32, #tpu.memory_space<hbm>>
    %dma_start3A_39 = tpu.memref_squeeze %dma_start3A_38 : memref<1x1x128xi32, #tpu.memory_space<hbm>> -> memref<1x128xi32, #tpu.memory_space<hbm>>
    tpu.enqueue_dma source(%dma_start3A_39 : memref<1x128xi32, #tpu.memory_space<hbm>>) target(%arg10 : memref<1x128xi32, #tpu.memory_space<vmem>>) target_semaphore(%arg24 : memref<!tpu.dma_semaphore, #tpu.memory_space<semaphore_mem>>)
    %dma_start3A_40 = arith.constant 0 : i32
    %dma_start3A_41 = arith.constant 0 : i32
    %dma_start3A_42 = tpu.memref_slice %arg3[%select_n3A, %dma_start3A_40, %dma_start3A_41] : memref<2561x1x128xi32, #tpu.memory_space<hbm>> -> memref<1x1x128xi32, #tpu.memory_space<hbm>>
    %dma_start3A_43 = tpu.memref_squeeze %dma_start3A_42 : memref<1x1x128xi32, #tpu.memory_space<hbm>> -> memref<1x128xi32, #tpu.memory_space<hbm>>
    %dma_start3A_44 = arith.constant 0 : i32
    %dma_start3A_45 = arith.constant 0 : i32
    %dma_start3A_46 = tpu.memref_slice %arg3[%select_n3A, %dma_start3A_44, %dma_start3A_45] : memref<2561x1x128xi32, #tpu.memory_space<hbm>> -> memref<1x1x128xi32, #tpu.memory_space<hbm>>
    %dma_start3A_47 = tpu.memref_squeeze %dma_start3A_46 : memref<1x1x128xi32, #tpu.memory_space<hbm>> -> memref<1x128xi32, #tpu.memory_space<hbm>>
    tpu.enqueue_dma source(%dma_start3A_47 : memref<1x128xi32, #tpu.memory_space<hbm>>) target(%arg12 : memref<1x128xi32, #tpu.memory_space<vmem>>) target_semaphore(%arg24 : memref<!tpu.dma_semaphore, #tpu.memory_space<semaphore_mem>>)
    %dma_start3A_48 = arith.constant 0 : i32
    %dma_start3A_49 = arith.constant 0 : i32
    %dma_start3A_50 = tpu.memref_slice %arg4[%select_n3A, %dma_start3A_48, %dma_start3A_49] : memref<2561x1x128xf32, #tpu.memory_space<hbm>> -> memref<1x1x128xf32, #tpu.memory_space<hbm>>
    %dma_start3A_51 = tpu.memref_squeeze %dma_start3A_50 : memref<1x1x128xf32, #tpu.memory_space<hbm>> -> memref<1x128xf32, #tpu.memory_space<hbm>>
    %dma_start3A_52 = arith.constant 0 : i32
    %dma_start3A_53 = arith.constant 0 : i32
    %dma_start3A_54 = tpu.memref_slice %arg4[%select_n3A, %dma_start3A_52, %dma_start3A_53] : memref<2561x1x128xf32, #tpu.memory_space<hbm>> -> memref<1x1x128xf32, #tpu.memory_space<hbm>>
    %dma_start3A_55 = tpu.memref_squeeze %dma_start3A_54 : memref<1x1x128xf32, #tpu.memory_space<hbm>> -> memref<1x128xf32, #tpu.memory_space<hbm>>
    tpu.enqueue_dma source(%dma_start3A_55 : memref<1x128xf32, #tpu.memory_space<hbm>>) target(%arg14 : memref<1x128xf32, #tpu.memory_space<vmem>>) target_semaphore(%arg24 : memref<!tpu.dma_semaphore, #tpu.memory_space<semaphore_mem>>)
    %while3A = arith.constant 0 : i32
    %while3A_56 = arith.constant 0 : i32
    %while3A_57 = arith.subi %select_n3A_8, %while3A_56 : i32
    %while3A_58 = arith.addi %while3A_56, %while3A_57 : i32
    %while3A_59 = arith.constant 1 : i32
    %while3A_60 = arith.divsi %while3A_57, %while3A_59 : i32
    %while3A_61 = arith.muli %while3A_60, %while3A_59 : i32
    %while3A_62 = arith.addi %while3A_56, %while3A_61 : i32
    %while3A_63 = arith.constant 1 : i32
    scf.for %while3A_137 = %while3A_56 to %while3A_62 step %while3A_63  : i32 {
      %mul3A_138 = arith.constant 2 : i32
      %mul3A_139 = arith.muli %mul3A_138, %while3A_137 : i32
      %dma_wait3A_140 = arith.constant 0 : i32
      %dma_wait3A_141 = arith.constant 0 : i32
      %dma_wait3A_142 = tpu.memref_slice %arg2[%select_n3A, %dma_wait3A_140, %dma_wait3A_141] : memref<2561x1x128xi32, #tpu.memory_space<hbm>> -> memref<1x1x128xi32, #tpu.memory_space<hbm>>
      %dma_wait3A_143 = tpu.memref_squeeze %dma_wait3A_142 : memref<1x1x128xi32, #tpu.memory_space<hbm>> -> memref<1x128xi32, #tpu.memory_space<hbm>>
      %dma_wait3A_144 = arith.constant 0 : i32
      %dma_wait3A_145 = arith.constant 0 : i32
      %dma_wait3A_146 = tpu.memref_slice %arg2[%select_n3A, %dma_wait3A_144, %dma_wait3A_145] : memref<2561x1x128xi32, #tpu.memory_space<hbm>> -> memref<1x1x128xi32, #tpu.memory_space<hbm>>
      %dma_wait3A_147 = tpu.memref_squeeze %dma_wait3A_146 : memref<1x1x128xi32, #tpu.memory_space<hbm>> -> memref<1x128xi32, #tpu.memory_space<hbm>>
      tpu.wait_dma2 semaphore(%arg24 : memref<!tpu.dma_semaphore, #tpu.memory_space<semaphore_mem>>) src(%dma_wait3A_147 : memref<1x128xi32, #tpu.memory_space<hbm>>) dst(%arg10 : memref<1x128xi32, #tpu.memory_space<vmem>>)
      %dma_wait3A_148 = arith.constant 0 : i32
      %dma_wait3A_149 = arith.constant 0 : i32
      %dma_wait3A_150 = tpu.memref_slice %arg3[%select_n3A, %dma_wait3A_148, %dma_wait3A_149] : memref<2561x1x128xi32, #tpu.memory_space<hbm>> -> memref<1x1x128xi32, #tpu.memory_space<hbm>>
      %dma_wait3A_151 = tpu.memref_squeeze %dma_wait3A_150 : memref<1x1x128xi32, #tpu.memory_space<hbm>> -> memref<1x128xi32, #tpu.memory_space<hbm>>
      %dma_wait3A_152 = arith.constant 0 : i32
      %dma_wait3A_153 = arith.constant 0 : i32
      %dma_wait3A_154 = tpu.memref_slice %arg3[%select_n3A, %dma_wait3A_152, %dma_wait3A_153] : memref<2561x1x128xi32, #tpu.memory_space<hbm>> -> memref<1x1x128xi32, #tpu.memory_space<hbm>>
      %dma_wait3A_155 = tpu.memref_squeeze %dma_wait3A_154 : memref<1x1x128xi32, #tpu.memory_space<hbm>> -> memref<1x128xi32, #tpu.memory_space<hbm>>
      tpu.wait_dma2 semaphore(%arg24 : memref<!tpu.dma_semaphore, #tpu.memory_space<semaphore_mem>>) src(%dma_wait3A_155 : memref<1x128xi32, #tpu.memory_space<hbm>>) dst(%arg12 : memref<1x128xi32, #tpu.memory_space<vmem>>)
      %dma_wait3A_156 = arith.constant 0 : i32
      %dma_wait3A_157 = arith.constant 0 : i32
      %dma_wait3A_158 = tpu.memref_slice %arg4[%select_n3A, %dma_wait3A_156, %dma_wait3A_157] : memref<2561x1x128xf32, #tpu.memory_space<hbm>> -> memref<1x1x128xf32, #tpu.memory_space<hbm>>
      %dma_wait3A_159 = tpu.memref_squeeze %dma_wait3A_158 : memref<1x1x128xf32, #tpu.memory_space<hbm>> -> memref<1x128xf32, #tpu.memory_space<hbm>>
      %dma_wait3A_160 = arith.constant 0 : i32
      %dma_wait3A_161 = arith.constant 0 : i32
      %dma_wait3A_162 = tpu.memref_slice %arg4[%select_n3A, %dma_wait3A_160, %dma_wait3A_161] : memref<2561x1x128xf32, #tpu.memory_space<hbm>> -> memref<1x1x128xf32, #tpu.memory_space<hbm>>
      %dma_wait3A_163 = tpu.memref_squeeze %dma_wait3A_162 : memref<1x1x128xf32, #tpu.memory_space<hbm>> -> memref<1x128xf32, #tpu.memory_space<hbm>>
      tpu.wait_dma2 semaphore(%arg24 : memref<!tpu.dma_semaphore, #tpu.memory_space<semaphore_mem>>) src(%dma_wait3A_163 : memref<1x128xf32, #tpu.memory_space<hbm>>) dst(%arg14 : memref<1x128xf32, #tpu.memory_space<vmem>>)
      %dma_start3A_164 = arith.constant 0 : i32
      %dma_start3A_165 = arith.constant 0 : i32
      %dma_start3A_166 = tpu.memref_slice %arg10[%dma_start3A_164, %dma_start3A_165] : memref<1x128xi32, #tpu.memory_space<vmem>> -> memref<1x128xi32, #tpu.memory_space<vmem>>
      %dma_start3A_167 = tpu.memref_squeeze %dma_start3A_166 : memref<1x128xi32, #tpu.memory_space<vmem>> -> memref<128xi32, #tpu.memory_space<vmem>>
      %dma_start3A_168 = arith.constant 0 : i32
      %dma_start3A_169 = arith.constant 0 : i32
      %dma_start3A_170 = tpu.memref_slice %arg5[%dma_start3A_168, %dma_start3A_169] : memref<10000x128xf32, #tpu.memory_space<hbm>> -> memref<10000x128xf32, #tpu.memory_space<hbm>>
      tpu.enqueue_indirect_dma source(%dma_start3A_170 : memref<10000x128xf32, #tpu.memory_space<hbm>>) target(%arg16 : memref<128x128xf32, #tpu.memory_space<vmem>>) offsets(%dma_start3A_167 : memref<128xi32, #tpu.memory_space<vmem>>) semaphore(%arg22 : memref<!tpu.dma_semaphore, #tpu.memory_space<semaphore_mem>>)
      %add3A_171 = arith.addi %select_n3A, %mul3A_139 : i32
      %add3A_172 = arith.constant 1 : i32
      %add3A_173 = arith.addi %add3A_171, %add3A_172 : i32
      %dma_start3A_174 = arith.constant 0 : i32
      %dma_start3A_175 = arith.constant 0 : i32
      %dma_start3A_176 = tpu.memref_slice %arg2[%add3A_173, %dma_start3A_174, %dma_start3A_175] : memref<2561x1x128xi32, #tpu.memory_space<hbm>> -> memref<1x1x128xi32, #tpu.memory_space<hbm>>
      %dma_start3A_177 = tpu.memref_squeeze %dma_start3A_176 : memref<1x1x128xi32, #tpu.memory_space<hbm>> -> memref<1x128xi32, #tpu.memory_space<hbm>>
      %dma_start3A_178 = arith.constant 0 : i32
      %dma_start3A_179 = arith.constant 0 : i32
      %dma_start3A_180 = tpu.memref_slice %arg2[%add3A_173, %dma_start3A_178, %dma_start3A_179] : memref<2561x1x128xi32, #tpu.memory_space<hbm>> -> memref<1x1x128xi32, #tpu.memory_space<hbm>>
      %dma_start3A_181 = tpu.memref_squeeze %dma_start3A_180 : memref<1x1x128xi32, #tpu.memory_space<hbm>> -> memref<1x128xi32, #tpu.memory_space<hbm>>
      tpu.enqueue_dma source(%dma_start3A_181 : memref<1x128xi32, #tpu.memory_space<hbm>>) target(%arg11 : memref<1x128xi32, #tpu.memory_space<vmem>>) target_semaphore(%arg25 : memref<!tpu.dma_semaphore, #tpu.memory_space<semaphore_mem>>)
      %add3A_182 = arith.addi %select_n3A, %mul3A_139 : i32
      %add3A_183 = arith.constant 1 : i32
      %add3A_184 = arith.addi %add3A_182, %add3A_183 : i32
      %dma_start3A_185 = arith.constant 0 : i32
      %dma_start3A_186 = arith.constant 0 : i32
      %dma_start3A_187 = tpu.memref_slice %arg3[%add3A_184, %dma_start3A_185, %dma_start3A_186] : memref<2561x1x128xi32, #tpu.memory_space<hbm>> -> memref<1x1x128xi32, #tpu.memory_space<hbm>>
      %dma_start3A_188 = tpu.memref_squeeze %dma_start3A_187 : memref<1x1x128xi32, #tpu.memory_space<hbm>> -> memref<1x128xi32, #tpu.memory_space<hbm>>
      %dma_start3A_189 = arith.constant 0 : i32
      %dma_start3A_190 = arith.constant 0 : i32
      %dma_start3A_191 = tpu.memref_slice %arg3[%add3A_184, %dma_start3A_189, %dma_start3A_190] : memref<2561x1x128xi32, #tpu.memory_space<hbm>> -> memref<1x1x128xi32, #tpu.memory_space<hbm>>
      %dma_start3A_192 = tpu.memref_squeeze %dma_start3A_191 : memref<1x1x128xi32, #tpu.memory_space<hbm>> -> memref<1x128xi32, #tpu.memory_space<hbm>>
      tpu.enqueue_dma source(%dma_start3A_192 : memref<1x128xi32, #tpu.memory_space<hbm>>) target(%arg13 : memref<1x128xi32, #tpu.memory_space<vmem>>) target_semaphore(%arg25 : memref<!tpu.dma_semaphore, #tpu.memory_space<semaphore_mem>>)
      %add3A_193 = arith.addi %select_n3A, %mul3A_139 : i32
      %add3A_194 = arith.constant 1 : i32
      %add3A_195 = arith.addi %add3A_193, %add3A_194 : i32
      %dma_start3A_196 = arith.constant 0 : i32
      %dma_start3A_197 = arith.constant 0 : i32
      %dma_start3A_198 = tpu.memref_slice %arg4[%add3A_195, %dma_start3A_196, %dma_start3A_197] : memref<2561x1x128xf32, #tpu.memory_space<hbm>> -> memref<1x1x128xf32, #tpu.memory_space<hbm>>
      %dma_start3A_199 = tpu.memref_squeeze %dma_start3A_198 : memref<1x1x128xf32, #tpu.memory_space<hbm>> -> memref<1x128xf32, #tpu.memory_space<hbm>>
      %dma_start3A_200 = arith.constant 0 : i32
      %dma_start3A_201 = arith.constant 0 : i32
      %dma_start3A_202 = tpu.memref_slice %arg4[%add3A_195, %dma_start3A_200, %dma_start3A_201] : memref<2561x1x128xf32, #tpu.memory_space<hbm>> -> memref<1x1x128xf32, #tpu.memory_space<hbm>>
      %dma_start3A_203 = tpu.memref_squeeze %dma_start3A_202 : memref<1x1x128xf32, #tpu.memory_space<hbm>> -> memref<1x128xf32, #tpu.memory_space<hbm>>
      tpu.enqueue_dma source(%dma_start3A_203 : memref<1x128xf32, #tpu.memory_space<hbm>>) target(%arg15 : memref<1x128xf32, #tpu.memory_space<vmem>>) target_semaphore(%arg25 : memref<!tpu.dma_semaphore, #tpu.memory_space<semaphore_mem>>)
      %get3A = arith.constant 0 : i32
      %get3A_204 = arith.index_cast %get3A : i32 to index
      %get3A_205 = arith.constant 0 : index
      %get3A_206 = tpu.vector_load %arg14[%get3A_204, %get3A_205] {strides = array<i32>} : memref<1x128xf32, #tpu.memory_space<vmem>>, vector<1x16xf32>,
      %get3A_207 = vector.shape_cast %get3A_206 : vector<1x16xf32> to vector<16xf32>
      %get3A_208 = arith.constant 0 : i32
      %get3A_209 = arith.index_cast %get3A_208 : i32 to index
      %get3A_210 = arith.constant 0 : index
      %get3A_211 = tpu.vector_load %arg12[%get3A_209, %get3A_210] {strides = array<i32>} : memref<1x128xi32, #tpu.memory_space<vmem>>, vector<1x16xi32>,
      %get3A_212 = vector.shape_cast %get3A_211 : vector<1x16xi32> to vector<16xi32>
      %shift_right_arithmetic3A = arith.constant 10 : i32
      %shift_right_arithmetic3A_213 = vector.broadcast %shift_right_arithmetic3A : i32 to vector<16xi32>
      %shift_right_arithmetic3A_214 = arith.shrsi %get3A_212, %shift_right_arithmetic3A_213 : vector<16xi32>
      %shift_left3A = arith.constant 11 : i32
      %shift_left3A_215 = vector.broadcast %shift_left3A : i32 to vector<16xi32>
      %shift_left3A_216 = arith.shli %shift_right_arithmetic3A_214, %shift_left3A_215 : vector<16xi32>
      %and3A = arith.constant 1023 : i32
      %and3A_217 = vector.broadcast %and3A : i32 to vector<16xi32>
      %and3A_218 = arith.andi %get3A_212, %and3A_217 : vector<16xi32>
      %add3A_219 = arith.addi %shift_left3A_216, %and3A_218 : vector<16xi32>
      %max3A = arith.constant 0.000000e+00 : f32
      %max3A_220 = vector.broadcast %max3A : f32 to vector<16xf32>
      %max3A_221 = arith.maximumf %get3A_207, %max3A_220 : vector<16xf32>
      %swap3A = arith.constant 0 : i32
      %swap3A_222 = arith.index_cast %swap3A : i32 to index
      %swap3A_223 = arith.constant 0 : index
      %swap3A_224 = tpu.vector_load %arg18[%swap3A_222, %swap3A_223] {strides = array<i32>} : memref<2x128xf32, #tpu.memory_space<vmem>>, vector<1x16xf32>,
      %swap3A_225 = vector.shape_cast %swap3A_224 : vector<1x16xf32> to vector<16xf32>
      %swap3A_226 = vector.shape_cast %max3A_221 : vector<16xf32> to vector<1x16xf32>
      tpu.vector_store %arg18[%swap3A_222, %swap3A_223], %swap3A_226 {strides = array<i32>} : memref<2x128xf32, #tpu.memory_space<vmem>>, vector<1x16xf32>,
      %neg3A = arith.constant 0.000000e+00 : f32
      %neg3A_227 = vector.broadcast %neg3A : f32 to vector<16xf32>
      %neg3A_228 = arith.subf %neg3A_227, %get3A_207 : vector<16xf32>
      %max3A_229 = arith.constant 0.000000e+00 : f32
      %max3A_230 = vector.broadcast %max3A_229 : f32 to vector<16xf32>
      %max3A_231 = arith.maximumf %neg3A_228, %max3A_230 : vector<16xf32>
      %swap3A_232 = arith.constant 1 : i32
      %swap3A_233 = arith.index_cast %swap3A_232 : i32 to index
      %swap3A_234 = arith.constant 0 : index
      %swap3A_235 = tpu.vector_load %arg18[%swap3A_233, %swap3A_234] {strides = array<i32>} : memref<2x128xf32, #tpu.memory_space<vmem>>, vector<1x16xf32>,
      %swap3A_236 = vector.shape_cast %swap3A_235 : vector<1x16xf32> to vector<16xf32>
      %swap3A_237 = vector.shape_cast %max3A_231 : vector<16xf32> to vector<1x16xf32>
      tpu.vector_store %arg18[%swap3A_233, %swap3A_234], %swap3A_237 {strides = array<i32>} : memref<2x128xf32, #tpu.memory_space<vmem>>, vector<1x16xf32>,
      %swap3A_238 = arith.constant 0 : i32
      %swap3A_239 = arith.index_cast %swap3A_238 : i32 to index
      %swap3A_240 = arith.constant 0 : index
      %swap3A_241 = tpu.vector_load %arg19[%swap3A_239, %swap3A_240] {strides = array<i32>} : memref<2x128xi32, #tpu.memory_space<vmem>>, vector<1x16xi32>,
      %swap3A_242 = vector.shape_cast %swap3A_241 : vector<1x16xi32> to vector<16xi32>
      %swap3A_243 = vector.shape_cast %add3A_219 : vector<16xi32> to vector<1x16xi32>
      tpu.vector_store %arg19[%swap3A_239, %swap3A_240], %swap3A_243 {strides = array<i32>} : memref<2x128xi32, #tpu.memory_space<vmem>>, vector<1x16xi32>,
      %add3A_244 = arith.constant 1024 : i32
      %add3A_245 = vector.broadcast %add3A_244 : i32 to vector<16xi32>
      %add3A_246 = arith.addi %add3A_219, %add3A_245 : vector<16xi32>
      %swap3A_247 = arith.constant 1 : i32
      %swap3A_248 = arith.index_cast %swap3A_247 : i32 to index
      %swap3A_249 = arith.constant 0 : index
      %swap3A_250 = tpu.vector_load %arg19[%swap3A_248, %swap3A_249] {strides = array<i32>} : memref<2x128xi32, #tpu.memory_space<vmem>>, vector<1x16xi32>,
      %swap3A_251 = vector.shape_cast %swap3A_250 : vector<1x16xi32> to vector<16xi32>
      %swap3A_252 = vector.shape_cast %add3A_246 : vector<16xi32> to vector<1x16xi32>
      tpu.vector_store %arg19[%swap3A_248, %swap3A_249], %swap3A_252 {strides = array<i32>} : memref<2x128xi32, #tpu.memory_space<vmem>>, vector<1x16xi32>,
      %get3A_253 = arith.constant 0 : i32
      %get3A_254 = arith.index_cast %get3A_253 : i32 to index
      %get3A_255 = arith.constant 16 : index
      %get3A_256 = tpu.vector_load %arg14[%get3A_254, %get3A_255] {strides = array<i32>} : memref<1x128xf32, #tpu.memory_space<vmem>>, vector<1x16xf32>,
      %get3A_257 = vector.shape_cast %get3A_256 : vector<1x16xf32> to vector<16xf32>
      %get3A_258 = arith.constant 0 : i32
      %get3A_259 = arith.index_cast %get3A_258 : i32 to index
      %get3A_260 = arith.constant 16 : index
      %get3A_261 = tpu.vector_load %arg12[%get3A_259, %get3A_260] {strides = array<i32>} : memref<1x128xi32, #tpu.memory_space<vmem>>, vector<1x16xi32>,
      %get3A_262 = vector.shape_cast %get3A_261 : vector<1x16xi32> to vector<16xi32>
      %shift_right_arithmetic3A_263 = arith.constant 10 : i32
      %shift_right_arithmetic3A_264 = vector.broadcast %shift_right_arithmetic3A_263 : i32 to vector<16xi32>
      %shift_right_arithmetic3A_265 = arith.shrsi %get3A_262, %shift_right_arithmetic3A_264 : vector<16xi32>
      %shift_left3A_266 = arith.constant 11 : i32
      %shift_left3A_267 = vector.broadcast %shift_left3A_266 : i32 to vector<16xi32>
      %shift_left3A_268 = arith.shli %shift_right_arithmetic3A_265, %shift_left3A_267 : vector<16xi32>
      %and3A_269 = arith.constant 1023 : i32
      %and3A_270 = vector.broadcast %and3A_269 : i32 to vector<16xi32>
      %and3A_271 = arith.andi %get3A_262, %and3A_270 : vector<16xi32>
      %add3A_272 = arith.addi %shift_left3A_268, %and3A_271 : vector<16xi32>
      %max3A_273 = arith.constant 0.000000e+00 : f32
      %max3A_274 = vector.broadcast %max3A_273 : f32 to vector<16xf32>
      %max3A_275 = arith.maximumf %get3A_257, %max3A_274 : vector<16xf32>
      %swap3A_276 = arith.constant 0 : i32
      %swap3A_277 = arith.index_cast %swap3A_276 : i32 to index
      %swap3A_278 = arith.constant 16 : index
      %swap3A_279 = tpu.vector_load %arg18[%swap3A_277, %swap3A_278] {strides = array<i32>} : memref<2x128xf32, #tpu.memory_space<vmem>>, vector<1x16xf32>,
      %swap3A_280 = vector.shape_cast %swap3A_279 : vector<1x16xf32> to vector<16xf32>
      %swap3A_281 = vector.shape_cast %max3A_275 : vector<16xf32> to vector<1x16xf32>
      tpu.vector_store %arg18[%swap3A_277, %swap3A_278], %swap3A_281 {strides = array<i32>} : memref<2x128xf32, #tpu.memory_space<vmem>>, vector<1x16xf32>,
      %neg3A_282 = arith.constant 0.000000e+00 : f32
      %neg3A_283 = vector.broadcast %neg3A_282 : f32 to vector<16xf32>
      %neg3A_284 = arith.subf %neg3A_283, %get3A_257 : vector<16xf32>
      %max3A_285 = arith.constant 0.000000e+00 : f32
      %max3A_286 = vector.broadcast %max3A_285 : f32 to vector<16xf32>
      %max3A_287 = arith.maximumf %neg3A_284, %max3A_286 : vector<16xf32>
      %swap3A_288 = arith.constant 1 : i32
      %swap3A_289 = arith.index_cast %swap3A_288 : i32 to index
      %swap3A_290 = arith.constant 16 : index
      %swap3A_291 = tpu.vector_load %arg18[%swap3A_289, %swap3A_290] {strides = array<i32>} : memref<2x128xf32, #tpu.memory_space<vmem>>, vector<1x16xf32>,
      %swap3A_292 = vector.shape_cast %swap3A_291 : vector<1x16xf32> to vector<16xf32>
      %swap3A_293 = vector.shape_cast %max3A_287 : vector<16xf32> to vector<1x16xf32>
      tpu.vector_store %arg18[%swap3A_289, %swap3A_290], %swap3A_293 {strides = array<i32>} : memref<2x128xf32, #tpu.memory_space<vmem>>, vector<1x16xf32>,
      %swap3A_294 = arith.constant 0 : i32
      %swap3A_295 = arith.index_cast %swap3A_294 : i32 to index
      %swap3A_296 = arith.constant 16 : index
      %swap3A_297 = tpu.vector_load %arg19[%swap3A_295, %swap3A_296] {strides = array<i32>} : memref<2x128xi32, #tpu.memory_space<vmem>>, vector<1x16xi32>,
      %swap3A_298 = vector.shape_cast %swap3A_297 : vector<1x16xi32> to vector<16xi32>
      %swap3A_299 = vector.shape_cast %add3A_272 : vector<16xi32> to vector<1x16xi32>
      tpu.vector_store %arg19[%swap3A_295, %swap3A_296], %swap3A_299 {strides = array<i32>} : memref<2x128xi32, #tpu.memory_space<vmem>>, vector<1x16xi32>,
      %add3A_300 = arith.constant 1024 : i32
      %add3A_301 = vector.broadcast %add3A_300 : i32 to vector<16xi32>
      %add3A_302 = arith.addi %add3A_272, %add3A_301 : vector<16xi32>
      %swap3A_303 = arith.constant 1 : i32
      %swap3A_304 = arith.index_cast %swap3A_303 : i32 to index
      %swap3A_305 = arith.constant 16 : index
      %swap3A_306 = tpu.vector_load %arg19[%swap3A_304, %swap3A_305] {strides = array<i32>} : memref<2x128xi32, #tpu.memory_space<vmem>>, vector<1x16xi32>,
      %swap3A_307 = vector.shape_cast %swap3A_306 : vector<1x16xi32> to vector<16xi32>
      %swap3A_308 = vector.shape_cast %add3A_302 : vector<16xi32> to vector<1x16xi32>
      tpu.vector_store %arg19[%swap3A_304, %swap3A_305], %swap3A_308 {strides = array<i32>} : memref<2x128xi32, #tpu.memory_space<vmem>>, vector<1x16xi32>,
      %get3A_309 = arith.constant 0 : i32
      %get3A_310 = arith.index_cast %get3A_309 : i32 to index
      %get3A_311 = arith.constant 32 : index
      %get3A_312 = tpu.vector_load %arg14[%get3A_310, %get3A_311] {strides = array<i32>} : memref<1x128xf32, #tpu.memory_space<vmem>>, vector<1x16xf32>,
      %get3A_313 = vector.shape_cast %get3A_312 : vector<1x16xf32> to vector<16xf32>
      %get3A_314 = arith.constant 0 : i32
      %get3A_315 = arith.index_cast %get3A_314 : i32 to index
      %get3A_316 = arith.constant 32 : index
      %get3A_317 = tpu.vector_load %arg12[%get3A_315, %get3A_316] {strides = array<i32>} : memref<1x128xi32, #tpu.memory_space<vmem>>, vector<1x16xi32>,
      %get3A_318 = vector.shape_cast %get3A_317 : vector<1x16xi32> to vector<16xi32>
      %shift_right_arithmetic3A_319 = arith.constant 10 : i32
      %shift_right_arithmetic3A_320 = vector.broadcast %shift_right_arithmetic3A_319 : i32 to vector<16xi32>
      %shift_right_arithmetic3A_321 = arith.shrsi %get3A_318, %shift_right_arithmetic3A_320 : vector<16xi32>
      %shift_left3A_322 = arith.constant 11 : i32
      %shift_left3A_323 = vector.broadcast %shift_left3A_322 : i32 to vector<16xi32>
      %shift_left3A_324 = arith.shli %shift_right_arithmetic3A_321, %shift_left3A_323 : vector<16xi32>
      %and3A_325 = arith.constant 1023 : i32
      %and3A_326 = vector.broadcast %and3A_325 : i32 to vector<16xi32>
      %and3A_327 = arith.andi %get3A_318, %and3A_326 : vector<16xi32>
      %add3A_328 = arith.addi %shift_left3A_324, %and3A_327 : vector<16xi32>
      %max3A_329 = arith.constant 0.000000e+00 : f32
      %max3A_330 = vector.broadcast %max3A_329 : f32 to vector<16xf32>
      %max3A_331 = arith.maximumf %get3A_313, %max3A_330 : vector<16xf32>
      %swap3A_332 = arith.constant 0 : i32
      %swap3A_333 = arith.index_cast %swap3A_332 : i32 to index
      %swap3A_334 = arith.constant 32 : index
      %swap3A_335 = tpu.vector_load %arg18[%swap3A_333, %swap3A_334] {strides = array<i32>} : memref<2x128xf32, #tpu.memory_space<vmem>>, vector<1x16xf32>,
      %swap3A_336 = vector.shape_cast %swap3A_335 : vector<1x16xf32> to vector<16xf32>
      %swap3A_337 = vector.shape_cast %max3A_331 : vector<16xf32> to vector<1x16xf32>
      tpu.vector_store %arg18[%swap3A_333, %swap3A_334], %swap3A_337 {strides = array<i32>} : memref<2x128xf32, #tpu.memory_space<vmem>>, vector<1x16xf32>,
      %neg3A_338 = arith.constant 0.000000e+00 : f32
      %neg3A_339 = vector.broadcast %neg3A_338 : f32 to vector<16xf32>
      %neg3A_340 = arith.subf %neg3A_339, %get3A_313 : vector<16xf32>
      %max3A_341 = arith.constant 0.000000e+00 : f32
      %max3A_342 = vector.broadcast %max3A_341 : f32 to vector<16xf32>
      %max3A_343 = arith.maximumf %neg3A_340, %max3A_342 : vector<16xf32>
      %swap3A_344 = arith.constant 1 : i32
      %swap3A_345 = arith.index_cast %swap3A_344 : i32 to index
      %swap3A_346 = arith.constant 32 : index
      %swap3A_347 = tpu.vector_load %arg18[%swap3A_345, %swap3A_346] {strides = array<i32>} : memref<2x128xf32, #tpu.memory_space<vmem>>, vector<1x16xf32>,
      %swap3A_348 = vector.shape_cast %swap3A_347 : vector<1x16xf32> to vector<16xf32>
      %swap3A_349 = vector.shape_cast %max3A_343 : vector<16xf32> to vector<1x16xf32>
      tpu.vector_store %arg18[%swap3A_345, %swap3A_346], %swap3A_349 {strides = array<i32>} : memref<2x128xf32, #tpu.memory_space<vmem>>, vector<1x16xf32>,
      %swap3A_350 = arith.constant 0 : i32
      %swap3A_351 = arith.index_cast %swap3A_350 : i32 to index
      %swap3A_352 = arith.constant 32 : index
      %swap3A_353 = tpu.vector_load %arg19[%swap3A_351, %swap3A_352] {strides = array<i32>} : memref<2x128xi32, #tpu.memory_space<vmem>>, vector<1x16xi32>,
      %swap3A_354 = vector.shape_cast %swap3A_353 : vector<1x16xi32> to vector<16xi32>
      %swap3A_355 = vector.shape_cast %add3A_328 : vector<16xi32> to vector<1x16xi32>
      tpu.vector_store %arg19[%swap3A_351, %swap3A_352], %swap3A_355 {strides = array<i32>} : memref<2x128xi32, #tpu.memory_space<vmem>>, vector<1x16xi32>,
      %add3A_356 = arith.constant 1024 : i32
      %add3A_357 = vector.broadcast %add3A_356 : i32 to vector<16xi32>
      %add3A_358 = arith.addi %add3A_328, %add3A_357 : vector<16xi32>
      %swap3A_359 = arith.constant 1 : i32
      %swap3A_360 = arith.index_cast %swap3A_359 : i32 to index
      %swap3A_361 = arith.constant 32 : index
      %swap3A_362 = tpu.vector_load %arg19[%swap3A_360, %swap3A_361] {strides = array<i32>} : memref<2x128xi32, #tpu.memory_space<vmem>>, vector<1x16xi32>,
      %swap3A_363 = vector.shape_cast %swap3A_362 : vector<1x16xi32> to vector<16xi32>
      %swap3A_364 = vector.shape_cast %add3A_358 : vector<16xi32> to vector<1x16xi32>
      tpu.vector_store %arg19[%swap3A_360, %swap3A_361], %swap3A_364 {strides = array<i32>} : memref<2x128xi32, #tpu.memory_space<vmem>>, vector<1x16xi32>,
      %get3A_365 = arith.constant 0 : i32
      %get3A_366 = arith.index_cast %get3A_365 : i32 to index
      %get3A_367 = arith.constant 48 : index
      %get3A_368 = tpu.vector_load %arg14[%get3A_366, %get3A_367] {strides = array<i32>} : memref<1x128xf32, #tpu.memory_space<vmem>>, vector<1x16xf32>,
      %get3A_369 = vector.shape_cast %get3A_368 : vector<1x16xf32> to vector<16xf32>
      %get3A_370 = arith.constant 0 : i32
      %get3A_371 = arith.index_cast %get3A_370 : i32 to index
      %get3A_372 = arith.constant 48 : index
      %get3A_373 = tpu.vector_load %arg12[%get3A_371, %get3A_372] {strides = array<i32>} : memref<1x128xi32, #tpu.memory_space<vmem>>, vector<1x16xi32>,
      %get3A_374 = vector.shape_cast %get3A_373 : vector<1x16xi32> to vector<16xi32>
      %shift_right_arithmetic3A_375 = arith.constant 10 : i32
      %shift_right_arithmetic3A_376 = vector.broadcast %shift_right_arithmetic3A_375 : i32 to vector<16xi32>
      %shift_right_arithmetic3A_377 = arith.shrsi %get3A_374, %shift_right_arithmetic3A_376 : vector<16xi32>
      %shift_left3A_378 = arith.constant 11 : i32
      %shift_left3A_379 = vector.broadcast %shift_left3A_378 : i32 to vector<16xi32>
      %shift_left3A_380 = arith.shli %shift_right_arithmetic3A_377, %shift_left3A_379 : vector<16xi32>
      %and3A_381 = arith.constant 1023 : i32
      %and3A_382 = vector.broadcast %and3A_381 : i32 to vector<16xi32>
      %and3A_383 = arith.andi %get3A_374, %and3A_382 : vector<16xi32>
      %add3A_384 = arith.addi %shift_left3A_380, %and3A_383 : vector<16xi32>
      %max3A_385 = arith.constant 0.000000e+00 : f32
      %max3A_386 = vector.broadcast %max3A_385 : f32 to vector<16xf32>
      %max3A_387 = arith.maximumf %get3A_369, %max3A_386 : vector<16xf32>
      %swap3A_388 = arith.constant 0 : i32
      %swap3A_389 = arith.index_cast %swap3A_388 : i32 to index
      %swap3A_390 = arith.constant 48 : index
      %swap3A_391 = tpu.vector_load %arg18[%swap3A_389, %swap3A_390] {strides = array<i32>} : memref<2x128xf32, #tpu.memory_space<vmem>>, vector<1x16xf32>,
      %swap3A_392 = vector.shape_cast %swap3A_391 : vector<1x16xf32> to vector<16xf32>
      %swap3A_393 = vector.shape_cast %max3A_387 : vector<16xf32> to vector<1x16xf32>
      tpu.vector_store %arg18[%swap3A_389, %swap3A_390], %swap3A_393 {strides = array<i32>} : memref<2x128xf32, #tpu.memory_space<vmem>>, vector<1x16xf32>,
      %neg3A_394 = arith.constant 0.000000e+00 : f32
      %neg3A_395 = vector.broadcast %neg3A_394 : f32 to vector<16xf32>
      %neg3A_396 = arith.subf %neg3A_395, %get3A_369 : vector<16xf32>
      %max3A_397 = arith.constant 0.000000e+00 : f32
      %max3A_398 = vector.broadcast %max3A_397 : f32 to vector<16xf32>
      %max3A_399 = arith.maximumf %neg3A_396, %max3A_398 : vector<16xf32>
      %swap3A_400 = arith.constant 1 : i32
      %swap3A_401 = arith.index_cast %swap3A_400 : i32 to index
      %swap3A_402 = arith.constant 48 : index
      %swap3A_403 = tpu.vector_load %arg18[%swap3A_401, %swap3A_402] {strides = array<i32>} : memref<2x128xf32, #tpu.memory_space<vmem>>, vector<1x16xf32>,
      %swap3A_404 = vector.shape_cast %swap3A_403 : vector<1x16xf32> to vector<16xf32>
      %swap3A_405 = vector.shape_cast %max3A_399 : vector<16xf32> to vector<1x16xf32>
      tpu.vector_store %arg18[%swap3A_401, %swap3A_402], %swap3A_405 {strides = array<i32>} : memref<2x128xf32, #tpu.memory_space<vmem>>, vector<1x16xf32>,
      %swap3A_406 = arith.constant 0 : i32
      %swap3A_407 = arith.index_cast %swap3A_406 : i32 to index
      %swap3A_408 = arith.constant 48 : index
      %swap3A_409 = tpu.vector_load %arg19[%swap3A_407, %swap3A_408] {strides = array<i32>} : memref<2x128xi32, #tpu.memory_space<vmem>>, vector<1x16xi32>,
      %swap3A_410 = vector.shape_cast %swap3A_409 : vector<1x16xi32> to vector<16xi32>
      %swap3A_411 = vector.shape_cast %add3A_384 : vector<16xi32> to vector<1x16xi32>
      tpu.vector_store %arg19[%swap3A_407, %swap3A_408], %swap3A_411 {strides = array<i32>} : memref<2x128xi32, #tpu.memory_space<vmem>>, vector<1x16xi32>,
      %add3A_412 = arith.constant 1024 : i32
      %add3A_413 = vector.broadcast %add3A_412 : i32 to vector<16xi32>
      %add3A_414 = arith.addi %add3A_384, %add3A_413 : vector<16xi32>
      %swap3A_415 = arith.constant 1 : i32
      %swap3A_416 = arith.index_cast %swap3A_415 : i32 to index
      %swap3A_417 = arith.constant 48 : index
      %swap3A_418 = tpu.vector_load %arg19[%swap3A_416, %swap3A_417] {strides = array<i32>} : memref<2x128xi32, #tpu.memory_space<vmem>>, vector<1x16xi32>,
      %swap3A_419 = vector.shape_cast %swap3A_418 : vector<1x16xi32> to vector<16xi32>
      %swap3A_420 = vector.shape_cast %add3A_414 : vector<16xi32> to vector<1x16xi32>
      tpu.vector_store %arg19[%swap3A_416, %swap3A_417], %swap3A_420 {strides = array<i32>} : memref<2x128xi32, #tpu.memory_space<vmem>>, vector<1x16xi32>,
      %get3A_421 = arith.constant 0 : i32
      %get3A_422 = arith.index_cast %get3A_421 : i32 to index
      %get3A_423 = arith.constant 64 : index
      %get3A_424 = tpu.vector_load %arg14[%get3A_422, %get3A_423] {strides = array<i32>} : memref<1x128xf32, #tpu.memory_space<vmem>>, vector<1x16xf32>,
      %get3A_425 = vector.shape_cast %get3A_424 : vector<1x16xf32> to vector<16xf32>
      %get3A_426 = arith.constant 0 : i32
      %get3A_427 = arith.index_cast %get3A_426 : i32 to index
      %get3A_428 = arith.constant 64 : index
      %get3A_429 = tpu.vector_load %arg12[%get3A_427, %get3A_428] {strides = array<i32>} : memref<1x128xi32, #tpu.memory_space<vmem>>, vector<1x16xi32>,
      %get3A_430 = vector.shape_cast %get3A_429 : vector<1x16xi32> to vector<16xi32>
      %shift_right_arithmetic3A_431 = arith.constant 10 : i32
      %shift_right_arithmetic3A_432 = vector.broadcast %shift_right_arithmetic3A_431 : i32 to vector<16xi32>
      %shift_right_arithmetic3A_433 = arith.shrsi %get3A_430, %shift_right_arithmetic3A_432 : vector<16xi32>
      %shift_left3A_434 = arith.constant 11 : i32
      %shift_left3A_435 = vector.broadcast %shift_left3A_434 : i32 to vector<16xi32>
      %shift_left3A_436 = arith.shli %shift_right_arithmetic3A_433, %shift_left3A_435 : vector<16xi32>
      %and3A_437 = arith.constant 1023 : i32
      %and3A_438 = vector.broadcast %and3A_437 : i32 to vector<16xi32>
      %and3A_439 = arith.andi %get3A_430, %and3A_438 : vector<16xi32>
      %add3A_440 = arith.addi %shift_left3A_436, %and3A_439 : vector<16xi32>
      %max3A_441 = arith.constant 0.000000e+00 : f32
      %max3A_442 = vector.broadcast %max3A_441 : f32 to vector<16xf32>
      %max3A_443 = arith.maximumf %get3A_425, %max3A_442 : vector<16xf32>
      %swap3A_444 = arith.constant 0 : i32
      %swap3A_445 = arith.index_cast %swap3A_444 : i32 to index
      %swap3A_446 = arith.constant 64 : index
      %swap3A_447 = tpu.vector_load %arg18[%swap3A_445, %swap3A_446] {strides = array<i32>} : memref<2x128xf32, #tpu.memory_space<vmem>>, vector<1x16xf32>,
      %swap3A_448 = vector.shape_cast %swap3A_447 : vector<1x16xf32> to vector<16xf32>
      %swap3A_449 = vector.shape_cast %max3A_443 : vector<16xf32> to vector<1x16xf32>
      tpu.vector_store %arg18[%swap3A_445, %swap3A_446], %swap3A_449 {strides = array<i32>} : memref<2x128xf32, #tpu.memory_space<vmem>>, vector<1x16xf32>,
      %neg3A_450 = arith.constant 0.000000e+00 : f32
      %neg3A_451 = vector.broadcast %neg3A_450 : f32 to vector<16xf32>
      %neg3A_452 = arith.subf %neg3A_451, %get3A_425 : vector<16xf32>
      %max3A_453 = arith.constant 0.000000e+00 : f32
      %max3A_454 = vector.broadcast %max3A_453 : f32 to vector<16xf32>
      %max3A_455 = arith.maximumf %neg3A_452, %max3A_454 : vector<16xf32>
      %swap3A_456 = arith.constant 1 : i32
      %swap3A_457 = arith.index_cast %swap3A_456 : i32 to index
      %swap3A_458 = arith.constant 64 : index
      %swap3A_459 = tpu.vector_load %arg18[%swap3A_457, %swap3A_458] {strides = array<i32>} : memref<2x128xf32, #tpu.memory_space<vmem>>, vector<1x16xf32>,
      %swap3A_460 = vector.shape_cast %swap3A_459 : vector<1x16xf32> to vector<16xf32>
      %swap3A_461 = vector.shape_cast %max3A_455 : vector<16xf32> to vector<1x16xf32>
      tpu.vector_store %arg18[%swap3A_457, %swap3A_458], %swap3A_461 {strides = array<i32>} : memref<2x128xf32, #tpu.memory_space<vmem>>, vector<1x16xf32>,
      %swap3A_462 = arith.constant 0 : i32
      %swap3A_463 = arith.index_cast %swap3A_462 : i32 to index
      %swap3A_464 = arith.constant 64 : index
      %swap3A_465 = tpu.vector_load %arg19[%swap3A_463, %swap3A_464] {strides = array<i32>} : memref<2x128xi32, #tpu.memory_space<vmem>>, vector<1x16xi32>,
      %swap3A_466 = vector.shape_cast %swap3A_465 : vector<1x16xi32> to vector<16xi32>
      %swap3A_467 = vector.shape_cast %add3A_440 : vector<16xi32> to vector<1x16xi32>
      tpu.vector_store %arg19[%swap3A_463, %swap3A_464], %swap3A_467 {strides = array<i32>} : memref<2x128xi32, #tpu.memory_space<vmem>>, vector<1x16xi32>,
      %add3A_468 = arith.constant 1024 : i32
      %add3A_469 = vector.broadcast %add3A_468 : i32 to vector<16xi32>
      %add3A_470 = arith.addi %add3A_440, %add3A_469 : vector<16xi32>
      %swap3A_471 = arith.constant 1 : i32
      %swap3A_472 = arith.index_cast %swap3A_471 : i32 to index
      %swap3A_473 = arith.constant 64 : index
      %swap3A_474 = tpu.vector_load %arg19[%swap3A_472, %swap3A_473] {strides = array<i32>} : memref<2x128xi32, #tpu.memory_space<vmem>>, vector<1x16xi32>,
      %swap3A_475 = vector.shape_cast %swap3A_474 : vector<1x16xi32> to vector<16xi32>
      %swap3A_476 = vector.shape_cast %add3A_470 : vector<16xi32> to vector<1x16xi32>
      tpu.vector_store %arg19[%swap3A_472, %swap3A_473], %swap3A_476 {strides = array<i32>} : memref<2x128xi32, #tpu.memory_space<vmem>>, vector<1x16xi32>,
      %get3A_477 = arith.constant 0 : i32
      %get3A_478 = arith.index_cast %get3A_477 : i32 to index
      %get3A_479 = arith.constant 80 : index
      %get3A_480 = tpu.vector_load %arg14[%get3A_478, %get3A_479] {strides = array<i32>} : memref<1x128xf32, #tpu.memory_space<vmem>>, vector<1x16xf32>,
      %get3A_481 = vector.shape_cast %get3A_480 : vector<1x16xf32> to vector<16xf32>
      %get3A_482 = arith.constant 0 : i32
      %get3A_483 = arith.index_cast %get3A_482 : i32 to index
      %get3A_484 = arith.constant 80 : index
      %get3A_485 = tpu.vector_load %arg12[%get3A_483, %get3A_484] {strides = array<i32>} : memref<1x128xi32, #tpu.memory_space<vmem>>, vector<1x16xi32>,
      %get3A_486 = vector.shape_cast %get3A_485 : vector<1x16xi32> to vector<16xi32>
      %shift_right_arithmetic3A_487 = arith.constant 10 : i32
      %shift_right_arithmetic3A_488 = vector.broadcast %shift_right_arithmetic3A_487 : i32 to vector<16xi32>
      %shift_right_arithmetic3A_489 = arith.shrsi %get3A_486, %shift_right_arithmetic3A_488 : vector<16xi32>
      %shift_left3A_490 = arith.constant 11 : i32
      %shift_left3A_491 = vector.broadcast %shift_left3A_490 : i32 to vector<16xi32>
      %shift_left3A_492 = arith.shli %shift_right_arithmetic3A_489, %shift_left3A_491 : vector<16xi32>
      %and3A_493 = arith.constant 1023 : i32
      %and3A_494 = vector.broadcast %and3A_493 : i32 to vector<16xi32>
      %and3A_495 = arith.andi %get3A_486, %and3A_494 : vector<16xi32>
      %add3A_496 = arith.addi %shift_left3A_492, %and3A_495 : vector<16xi32>
      %max3A_497 = arith.constant 0.000000e+00 : f32
      %max3A_498 = vector.broadcast %max3A_497 : f32 to vector<16xf32>
      %max3A_499 = arith.maximumf %get3A_481, %max3A_498 : vector<16xf32>
      %swap3A_500 = arith.constant 0 : i32
      %swap3A_501 = arith.index_cast %swap3A_500 : i32 to index
      %swap3A_502 = arith.constant 80 : index
      %swap3A_503 = tpu.vector_load %arg18[%swap3A_501, %swap3A_502] {strides = array<i32>} : memref<2x128xf32, #tpu.memory_space<vmem>>, vector<1x16xf32>,
      %swap3A_504 = vector.shape_cast %swap3A_503 : vector<1x16xf32> to vector<16xf32>
      %swap3A_505 = vector.shape_cast %max3A_499 : vector<16xf32> to vector<1x16xf32>
      tpu.vector_store %arg18[%swap3A_501, %swap3A_502], %swap3A_505 {strides = array<i32>} : memref<2x128xf32, #tpu.memory_space<vmem>>, vector<1x16xf32>,
      %neg3A_506 = arith.constant 0.000000e+00 : f32
      %neg3A_507 = vector.broadcast %neg3A_506 : f32 to vector<16xf32>
      %neg3A_508 = arith.subf %neg3A_507, %get3A_481 : vector<16xf32>
      %max3A_509 = arith.constant 0.000000e+00 : f32
      %max3A_510 = vector.broadcast %max3A_509 : f32 to vector<16xf32>
      %max3A_511 = arith.maximumf %neg3A_508, %max3A_510 : vector<16xf32>
      %swap3A_512 = arith.constant 1 : i32
      %swap3A_513 = arith.index_cast %swap3A_512 : i32 to index
      %swap3A_514 = arith.constant 80 : index
      %swap3A_515 = tpu.vector_load %arg18[%swap3A_513, %swap3A_514] {strides = array<i32>} : memref<2x128xf32, #tpu.memory_space<vmem>>, vector<1x16xf32>,
      %swap3A_516 = vector.shape_cast %swap3A_515 : vector<1x16xf32> to vector<16xf32>
      %swap3A_517 = vector.shape_cast %max3A_511 : vector<16xf32> to vector<1x16xf32>
      tpu.vector_store %arg18[%swap3A_513, %swap3A_514], %swap3A_517 {strides = array<i32>} : memref<2x128xf32, #tpu.memory_space<vmem>>, vector<1x16xf32>,
      %swap3A_518 = arith.constant 0 : i32
      %swap3A_519 = arith.index_cast %swap3A_518 : i32 to index
      %swap3A_520 = arith.constant 80 : index
      %swap3A_521 = tpu.vector_load %arg19[%swap3A_519, %swap3A_520] {strides = array<i32>} : memref<2x128xi32, #tpu.memory_space<vmem>>, vector<1x16xi32>,
      %swap3A_522 = vector.shape_cast %swap3A_521 : vector<1x16xi32> to vector<16xi32>
      %swap3A_523 = vector.shape_cast %add3A_496 : vector<16xi32> to vector<1x16xi32>
      tpu.vector_store %arg19[%swap3A_519, %swap3A_520], %swap3A_523 {strides = array<i32>} : memref<2x128xi32, #tpu.memory_space<vmem>>, vector<1x16xi32>,
      %add3A_524 = arith.constant 1024 : i32
      %add3A_525 = vector.broadcast %add3A_524 : i32 to vector<16xi32>
      %add3A_526 = arith.addi %add3A_496, %add3A_525 : vector<16xi32>
      %swap3A_527 = arith.constant 1 : i32
      %swap3A_528 = arith.index_cast %swap3A_527 : i32 to index
      %swap3A_529 = arith.constant 80 : index
      %swap3A_530 = tpu.vector_load %arg19[%swap3A_528, %swap3A_529] {strides = array<i32>} : memref<2x128xi32, #tpu.memory_space<vmem>>, vector<1x16xi32>,
      %swap3A_531 = vector.shape_cast %swap3A_530 : vector<1x16xi32> to vector<16xi32>
      %swap3A_532 = vector.shape_cast %add3A_526 : vector<16xi32> to vector<1x16xi32>
      tpu.vector_store %arg19[%swap3A_528, %swap3A_529], %swap3A_532 {strides = array<i32>} : memref<2x128xi32, #tpu.memory_space<vmem>>, vector<1x16xi32>,
      %get3A_533 = arith.constant 0 : i32
      %get3A_534 = arith.index_cast %get3A_533 : i32 to index
      %get3A_535 = arith.constant 96 : index
      %get3A_536 = tpu.vector_load %arg14[%get3A_534, %get3A_535] {strides = array<i32>} : memref<1x128xf32, #tpu.memory_space<vmem>>, vector<1x16xf32>,
      %get3A_537 = vector.shape_cast %get3A_536 : vector<1x16xf32> to vector<16xf32>
      %get3A_538 = arith.constant 0 : i32
      %get3A_539 = arith.index_cast %get3A_538 : i32 to index
      %get3A_540 = arith.constant 96 : index
      %get3A_541 = tpu.vector_load %arg12[%get3A_539, %get3A_540] {strides = array<i32>} : memref<1x128xi32, #tpu.memory_space<vmem>>, vector<1x16xi32>,
      %get3A_542 = vector.shape_cast %get3A_541 : vector<1x16xi32> to vector<16xi32>
      %shift_right_arithmetic3A_543 = arith.constant 10 : i32
      %shift_right_arithmetic3A_544 = vector.broadcast %shift_right_arithmetic3A_543 : i32 to vector<16xi32>
      %shift_right_arithmetic3A_545 = arith.shrsi %get3A_542, %shift_right_arithmetic3A_544 : vector<16xi32>
      %shift_left3A_546 = arith.constant 11 : i32
      %shift_left3A_547 = vector.broadcast %shift_left3A_546 : i32 to vector<16xi32>
      %shift_left3A_548 = arith.shli %shift_right_arithmetic3A_545, %shift_left3A_547 : vector<16xi32>
      %and3A_549 = arith.constant 1023 : i32
      %and3A_550 = vector.broadcast %and3A_549 : i32 to vector<16xi32>
      %and3A_551 = arith.andi %get3A_542, %and3A_550 : vector<16xi32>
      %add3A_552 = arith.addi %shift_left3A_548, %and3A_551 : vector<16xi32>
      %max3A_553 = arith.constant 0.000000e+00 : f32
      %max3A_554 = vector.broadcast %max3A_553 : f32 to vector<16xf32>
      %max3A_555 = arith.maximumf %get3A_537, %max3A_554 : vector<16xf32>
      %swap3A_556 = arith.constant 0 : i32
      %swap3A_557 = arith.index_cast %swap3A_556 : i32 to index
      %swap3A_558 = arith.constant 96 : index
      %swap3A_559 = tpu.vector_load %arg18[%swap3A_557, %swap3A_558] {strides = array<i32>} : memref<2x128xf32, #tpu.memory_space<vmem>>, vector<1x16xf32>,
      %swap3A_560 = vector.shape_cast %swap3A_559 : vector<1x16xf32> to vector<16xf32>
      %swap3A_561 = vector.shape_cast %max3A_555 : vector<16xf32> to vector<1x16xf32>
      tpu.vector_store %arg18[%swap3A_557, %swap3A_558], %swap3A_561 {strides = array<i32>} : memref<2x128xf32, #tpu.memory_space<vmem>>, vector<1x16xf32>,
      %neg3A_562 = arith.constant 0.000000e+00 : f32
      %neg3A_563 = vector.broadcast %neg3A_562 : f32 to vector<16xf32>
      %neg3A_564 = arith.subf %neg3A_563, %get3A_537 : vector<16xf32>
      %max3A_565 = arith.constant 0.000000e+00 : f32
      %max3A_566 = vector.broadcast %max3A_565 : f32 to vector<16xf32>
      %max3A_567 = arith.maximumf %neg3A_564, %max3A_566 : vector<16xf32>
      %swap3A_568 = arith.constant 1 : i32
      %swap3A_569 = arith.index_cast %swap3A_568 : i32 to index
      %swap3A_570 = arith.constant 96 : index
      %swap3A_571 = tpu.vector_load %arg18[%swap3A_569, %swap3A_570] {strides = array<i32>} : memref<2x128xf32, #tpu.memory_space<vmem>>, vector<1x16xf32>,
      %swap3A_572 = vector.shape_cast %swap3A_571 : vector<1x16xf32> to vector<16xf32>
      %swap3A_573 = vector.shape_cast %max3A_567 : vector<16xf32> to vector<1x16xf32>
      tpu.vector_store %arg18[%swap3A_569, %swap3A_570], %swap3A_573 {strides = array<i32>} : memref<2x128xf32, #tpu.memory_space<vmem>>, vector<1x16xf32>,
      %swap3A_574 = arith.constant 0 : i32
      %swap3A_575 = arith.index_cast %swap3A_574 : i32 to index
      %swap3A_576 = arith.constant 96 : index
      %swap3A_577 = tpu.vector_load %arg19[%swap3A_575, %swap3A_576] {strides = array<i32>} : memref<2x128xi32, #tpu.memory_space<vmem>>, vector<1x16xi32>,
      %swap3A_578 = vector.shape_cast %swap3A_577 : vector<1x16xi32> to vector<16xi32>
      %swap3A_579 = vector.shape_cast %add3A_552 : vector<16xi32> to vector<1x16xi32>
      tpu.vector_store %arg19[%swap3A_575, %swap3A_576], %swap3A_579 {strides = array<i32>} : memref<2x128xi32, #tpu.memory_space<vmem>>, vector<1x16xi32>,
      %add3A_580 = arith.constant 1024 : i32
      %add3A_581 = vector.broadcast %add3A_580 : i32 to vector<16xi32>
      %add3A_582 = arith.addi %add3A_552, %add3A_581 : vector<16xi32>
      %swap3A_583 = arith.constant 1 : i32
      %swap3A_584 = arith.index_cast %swap3A_583 : i32 to index
      %swap3A_585 = arith.constant 96 : index
      %swap3A_586 = tpu.vector_load %arg19[%swap3A_584, %swap3A_585] {strides = array<i32>} : memref<2x128xi32, #tpu.memory_space<vmem>>, vector<1x16xi32>,
      %swap3A_587 = vector.shape_cast %swap3A_586 : vector<1x16xi32> to vector<16xi32>
      %swap3A_588 = vector.shape_cast %add3A_582 : vector<16xi32> to vector<1x16xi32>
      tpu.vector_store %arg19[%swap3A_584, %swap3A_585], %swap3A_588 {strides = array<i32>} : memref<2x128xi32, #tpu.memory_space<vmem>>, vector<1x16xi32>,
      %get3A_589 = arith.constant 0 : i32
      %get3A_590 = arith.index_cast %get3A_589 : i32 to index
      %get3A_591 = arith.constant 112 : index
      %get3A_592 = tpu.vector_load %arg14[%get3A_590, %get3A_591] {strides = array<i32>} : memref<1x128xf32, #tpu.memory_space<vmem>>, vector<1x16xf32>,
      %get3A_593 = vector.shape_cast %get3A_592 : vector<1x16xf32> to vector<16xf32>
      %get3A_594 = arith.constant 0 : i32
      %get3A_595 = arith.index_cast %get3A_594 : i32 to index
      %get3A_596 = arith.constant 112 : index
      %get3A_597 = tpu.vector_load %arg12[%get3A_595, %get3A_596] {strides = array<i32>} : memref<1x128xi32, #tpu.memory_space<vmem>>, vector<1x16xi32>,
      %get3A_598 = vector.shape_cast %get3A_597 : vector<1x16xi32> to vector<16xi32>
      %shift_right_arithmetic3A_599 = arith.constant 10 : i32
      %shift_right_arithmetic3A_600 = vector.broadcast %shift_right_arithmetic3A_599 : i32 to vector<16xi32>
      %shift_right_arithmetic3A_601 = arith.shrsi %get3A_598, %shift_right_arithmetic3A_600 : vector<16xi32>
      %shift_left3A_602 = arith.constant 11 : i32
      %shift_left3A_603 = vector.broadcast %shift_left3A_602 : i32 to vector<16xi32>
      %shift_left3A_604 = arith.shli %shift_right_arithmetic3A_601, %shift_left3A_603 : vector<16xi32>
      %and3A_605 = arith.constant 1023 : i32
      %and3A_606 = vector.broadcast %and3A_605 : i32 to vector<16xi32>
      %and3A_607 = arith.andi %get3A_598, %and3A_606 : vector<16xi32>
      %add3A_608 = arith.addi %shift_left3A_604, %and3A_607 : vector<16xi32>
      %max3A_609 = arith.constant 0.000000e+00 : f32
      %max3A_610 = vector.broadcast %max3A_609 : f32 to vector<16xf32>
      %max3A_611 = arith.maximumf %get3A_593, %max3A_610 : vector<16xf32>
      %swap3A_612 = arith.constant 0 : i32
      %swap3A_613 = arith.index_cast %swap3A_612 : i32 to index
      %swap3A_614 = arith.constant 112 : index
      %swap3A_615 = tpu.vector_load %arg18[%swap3A_613, %swap3A_614] {strides = array<i32>} : memref<2x128xf32, #tpu.memory_space<vmem>>, vector<1x16xf32>,
      %swap3A_616 = vector.shape_cast %swap3A_615 : vector<1x16xf32> to vector<16xf32>
      %swap3A_617 = vector.shape_cast %max3A_611 : vector<16xf32> to vector<1x16xf32>
      tpu.vector_store %arg18[%swap3A_613, %swap3A_614], %swap3A_617 {strides = array<i32>} : memref<2x128xf32, #tpu.memory_space<vmem>>, vector<1x16xf32>,
      %neg3A_618 = arith.constant 0.000000e+00 : f32
      %neg3A_619 = vector.broadcast %neg3A_618 : f32 to vector<16xf32>
      %neg3A_620 = arith.subf %neg3A_619, %get3A_593 : vector<16xf32>
      %max3A_621 = arith.constant 0.000000e+00 : f32
      %max3A_622 = vector.broadcast %max3A_621 : f32 to vector<16xf32>
      %max3A_623 = arith.maximumf %neg3A_620, %max3A_622 : vector<16xf32>
      %swap3A_624 = arith.constant 1 : i32
      %swap3A_625 = arith.index_cast %swap3A_624 : i32 to index
      %swap3A_626 = arith.constant 112 : index
      %swap3A_627 = tpu.vector_load %arg18[%swap3A_625, %swap3A_626] {strides = array<i32>} : memref<2x128xf32, #tpu.memory_space<vmem>>, vector<1x16xf32>,
      %swap3A_628 = vector.shape_cast %swap3A_627 : vector<1x16xf32> to vector<16xf32>
      %swap3A_629 = vector.shape_cast %max3A_623 : vector<16xf32> to vector<1x16xf32>
      tpu.vector_store %arg18[%swap3A_625, %swap3A_626], %swap3A_629 {strides = array<i32>} : memref<2x128xf32, #tpu.memory_space<vmem>>, vector<1x16xf32>,
      %swap3A_630 = arith.constant 0 : i32
      %swap3A_631 = arith.index_cast %swap3A_630 : i32 to index
      %swap3A_632 = arith.constant 112 : index
      %swap3A_633 = tpu.vector_load %arg19[%swap3A_631, %swap3A_632] {strides = array<i32>} : memref<2x128xi32, #tpu.memory_space<vmem>>, vector<1x16xi32>,
      %swap3A_634 = vector.shape_cast %swap3A_633 : vector<1x16xi32> to vector<16xi32>
      %swap3A_635 = vector.shape_cast %add3A_608 : vector<16xi32> to vector<1x16xi32>
      tpu.vector_store %arg19[%swap3A_631, %swap3A_632], %swap3A_635 {strides = array<i32>} : memref<2x128xi32, #tpu.memory_space<vmem>>, vector<1x16xi32>,
      %add3A_636 = arith.constant 1024 : i32
      %add3A_637 = vector.broadcast %add3A_636 : i32 to vector<16xi32>
      %add3A_638 = arith.addi %add3A_608, %add3A_637 : vector<16xi32>
      %swap3A_639 = arith.constant 1 : i32
      %swap3A_640 = arith.index_cast %swap3A_639 : i32 to index
      %swap3A_641 = arith.constant 112 : index
      %swap3A_642 = tpu.vector_load %arg19[%swap3A_640, %swap3A_641] {strides = array<i32>} : memref<2x128xi32, #tpu.memory_space<vmem>>, vector<1x16xi32>,
      %swap3A_643 = vector.shape_cast %swap3A_642 : vector<1x16xi32> to vector<16xi32>
      %swap3A_644 = vector.shape_cast %add3A_638 : vector<16xi32> to vector<1x16xi32>
      tpu.vector_store %arg19[%swap3A_640, %swap3A_641], %swap3A_644 {strides = array<i32>} : memref<2x128xi32, #tpu.memory_space<vmem>>, vector<1x16xi32>,
      %run_scoped3A = arith.constant 0 : i32
      %run_scoped3A_645 = arith.constant 0 : i32
      "tpu.region"() ({
        %run_scoped3A_1184 = tpu.sem_alloc : memref<!tpu.dma_semaphore, #tpu.memory_space<semaphore_mem>>
        %dma_start3A_1185 = arith.constant 0 : i32
        %dma_start3A_1186 = tpu.memref_slice %arg18[%run_scoped3A, %dma_start3A_1185] : memref<2x128xf32, #tpu.memory_space<vmem>> -> memref<1x128xf32, #tpu.memory_space<vmem>>
        %dma_start3A_1187 = tpu.memref_squeeze %dma_start3A_1186 : memref<1x128xf32, #tpu.memory_space<vmem>> -> memref<128xf32, #tpu.memory_space<vmem>>
        %dma_start3A_1188 = arith.constant 0 : i32
        %dma_start3A_1189 = tpu.memref_slice %arg19[%run_scoped3A_645, %dma_start3A_1188] : memref<2x128xi32, #tpu.memory_space<vmem>> -> memref<1x128xi32, #tpu.memory_space<vmem>>
        %dma_start3A_1190 = tpu.memref_squeeze %dma_start3A_1189 : memref<1x128xi32, #tpu.memory_space<vmem>> -> memref<128xi32, #tpu.memory_space<vmem>>
        %dma_start3A_1191 = arith.constant 0 : i32
        %dma_start3A_1192 = tpu.memref_slice %arg21[%dma_start3A_1191] : memref<20480xf32, #tpu.memory_space<vmem_shared>> -> memref<20480xf32, #tpu.memory_space<vmem_shared>>
        tpu.enqueue_indirect_dma source(%dma_start3A_1187 : memref<128xf32, #tpu.memory_space<vmem>>) target(%dma_start3A_1192 : memref<20480xf32, #tpu.memory_space<vmem_shared>>) offsets(%dma_start3A_1190 : memref<128xi32, #tpu.memory_space<vmem>>) semaphore(%run_scoped3A_1184 : memref<!tpu.dma_semaphore, #tpu.memory_space<semaphore_mem>>) {add = true}
        %dma_wait3A_1193 = arith.constant 0 : i32
        %dma_wait3A_1194 = tpu.memref_slice %arg18[%run_scoped3A, %dma_wait3A_1193] : memref<2x128xf32, #tpu.memory_space<vmem>> -> memref<1x128xf32, #tpu.memory_space<vmem>>
        %dma_wait3A_1195 = tpu.memref_squeeze %dma_wait3A_1194 : memref<1x128xf32, #tpu.memory_space<vmem>> -> memref<128xf32, #tpu.memory_space<vmem>>
        %dma_wait3A_1196 = arith.constant 0 : i32
        %dma_wait3A_1197 = tpu.memref_slice %arg19[%run_scoped3A_645, %dma_wait3A_1196] : memref<2x128xi32, #tpu.memory_space<vmem>> -> memref<1x128xi32, #tpu.memory_space<vmem>>
        %dma_wait3A_1198 = tpu.memref_squeeze %dma_wait3A_1197 : memref<1x128xi32, #tpu.memory_space<vmem>> -> memref<128xi32, #tpu.memory_space<vmem>>
        %dma_wait3A_1199 = arith.constant 0 : i32
        %dma_wait3A_1200 = tpu.memref_slice %arg21[%dma_wait3A_1199] : memref<20480xf32, #tpu.memory_space<vmem_shared>> -> memref<20480xf32, #tpu.memory_space<vmem_shared>>
        tpu.wait_indirect_dma semaphore(%run_scoped3A_1184 : memref<!tpu.dma_semaphore, #tpu.memory_space<semaphore_mem>>) src(%dma_wait3A_1195 : memref<128xf32, #tpu.memory_space<vmem>>) dst(%dma_wait3A_1200 : memref<20480xf32, #tpu.memory_space<vmem_shared>>)
        tpu.yield
      }) : () -> ()
      %run_scoped3A_646 = arith.constant 1 : i32
      %run_scoped3A_647 = arith.constant 1 : i32
      "tpu.region"() ({
        %run_scoped3A_1184 = tpu.sem_alloc : memref<!tpu.dma_semaphore, #tpu.memory_space<semaphore_mem>>
        %dma_start3A_1185 = arith.constant 0 : i32
        %dma_start3A_1186 = tpu.memref_slice %arg18[%run_scoped3A_646, %dma_start3A_1185] : memref<2x128xf32, #tpu.memory_space<vmem>> -> memref<1x128xf32, #tpu.memory_space<vmem>>
        %dma_start3A_1187 = tpu.memref_squeeze %dma_start3A_1186 : memref<1x128xf32, #tpu.memory_space<vmem>> -> memref<128xf32, #tpu.memory_space<vmem>>
        %dma_start3A_1188 = arith.constant 0 : i32
        %dma_start3A_1189 = tpu.memref_slice %arg19[%run_scoped3A_647, %dma_start3A_1188] : memref<2x128xi32, #tpu.memory_space<vmem>> -> memref<1x128xi32, #tpu.memory_space<vmem>>
        %dma_start3A_1190 = tpu.memref_squeeze %dma_start3A_1189 : memref<1x128xi32, #tpu.memory_space<vmem>> -> memref<128xi32, #tpu.memory_space<vmem>>
        %dma_start3A_1191 = arith.constant 0 : i32
        %dma_start3A_1192 = tpu.memref_slice %arg21[%dma_start3A_1191] : memref<20480xf32, #tpu.memory_space<vmem_shared>> -> memref<20480xf32, #tpu.memory_space<vmem_shared>>
        tpu.enqueue_indirect_dma source(%dma_start3A_1187 : memref<128xf32, #tpu.memory_space<vmem>>) target(%dma_start3A_1192 : memref<20480xf32, #tpu.memory_space<vmem_shared>>) offsets(%dma_start3A_1190 : memref<128xi32, #tpu.memory_space<vmem>>) semaphore(%run_scoped3A_1184 : memref<!tpu.dma_semaphore, #tpu.memory_space<semaphore_mem>>) {add = true}
        %dma_wait3A_1193 = arith.constant 0 : i32
        %dma_wait3A_1194 = tpu.memref_slice %arg18[%run_scoped3A_646, %dma_wait3A_1193] : memref<2x128xf32, #tpu.memory_space<vmem>> -> memref<1x128xf32, #tpu.memory_space<vmem>>
        %dma_wait3A_1195 = tpu.memref_squeeze %dma_wait3A_1194 : memref<1x128xf32, #tpu.memory_space<vmem>> -> memref<128xf32, #tpu.memory_space<vmem>>
        %dma_wait3A_1196 = arith.constant 0 : i32
        %dma_wait3A_1197 = tpu.memref_slice %arg19[%run_scoped3A_647, %dma_wait3A_1196] : memref<2x128xi32, #tpu.memory_space<vmem>> -> memref<1x128xi32, #tpu.memory_space<vmem>>
        %dma_wait3A_1198 = tpu.memref_squeeze %dma_wait3A_1197 : memref<1x128xi32, #tpu.memory_space<vmem>> -> memref<128xi32, #tpu.memory_space<vmem>>
        %dma_wait3A_1199 = arith.constant 0 : i32
        %dma_wait3A_1200 = tpu.memref_slice %arg21[%dma_wait3A_1199] : memref<20480xf32, #tpu.memory_space<vmem_shared>> -> memref<20480xf32, #tpu.memory_space<vmem_shared>>
        tpu.wait_indirect_dma semaphore(%run_scoped3A_1184 : memref<!tpu.dma_semaphore, #tpu.memory_space<semaphore_mem>>) src(%dma_wait3A_1195 : memref<128xf32, #tpu.memory_space<vmem>>) dst(%dma_wait3A_1200 : memref<20480xf32, #tpu.memory_space<vmem_shared>>)
        tpu.yield
      }) : () -> ()
      %dma_wait3A_648 = arith.constant 0 : i32
      %dma_wait3A_649 = arith.constant 0 : i32
      %dma_wait3A_650 = tpu.memref_slice %arg10[%dma_wait3A_648, %dma_wait3A_649] : memref<1x128xi32, #tpu.memory_space<vmem>> -> memref<1x128xi32, #tpu.memory_space<vmem>>
      %dma_wait3A_651 = tpu.memref_squeeze %dma_wait3A_650 : memref<1x128xi32, #tpu.memory_space<vmem>> -> memref<128xi32, #tpu.memory_space<vmem>>
      %dma_wait3A_652 = arith.constant 0 : i32
      %dma_wait3A_653 = arith.constant 0 : i32
      %dma_wait3A_654 = tpu.memref_slice %arg5[%dma_wait3A_652, %dma_wait3A_653] : memref<10000x128xf32, #tpu.memory_space<hbm>> -> memref<10000x128xf32, #tpu.memory_space<hbm>>
      tpu.wait_indirect_dma semaphore(%arg22 : memref<!tpu.dma_semaphore, #tpu.memory_space<semaphore_mem>>) src(%dma_wait3A_654 : memref<10000x128xf32, #tpu.memory_space<hbm>>) dst(%arg16 : memref<128x128xf32, #tpu.memory_space<vmem>>)
      %run_scoped3A_655 = arith.constant 0 : i32
      "tpu.region"() ({
        %run_scoped3A_1184 = tpu.sem_alloc : memref<!tpu.dma_semaphore, #tpu.memory_space<semaphore_mem>>
        %dma_start3A_1185 = arith.constant 0 : i32
        %dma_start3A_1186 = tpu.memref_slice %arg12[%run_scoped3A_655, %dma_start3A_1185] : memref<1x128xi32, #tpu.memory_space<vmem>> -> memref<1x128xi32, #tpu.memory_space<vmem>>
        %dma_start3A_1187 = tpu.memref_squeeze %dma_start3A_1186 : memref<1x128xi32, #tpu.memory_space<vmem>> -> memref<128xi32, #tpu.memory_space<vmem>>
        %dma_start3A_1188 = arith.constant 0 : i32
        %dma_start3A_1189 = arith.constant 0 : i32
        %dma_start3A_1190 = tpu.memref_slice %arg20[%dma_start3A_1188, %dma_start3A_1189] : memref<10240x128xf32, #tpu.memory_space<vmem_shared>> -> memref<10240x128xf32, #tpu.memory_space<vmem_shared>>
        tpu.enqueue_indirect_dma source(%arg16 : memref<128x128xf32, #tpu.memory_space<vmem>>) target(%dma_start3A_1190 : memref<10240x128xf32, #tpu.memory_space<vmem_shared>>) offsets(%dma_start3A_1187 : memref<128xi32, #tpu.memory_space<vmem>>) semaphore(%run_scoped3A_1184 : memref<!tpu.dma_semaphore, #tpu.memory_space<semaphore_mem>>) {add = true}
        %dma_wait3A_1191 = arith.constant 0 : i32
        %dma_wait3A_1192 = tpu.memref_slice %arg12[%run_scoped3A_655, %dma_wait3A_1191] : memref<1x128xi32, #tpu.memory_space<vmem>> -> memref<1x128xi32, #tpu.memory_space<vmem>>
        %dma_wait3A_1193 = tpu.memref_squeeze %dma_wait3A_1192 : memref<1x128xi32, #tpu.memory_space<vmem>> -> memref<128xi32, #tpu.memory_space<vmem>>
        %dma_wait3A_1194 = arith.constant 0 : i32
        %dma_wait3A_1195 = arith.constant 0 : i32
        %dma_wait3A_1196 = tpu.memref_slice %arg20[%dma_wait3A_1194, %dma_wait3A_1195] : memref<10240x128xf32, #tpu.memory_space<vmem_shared>> -> memref<10240x128xf32, #tpu.memory_space<vmem_shared>>
        tpu.wait_indirect_dma semaphore(%run_scoped3A_1184 : memref<!tpu.dma_semaphore, #tpu.memory_space<semaphore_mem>>) src(%arg16 : memref<128x128xf32, #tpu.memory_space<vmem>>) dst(%dma_wait3A_1196 : memref<10240x128xf32, #tpu.memory_space<vmem_shared>>)
        tpu.yield
      }) : () -> ()
      %mul3A_656 = arith.constant 2 : i32
      %mul3A_657 = arith.muli %mul3A_656, %while3A_137 : i32
      %add3A_658 = arith.constant 1 : i32
      %add3A_659 = arith.addi %mul3A_657, %add3A_658 : i32
      %dma_wait3A_660 = arith.constant 0 : i32
      %dma_wait3A_661 = arith.constant 0 : i32
      %dma_wait3A_662 = tpu.memref_slice %arg2[%select_n3A, %dma_wait3A_660, %dma_wait3A_661] : memref<2561x1x128xi32, #tpu.memory_space<hbm>> -> memref<1x1x128xi32, #tpu.memory_space<hbm>>
      %dma_wait3A_663 = tpu.memref_squeeze %dma_wait3A_662 : memref<1x1x128xi32, #tpu.memory_space<hbm>> -> memref<1x128xi32, #tpu.memory_space<hbm>>
      %dma_wait3A_664 = arith.constant 0 : i32
      %dma_wait3A_665 = arith.constant 0 : i32
      %dma_wait3A_666 = tpu.memref_slice %arg2[%select_n3A, %dma_wait3A_664, %dma_wait3A_665] : memref<2561x1x128xi32, #tpu.memory_space<hbm>> -> memref<1x1x128xi32, #tpu.memory_space<hbm>>
      %dma_wait3A_667 = tpu.memref_squeeze %dma_wait3A_666 : memref<1x1x128xi32, #tpu.memory_space<hbm>> -> memref<1x128xi32, #tpu.memory_space<hbm>>
      tpu.wait_dma2 semaphore(%arg25 : memref<!tpu.dma_semaphore, #tpu.memory_space<semaphore_mem>>) src(%dma_wait3A_667 : memref<1x128xi32, #tpu.memory_space<hbm>>) dst(%arg11 : memref<1x128xi32, #tpu.memory_space<vmem>>)
      %dma_wait3A_668 = arith.constant 0 : i32
      %dma_wait3A_669 = arith.constant 0 : i32
      %dma_wait3A_670 = tpu.memref_slice %arg3[%select_n3A, %dma_wait3A_668, %dma_wait3A_669] : memref<2561x1x128xi32, #tpu.memory_space<hbm>> -> memref<1x1x128xi32, #tpu.memory_space<hbm>>
      %dma_wait3A_671 = tpu.memref_squeeze %dma_wait3A_670 : memref<1x1x128xi32, #tpu.memory_space<hbm>> -> memref<1x128xi32, #tpu.memory_space<hbm>>
      %dma_wait3A_672 = arith.constant 0 : i32
      %dma_wait3A_673 = arith.constant 0 : i32
      %dma_wait3A_674 = tpu.memref_slice %arg3[%select_n3A, %dma_wait3A_672, %dma_wait3A_673] : memref<2561x1x128xi32, #tpu.memory_space<hbm>> -> memref<1x1x128xi32, #tpu.memory_space<hbm>>
      %dma_wait3A_675 = tpu.memref_squeeze %dma_wait3A_674 : memref<1x1x128xi32, #tpu.memory_space<hbm>> -> memref<1x128xi32, #tpu.memory_space<hbm>>
      tpu.wait_dma2 semaphore(%arg25 : memref<!tpu.dma_semaphore, #tpu.memory_space<semaphore_mem>>) src(%dma_wait3A_675 : memref<1x128xi32, #tpu.memory_space<hbm>>) dst(%arg13 : memref<1x128xi32, #tpu.memory_space<vmem>>)
      %dma_wait3A_676 = arith.constant 0 : i32
      %dma_wait3A_677 = arith.constant 0 : i32
      %dma_wait3A_678 = tpu.memref_slice %arg4[%select_n3A, %dma_wait3A_676, %dma_wait3A_677] : memref<2561x1x128xf32, #tpu.memory_space<hbm>> -> memref<1x1x128xf32, #tpu.memory_space<hbm>>
      %dma_wait3A_679 = tpu.memref_squeeze %dma_wait3A_678 : memref<1x1x128xf32, #tpu.memory_space<hbm>> -> memref<1x128xf32, #tpu.memory_space<hbm>>
      %dma_wait3A_680 = arith.constant 0 : i32
      %dma_wait3A_681 = arith.constant 0 : i32
      %dma_wait3A_682 = tpu.memref_slice %arg4[%select_n3A, %dma_wait3A_680, %dma_wait3A_681] : memref<2561x1x128xf32, #tpu.memory_space<hbm>> -> memref<1x1x128xf32, #tpu.memory_space<hbm>>
      %dma_wait3A_683 = tpu.memref_squeeze %dma_wait3A_682 : memref<1x1x128xf32, #tpu.memory_space<hbm>> -> memref<1x128xf32, #tpu.memory_space<hbm>>
      tpu.wait_dma2 semaphore(%arg25 : memref<!tpu.dma_semaphore, #tpu.memory_space<semaphore_mem>>) src(%dma_wait3A_683 : memref<1x128xf32, #tpu.memory_space<hbm>>) dst(%arg15 : memref<1x128xf32, #tpu.memory_space<vmem>>)
      %dma_start3A_684 = arith.constant 0 : i32
      %dma_start3A_685 = arith.constant 0 : i32
      %dma_start3A_686 = tpu.memref_slice %arg11[%dma_start3A_684, %dma_start3A_685] : memref<1x128xi32, #tpu.memory_space<vmem>> -> memref<1x128xi32, #tpu.memory_space<vmem>>
      %dma_start3A_687 = tpu.memref_squeeze %dma_start3A_686 : memref<1x128xi32, #tpu.memory_space<vmem>> -> memref<128xi32, #tpu.memory_space<vmem>>
      %dma_start3A_688 = arith.constant 0 : i32
      %dma_start3A_689 = arith.constant 0 : i32
      %dma_start3A_690 = tpu.memref_slice %arg5[%dma_start3A_688, %dma_start3A_689] : memref<10000x128xf32, #tpu.memory_space<hbm>> -> memref<10000x128xf32, #tpu.memory_space<hbm>>
      tpu.enqueue_indirect_dma source(%dma_start3A_690 : memref<10000x128xf32, #tpu.memory_space<hbm>>) target(%arg17 : memref<128x128xf32, #tpu.memory_space<vmem>>) offsets(%dma_start3A_687 : memref<128xi32, #tpu.memory_space<vmem>>) semaphore(%arg23 : memref<!tpu.dma_semaphore, #tpu.memory_space<semaphore_mem>>)
      %add3A_691 = arith.addi %select_n3A, %add3A_659 : i32
      %add3A_692 = arith.constant 1 : i32
      %add3A_693 = arith.addi %add3A_691, %add3A_692 : i32
      %dma_start3A_694 = arith.constant 0 : i32
      %dma_start3A_695 = arith.constant 0 : i32
      %dma_start3A_696 = tpu.memref_slice %arg2[%add3A_693, %dma_start3A_694, %dma_start3A_695] : memref<2561x1x128xi32, #tpu.memory_space<hbm>> -> memref<1x1x128xi32, #tpu.memory_space<hbm>>
      %dma_start3A_697 = tpu.memref_squeeze %dma_start3A_696 : memref<1x1x128xi32, #tpu.memory_space<hbm>> -> memref<1x128xi32, #tpu.memory_space<hbm>>
      %dma_start3A_698 = arith.constant 0 : i32
      %dma_start3A_699 = arith.constant 0 : i32
      %dma_start3A_700 = tpu.memref_slice %arg2[%add3A_693, %dma_start3A_698, %dma_start3A_699] : memref<2561x1x128xi32, #tpu.memory_space<hbm>> -> memref<1x1x128xi32, #tpu.memory_space<hbm>>
      %dma_start3A_701 = tpu.memref_squeeze %dma_start3A_700 : memref<1x1x128xi32, #tpu.memory_space<hbm>> -> memref<1x128xi32, #tpu.memory_space<hbm>>
      tpu.enqueue_dma source(%dma_start3A_701 : memref<1x128xi32, #tpu.memory_space<hbm>>) target(%arg10 : memref<1x128xi32, #tpu.memory_space<vmem>>) target_semaphore(%arg24 : memref<!tpu.dma_semaphore, #tpu.memory_space<semaphore_mem>>)
      %add3A_702 = arith.addi %select_n3A, %add3A_659 : i32
      %add3A_703 = arith.constant 1 : i32
      %add3A_704 = arith.addi %add3A_702, %add3A_703 : i32
      %dma_start3A_705 = arith.constant 0 : i32
      %dma_start3A_706 = arith.constant 0 : i32
      %dma_start3A_707 = tpu.memref_slice %arg3[%add3A_704, %dma_start3A_705, %dma_start3A_706] : memref<2561x1x128xi32, #tpu.memory_space<hbm>> -> memref<1x1x128xi32, #tpu.memory_space<hbm>>
      %dma_start3A_708 = tpu.memref_squeeze %dma_start3A_707 : memref<1x1x128xi32, #tpu.memory_space<hbm>> -> memref<1x128xi32, #tpu.memory_space<hbm>>
      %dma_start3A_709 = arith.constant 0 : i32
      %dma_start3A_710 = arith.constant 0 : i32
      %dma_start3A_711 = tpu.memref_slice %arg3[%add3A_704, %dma_start3A_709, %dma_start3A_710] : memref<2561x1x128xi32, #tpu.memory_space<hbm>> -> memref<1x1x128xi32, #tpu.memory_space<hbm>>
      %dma_start3A_712 = tpu.memref_squeeze %dma_start3A_711 : memref<1x1x128xi32, #tpu.memory_space<hbm>> -> memref<1x128xi32, #tpu.memory_space<hbm>>
      tpu.enqueue_dma source(%dma_start3A_712 : memref<1x128xi32, #tpu.memory_space<hbm>>) target(%arg12 : memref<1x128xi32, #tpu.memory_space<vmem>>) target_semaphore(%arg24 : memref<!tpu.dma_semaphore, #tpu.memory_space<semaphore_mem>>)
      %add3A_713 = arith.addi %select_n3A, %add3A_659 : i32
      %add3A_714 = arith.constant 1 : i32
      %add3A_715 = arith.addi %add3A_713, %add3A_714 : i32
      %dma_start3A_716 = arith.constant 0 : i32
      %dma_start3A_717 = arith.constant 0 : i32
      %dma_start3A_718 = tpu.memref_slice %arg4[%add3A_715, %dma_start3A_716, %dma_start3A_717] : memref<2561x1x128xf32, #tpu.memory_space<hbm>> -> memref<1x1x128xf32, #tpu.memory_space<hbm>>
      %dma_start3A_719 = tpu.memref_squeeze %dma_start3A_718 : memref<1x1x128xf32, #tpu.memory_space<hbm>> -> memref<1x128xf32, #tpu.memory_space<hbm>>
      %dma_start3A_720 = arith.constant 0 : i32
      %dma_start3A_721 = arith.constant 0 : i32
      %dma_start3A_722 = tpu.memref_slice %arg4[%add3A_715, %dma_start3A_720, %dma_start3A_721] : memref<2561x1x128xf32, #tpu.memory_space<hbm>> -> memref<1x1x128xf32, #tpu.memory_space<hbm>>
      %dma_start3A_723 = tpu.memref_squeeze %dma_start3A_722 : memref<1x1x128xf32, #tpu.memory_space<hbm>> -> memref<1x128xf32, #tpu.memory_space<hbm>>
      tpu.enqueue_dma source(%dma_start3A_723 : memref<1x128xf32, #tpu.memory_space<hbm>>) target(%arg14 : memref<1x128xf32, #tpu.memory_space<vmem>>) target_semaphore(%arg24 : memref<!tpu.dma_semaphore, #tpu.memory_space<semaphore_mem>>)
      %get3A_724 = arith.constant 0 : i32
      %get3A_725 = arith.index_cast %get3A_724 : i32 to index
      %get3A_726 = arith.constant 0 : index
      %get3A_727 = tpu.vector_load %arg15[%get3A_725, %get3A_726] {strides = array<i32>} : memref<1x128xf32, #tpu.memory_space<vmem>>, vector<1x16xf32>,
      %get3A_728 = vector.shape_cast %get3A_727 : vector<1x16xf32> to vector<16xf32>
      %get3A_729 = arith.constant 0 : i32
      %get3A_730 = arith.index_cast %get3A_729 : i32 to index
      %get3A_731 = arith.constant 0 : index
      %get3A_732 = tpu.vector_load %arg13[%get3A_730, %get3A_731] {strides = array<i32>} : memref<1x128xi32, #tpu.memory_space<vmem>>, vector<1x16xi32>,
      %get3A_733 = vector.shape_cast %get3A_732 : vector<1x16xi32> to vector<16xi32>
      %shift_right_arithmetic3A_734 = arith.constant 10 : i32
      %shift_right_arithmetic3A_735 = vector.broadcast %shift_right_arithmetic3A_734 : i32 to vector<16xi32>
      %shift_right_arithmetic3A_736 = arith.shrsi %get3A_733, %shift_right_arithmetic3A_735 : vector<16xi32>
      %shift_left3A_737 = arith.constant 11 : i32
      %shift_left3A_738 = vector.broadcast %shift_left3A_737 : i32 to vector<16xi32>
      %shift_left3A_739 = arith.shli %shift_right_arithmetic3A_736, %shift_left3A_738 : vector<16xi32>
      %and3A_740 = arith.constant 1023 : i32
      %and3A_741 = vector.broadcast %and3A_740 : i32 to vector<16xi32>
      %and3A_742 = arith.andi %get3A_733, %and3A_741 : vector<16xi32>
      %add3A_743 = arith.addi %shift_left3A_739, %and3A_742 : vector<16xi32>
      %max3A_744 = arith.constant 0.000000e+00 : f32
      %max3A_745 = vector.broadcast %max3A_744 : f32 to vector<16xf32>
      %max3A_746 = arith.maximumf %get3A_728, %max3A_745 : vector<16xf32>
      %swap3A_747 = arith.constant 0 : i32
      %swap3A_748 = arith.index_cast %swap3A_747 : i32 to index
      %swap3A_749 = arith.constant 0 : index
      %swap3A_750 = tpu.vector_load %arg18[%swap3A_748, %swap3A_749] {strides = array<i32>} : memref<2x128xf32, #tpu.memory_space<vmem>>, vector<1x16xf32>,
      %swap3A_751 = vector.shape_cast %swap3A_750 : vector<1x16xf32> to vector<16xf32>
      %swap3A_752 = vector.shape_cast %max3A_746 : vector<16xf32> to vector<1x16xf32>
      tpu.vector_store %arg18[%swap3A_748, %swap3A_749], %swap3A_752 {strides = array<i32>} : memref<2x128xf32, #tpu.memory_space<vmem>>, vector<1x16xf32>,
      %neg3A_753 = arith.constant 0.000000e+00 : f32
      %neg3A_754 = vector.broadcast %neg3A_753 : f32 to vector<16xf32>
      %neg3A_755 = arith.subf %neg3A_754, %get3A_728 : vector<16xf32>
      %max3A_756 = arith.constant 0.000000e+00 : f32
      %max3A_757 = vector.broadcast %max3A_756 : f32 to vector<16xf32>
      %max3A_758 = arith.maximumf %neg3A_755, %max3A_757 : vector<16xf32>
      %swap3A_759 = arith.constant 1 : i32
      %swap3A_760 = arith.index_cast %swap3A_759 : i32 to index
      %swap3A_761 = arith.constant 0 : index
      %swap3A_762 = tpu.vector_load %arg18[%swap3A_760, %swap3A_761] {strides = array<i32>} : memref<2x128xf32, #tpu.memory_space<vmem>>, vector<1x16xf32>,
      %swap3A_763 = vector.shape_cast %swap3A_762 : vector<1x16xf32> to vector<16xf32>
      %swap3A_764 = vector.shape_cast %max3A_758 : vector<16xf32> to vector<1x16xf32>
      tpu.vector_store %arg18[%swap3A_760, %swap3A_761], %swap3A_764 {strides = array<i32>} : memref<2x128xf32, #tpu.memory_space<vmem>>, vector<1x16xf32>,
      %swap3A_765 = arith.constant 0 : i32
      %swap3A_766 = arith.index_cast %swap3A_765 : i32 to index
      %swap3A_767 = arith.constant 0 : index
      %swap3A_768 = tpu.vector_load %arg19[%swap3A_766, %swap3A_767] {strides = array<i32>} : memref<2x128xi32, #tpu.memory_space<vmem>>, vector<1x16xi32>,
      %swap3A_769 = vector.shape_cast %swap3A_768 : vector<1x16xi32> to vector<16xi32>
      %swap3A_770 = vector.shape_cast %add3A_743 : vector<16xi32> to vector<1x16xi32>
      tpu.vector_store %arg19[%swap3A_766, %swap3A_767], %swap3A_770 {strides = array<i32>} : memref<2x128xi32, #tpu.memory_space<vmem>>, vector<1x16xi32>,
      %add3A_771 = arith.constant 1024 : i32
      %add3A_772 = vector.broadcast %add3A_771 : i32 to vector<16xi32>
      %add3A_773 = arith.addi %add3A_743, %add3A_772 : vector<16xi32>
      %swap3A_774 = arith.constant 1 : i32
      %swap3A_775 = arith.index_cast %swap3A_774 : i32 to index
      %swap3A_776 = arith.constant 0 : index
      %swap3A_777 = tpu.vector_load %arg19[%swap3A_775, %swap3A_776] {strides = array<i32>} : memref<2x128xi32, #tpu.memory_space<vmem>>, vector<1x16xi32>,
      %swap3A_778 = vector.shape_cast %swap3A_777 : vector<1x16xi32> to vector<16xi32>
      %swap3A_779 = vector.shape_cast %add3A_773 : vector<16xi32> to vector<1x16xi32>
      tpu.vector_store %arg19[%swap3A_775, %swap3A_776], %swap3A_779 {strides = array<i32>} : memref<2x128xi32, #tpu.memory_space<vmem>>, vector<1x16xi32>,
      %get3A_780 = arith.constant 0 : i32
      %get3A_781 = arith.index_cast %get3A_780 : i32 to index
      %get3A_782 = arith.constant 16 : index
      %get3A_783 = tpu.vector_load %arg15[%get3A_781, %get3A_782] {strides = array<i32>} : memref<1x128xf32, #tpu.memory_space<vmem>>, vector<1x16xf32>,
      %get3A_784 = vector.shape_cast %get3A_783 : vector<1x16xf32> to vector<16xf32>
      %get3A_785 = arith.constant 0 : i32
      %get3A_786 = arith.index_cast %get3A_785 : i32 to index
      %get3A_787 = arith.constant 16 : index
      %get3A_788 = tpu.vector_load %arg13[%get3A_786, %get3A_787] {strides = array<i32>} : memref<1x128xi32, #tpu.memory_space<vmem>>, vector<1x16xi32>,
      %get3A_789 = vector.shape_cast %get3A_788 : vector<1x16xi32> to vector<16xi32>
      %shift_right_arithmetic3A_790 = arith.constant 10 : i32
      %shift_right_arithmetic3A_791 = vector.broadcast %shift_right_arithmetic3A_790 : i32 to vector<16xi32>
      %shift_right_arithmetic3A_792 = arith.shrsi %get3A_789, %shift_right_arithmetic3A_791 : vector<16xi32>
      %shift_left3A_793 = arith.constant 11 : i32
      %shift_left3A_794 = vector.broadcast %shift_left3A_793 : i32 to vector<16xi32>
      %shift_left3A_795 = arith.shli %shift_right_arithmetic3A_792, %shift_left3A_794 : vector<16xi32>
      %and3A_796 = arith.constant 1023 : i32
      %and3A_797 = vector.broadcast %and3A_796 : i32 to vector<16xi32>
      %and3A_798 = arith.andi %get3A_789, %and3A_797 : vector<16xi32>
      %add3A_799 = arith.addi %shift_left3A_795, %and3A_798 : vector<16xi32>
      %max3A_800 = arith.constant 0.000000e+00 : f32
      %max3A_801 = vector.broadcast %max3A_800 : f32 to vector<16xf32>
      %max3A_802 = arith.maximumf %get3A_784, %max3A_801 : vector<16xf32>
      %swap3A_803 = arith.constant 0 : i32
      %swap3A_804 = arith.index_cast %swap3A_803 : i32 to index
      %swap3A_805 = arith.constant 16 : index
      %swap3A_806 = tpu.vector_load %arg18[%swap3A_804, %swap3A_805] {strides = array<i32>} : memref<2x128xf32, #tpu.memory_space<vmem>>, vector<1x16xf32>,
      %swap3A_807 = vector.shape_cast %swap3A_806 : vector<1x16xf32> to vector<16xf32>
      %swap3A_808 = vector.shape_cast %max3A_802 : vector<16xf32> to vector<1x16xf32>
      tpu.vector_store %arg18[%swap3A_804, %swap3A_805], %swap3A_808 {strides = array<i32>} : memref<2x128xf32, #tpu.memory_space<vmem>>, vector<1x16xf32>,
      %neg3A_809 = arith.constant 0.000000e+00 : f32
      %neg3A_810 = vector.broadcast %neg3A_809 : f32 to vector<16xf32>
      %neg3A_811 = arith.subf %neg3A_810, %get3A_784 : vector<16xf32>
      %max3A_812 = arith.constant 0.000000e+00 : f32
      %max3A_813 = vector.broadcast %max3A_812 : f32 to vector<16xf32>
      %max3A_814 = arith.maximumf %neg3A_811, %max3A_813 : vector<16xf32>
      %swap3A_815 = arith.constant 1 : i32
      %swap3A_816 = arith.index_cast %swap3A_815 : i32 to index
      %swap3A_817 = arith.constant 16 : index
      %swap3A_818 = tpu.vector_load %arg18[%swap3A_816, %swap3A_817] {strides = array<i32>} : memref<2x128xf32, #tpu.memory_space<vmem>>, vector<1x16xf32>,
      %swap3A_819 = vector.shape_cast %swap3A_818 : vector<1x16xf32> to vector<16xf32>
      %swap3A_820 = vector.shape_cast %max3A_814 : vector<16xf32> to vector<1x16xf32>
      tpu.vector_store %arg18[%swap3A_816, %swap3A_817], %swap3A_820 {strides = array<i32>} : memref<2x128xf32, #tpu.memory_space<vmem>>, vector<1x16xf32>,
      %swap3A_821 = arith.constant 0 : i32
      %swap3A_822 = arith.index_cast %swap3A_821 : i32 to index
      %swap3A_823 = arith.constant 16 : index
      %swap3A_824 = tpu.vector_load %arg19[%swap3A_822, %swap3A_823] {strides = array<i32>} : memref<2x128xi32, #tpu.memory_space<vmem>>, vector<1x16xi32>,
      %swap3A_825 = vector.shape_cast %swap3A_824 : vector<1x16xi32> to vector<16xi32>
      %swap3A_826 = vector.shape_cast %add3A_799 : vector<16xi32> to vector<1x16xi32>
      tpu.vector_store %arg19[%swap3A_822, %swap3A_823], %swap3A_826 {strides = array<i32>} : memref<2x128xi32, #tpu.memory_space<vmem>>, vector<1x16xi32>,
      %add3A_827 = arith.constant 1024 : i32
      %add3A_828 = vector.broadcast %add3A_827 : i32 to vector<16xi32>
      %add3A_829 = arith.addi %add3A_799, %add3A_828 : vector<16xi32>
      %swap3A_830 = arith.constant 1 : i32
      %swap3A_831 = arith.index_cast %swap3A_830 : i32 to index
      %swap3A_832 = arith.constant 16 : index
      %swap3A_833 = tpu.vector_load %arg19[%swap3A_831, %swap3A_832] {strides = array<i32>} : memref<2x128xi32, #tpu.memory_space<vmem>>, vector<1x16xi32>,
      %swap3A_834 = vector.shape_cast %swap3A_833 : vector<1x16xi32> to vector<16xi32>
      %swap3A_835 = vector.shape_cast %add3A_829 : vector<16xi32> to vector<1x16xi32>
      tpu.vector_store %arg19[%swap3A_831, %swap3A_832], %swap3A_835 {strides = array<i32>} : memref<2x128xi32, #tpu.memory_space<vmem>>, vector<1x16xi32>,
      %get3A_836 = arith.constant 0 : i32
      %get3A_837 = arith.index_cast %get3A_836 : i32 to index
      %get3A_838 = arith.constant 32 : index
      %get3A_839 = tpu.vector_load %arg15[%get3A_837, %get3A_838] {strides = array<i32>} : memref<1x128xf32, #tpu.memory_space<vmem>>, vector<1x16xf32>,
      %get3A_840 = vector.shape_cast %get3A_839 : vector<1x16xf32> to vector<16xf32>
      %get3A_841 = arith.constant 0 : i32
      %get3A_842 = arith.index_cast %get3A_841 : i32 to index
      %get3A_843 = arith.constant 32 : index
      %get3A_844 = tpu.vector_load %arg13[%get3A_842, %get3A_843] {strides = array<i32>} : memref<1x128xi32, #tpu.memory_space<vmem>>, vector<1x16xi32>,
      %get3A_845 = vector.shape_cast %get3A_844 : vector<1x16xi32> to vector<16xi32>
      %shift_right_arithmetic3A_846 = arith.constant 10 : i32
      %shift_right_arithmetic3A_847 = vector.broadcast %shift_right_arithmetic3A_846 : i32 to vector<16xi32>
      %shift_right_arithmetic3A_848 = arith.shrsi %get3A_845, %shift_right_arithmetic3A_847 : vector<16xi32>
      %shift_left3A_849 = arith.constant 11 : i32
      %shift_left3A_850 = vector.broadcast %shift_left3A_849 : i32 to vector<16xi32>
      %shift_left3A_851 = arith.shli %shift_right_arithmetic3A_848, %shift_left3A_850 : vector<16xi32>
      %and3A_852 = arith.constant 1023 : i32
      %and3A_853 = vector.broadcast %and3A_852 : i32 to vector<16xi32>
      %and3A_854 = arith.andi %get3A_845, %and3A_853 : vector<16xi32>
      %add3A_855 = arith.addi %shift_left3A_851, %and3A_854 : vector<16xi32>
      %max3A_856 = arith.constant 0.000000e+00 : f32
      %max3A_857 = vector.broadcast %max3A_856 : f32 to vector<16xf32>
      %max3A_858 = arith.maximumf %get3A_840, %max3A_857 : vector<16xf32>
      %swap3A_859 = arith.constant 0 : i32
      %swap3A_860 = arith.index_cast %swap3A_859 : i32 to index
      %swap3A_861 = arith.constant 32 : index
      %swap3A_862 = tpu.vector_load %arg18[%swap3A_860, %swap3A_861] {strides = array<i32>} : memref<2x128xf32, #tpu.memory_space<vmem>>, vector<1x16xf32>,
      %swap3A_863 = vector.shape_cast %swap3A_862 : vector<1x16xf32> to vector<16xf32>
      %swap3A_864 = vector.shape_cast %max3A_858 : vector<16xf32> to vector<1x16xf32>
      tpu.vector_store %arg18[%swap3A_860, %swap3A_861], %swap3A_864 {strides = array<i32>} : memref<2x128xf32, #tpu.memory_space<vmem>>, vector<1x16xf32>,
      %neg3A_865 = arith.constant 0.000000e+00 : f32
      %neg3A_866 = vector.broadcast %neg3A_865 : f32 to vector<16xf32>
      %neg3A_867 = arith.subf %neg3A_866, %get3A_840 : vector<16xf32>
      %max3A_868 = arith.constant 0.000000e+00 : f32
      %max3A_869 = vector.broadcast %max3A_868 : f32 to vector<16xf32>
      %max3A_870 = arith.maximumf %neg3A_867, %max3A_869 : vector<16xf32>
      %swap3A_871 = arith.constant 1 : i32
      %swap3A_872 = arith.index_cast %swap3A_871 : i32 to index
      %swap3A_873 = arith.constant 32 : index
      %swap3A_874 = tpu.vector_load %arg18[%swap3A_872, %swap3A_873] {strides = array<i32>} : memref<2x128xf32, #tpu.memory_space<vmem>>, vector<1x16xf32>,
      %swap3A_875 = vector.shape_cast %swap3A_874 : vector<1x16xf32> to vector<16xf32>
      %swap3A_876 = vector.shape_cast %max3A_870 : vector<16xf32> to vector<1x16xf32>
      tpu.vector_store %arg18[%swap3A_872, %swap3A_873], %swap3A_876 {strides = array<i32>} : memref<2x128xf32, #tpu.memory_space<vmem>>, vector<1x16xf32>,
      %swap3A_877 = arith.constant 0 : i32
      %swap3A_878 = arith.index_cast %swap3A_877 : i32 to index
      %swap3A_879 = arith.constant 32 : index
      %swap3A_880 = tpu.vector_load %arg19[%swap3A_878, %swap3A_879] {strides = array<i32>} : memref<2x128xi32, #tpu.memory_space<vmem>>, vector<1x16xi32>,
      %swap3A_881 = vector.shape_cast %swap3A_880 : vector<1x16xi32> to vector<16xi32>
      %swap3A_882 = vector.shape_cast %add3A_855 : vector<16xi32> to vector<1x16xi32>
      tpu.vector_store %arg19[%swap3A_878, %swap3A_879], %swap3A_882 {strides = array<i32>} : memref<2x128xi32, #tpu.memory_space<vmem>>, vector<1x16xi32>,
      %add3A_883 = arith.constant 1024 : i32
      %add3A_884 = vector.broadcast %add3A_883 : i32 to vector<16xi32>
      %add3A_885 = arith.addi %add3A_855, %add3A_884 : vector<16xi32>
      %swap3A_886 = arith.constant 1 : i32
      %swap3A_887 = arith.index_cast %swap3A_886 : i32 to index
      %swap3A_888 = arith.constant 32 : index
      %swap3A_889 = tpu.vector_load %arg19[%swap3A_887, %swap3A_888] {strides = array<i32>} : memref<2x128xi32, #tpu.memory_space<vmem>>, vector<1x16xi32>,
      %swap3A_890 = vector.shape_cast %swap3A_889 : vector<1x16xi32> to vector<16xi32>
      %swap3A_891 = vector.shape_cast %add3A_885 : vector<16xi32> to vector<1x16xi32>
      tpu.vector_store %arg19[%swap3A_887, %swap3A_888], %swap3A_891 {strides = array<i32>} : memref<2x128xi32, #tpu.memory_space<vmem>>, vector<1x16xi32>,
      %get3A_892 = arith.constant 0 : i32
      %get3A_893 = arith.index_cast %get3A_892 : i32 to index
      %get3A_894 = arith.constant 48 : index
      %get3A_895 = tpu.vector_load %arg15[%get3A_893, %get3A_894] {strides = array<i32>} : memref<1x128xf32, #tpu.memory_space<vmem>>, vector<1x16xf32>,
      %get3A_896 = vector.shape_cast %get3A_895 : vector<1x16xf32> to vector<16xf32>
      %get3A_897 = arith.constant 0 : i32
      %get3A_898 = arith.index_cast %get3A_897 : i32 to index
      %get3A_899 = arith.constant 48 : index
      %get3A_900 = tpu.vector_load %arg13[%get3A_898, %get3A_899] {strides = array<i32>} : memref<1x128xi32, #tpu.memory_space<vmem>>, vector<1x16xi32>,
      %get3A_901 = vector.shape_cast %get3A_900 : vector<1x16xi32> to vector<16xi32>
      %shift_right_arithmetic3A_902 = arith.constant 10 : i32
      %shift_right_arithmetic3A_903 = vector.broadcast %shift_right_arithmetic3A_902 : i32 to vector<16xi32>
      %shift_right_arithmetic3A_904 = arith.shrsi %get3A_901, %shift_right_arithmetic3A_903 : vector<16xi32>
      %shift_left3A_905 = arith.constant 11 : i32
      %shift_left3A_906 = vector.broadcast %shift_left3A_905 : i32 to vector<16xi32>
      %shift_left3A_907 = arith.shli %shift_right_arithmetic3A_904, %shift_left3A_906 : vector<16xi32>
      %and3A_908 = arith.constant 1023 : i32
      %and3A_909 = vector.broadcast %and3A_908 : i32 to vector<16xi32>
      %and3A_910 = arith.andi %get3A_901, %and3A_909 : vector<16xi32>
      %add3A_911 = arith.addi %shift_left3A_907, %and3A_910 : vector<16xi32>
      %max3A_912 = arith.constant 0.000000e+00 : f32
      %max3A_913 = vector.broadcast %max3A_912 : f32 to vector<16xf32>
      %max3A_914 = arith.maximumf %get3A_896, %max3A_913 : vector<16xf32>
      %swap3A_915 = arith.constant 0 : i32
      %swap3A_916 = arith.index_cast %swap3A_915 : i32 to index
      %swap3A_917 = arith.constant 48 : index
      %swap3A_918 = tpu.vector_load %arg18[%swap3A_916, %swap3A_917] {strides = array<i32>} : memref<2x128xf32, #tpu.memory_space<vmem>>, vector<1x16xf32>,
      %swap3A_919 = vector.shape_cast %swap3A_918 : vector<1x16xf32> to vector<16xf32>
      %swap3A_920 = vector.shape_cast %max3A_914 : vector<16xf32> to vector<1x16xf32>
      tpu.vector_store %arg18[%swap3A_916, %swap3A_917], %swap3A_920 {strides = array<i32>} : memref<2x128xf32, #tpu.memory_space<vmem>>, vector<1x16xf32>,
      %neg3A_921 = arith.constant 0.000000e+00 : f32
      %neg3A_922 = vector.broadcast %neg3A_921 : f32 to vector<16xf32>
      %neg3A_923 = arith.subf %neg3A_922, %get3A_896 : vector<16xf32>
      %max3A_924 = arith.constant 0.000000e+00 : f32
      %max3A_925 = vector.broadcast %max3A_924 : f32 to vector<16xf32>
      %max3A_926 = arith.maximumf %neg3A_923, %max3A_925 : vector<16xf32>
      %swap3A_927 = arith.constant 1 : i32
      %swap3A_928 = arith.index_cast %swap3A_927 : i32 to index
      %swap3A_929 = arith.constant 48 : index
      %swap3A_930 = tpu.vector_load %arg18[%swap3A_928, %swap3A_929] {strides = array<i32>} : memref<2x128xf32, #tpu.memory_space<vmem>>, vector<1x16xf32>,
      %swap3A_931 = vector.shape_cast %swap3A_930 : vector<1x16xf32> to vector<16xf32>
      %swap3A_932 = vector.shape_cast %max3A_926 : vector<16xf32> to vector<1x16xf32>
      tpu.vector_store %arg18[%swap3A_928, %swap3A_929], %swap3A_932 {strides = array<i32>} : memref<2x128xf32, #tpu.memory_space<vmem>>, vector<1x16xf32>,
      %swap3A_933 = arith.constant 0 : i32
      %swap3A_934 = arith.index_cast %swap3A_933 : i32 to index
      %swap3A_935 = arith.constant 48 : index
      %swap3A_936 = tpu.vector_load %arg19[%swap3A_934, %swap3A_935] {strides = array<i32>} : memref<2x128xi32, #tpu.memory_space<vmem>>, vector<1x16xi32>,
      %swap3A_937 = vector.shape_cast %swap3A_936 : vector<1x16xi32> to vector<16xi32>
      %swap3A_938 = vector.shape_cast %add3A_911 : vector<16xi32> to vector<1x16xi32>
      tpu.vector_store %arg19[%swap3A_934, %swap3A_935], %swap3A_938 {strides = array<i32>} : memref<2x128xi32, #tpu.memory_space<vmem>>, vector<1x16xi32>,
      %add3A_939 = arith.constant 1024 : i32
      %add3A_940 = vector.broadcast %add3A_939 : i32 to vector<16xi32>
      %add3A_941 = arith.addi %add3A_911, %add3A_940 : vector<16xi32>
      %swap3A_942 = arith.constant 1 : i32
      %swap3A_943 = arith.index_cast %swap3A_942 : i32 to index
      %swap3A_944 = arith.constant 48 : index
      %swap3A_945 = tpu.vector_load %arg19[%swap3A_943, %swap3A_944] {strides = array<i32>} : memref<2x128xi32, #tpu.memory_space<vmem>>, vector<1x16xi32>,
      %swap3A_946 = vector.shape_cast %swap3A_945 : vector<1x16xi32> to vector<16xi32>
      %swap3A_947 = vector.shape_cast %add3A_941 : vector<16xi32> to vector<1x16xi32>
      tpu.vector_store %arg19[%swap3A_943, %swap3A_944], %swap3A_947 {strides = array<i32>} : memref<2x128xi32, #tpu.memory_space<vmem>>, vector<1x16xi32>,
      %get3A_948 = arith.constant 0 : i32
      %get3A_949 = arith.index_cast %get3A_948 : i32 to index
      %get3A_950 = arith.constant 64 : index
      %get3A_951 = tpu.vector_load %arg15[%get3A_949, %get3A_950] {strides = array<i32>} : memref<1x128xf32, #tpu.memory_space<vmem>>, vector<1x16xf32>,
      %get3A_952 = vector.shape_cast %get3A_951 : vector<1x16xf32> to vector<16xf32>
      %get3A_953 = arith.constant 0 : i32
      %get3A_954 = arith.index_cast %get3A_953 : i32 to index
      %get3A_955 = arith.constant 64 : index
      %get3A_956 = tpu.vector_load %arg13[%get3A_954, %get3A_955] {strides = array<i32>} : memref<1x128xi32, #tpu.memory_space<vmem>>, vector<1x16xi32>,
      %get3A_957 = vector.shape_cast %get3A_956 : vector<1x16xi32> to vector<16xi32>
      %shift_right_arithmetic3A_958 = arith.constant 10 : i32
      %shift_right_arithmetic3A_959 = vector.broadcast %shift_right_arithmetic3A_958 : i32 to vector<16xi32>
      %shift_right_arithmetic3A_960 = arith.shrsi %get3A_957, %shift_right_arithmetic3A_959 : vector<16xi32>
      %shift_left3A_961 = arith.constant 11 : i32
      %shift_left3A_962 = vector.broadcast %shift_left3A_961 : i32 to vector<16xi32>
      %shift_left3A_963 = arith.shli %shift_right_arithmetic3A_960, %shift_left3A_962 : vector<16xi32>
      %and3A_964 = arith.constant 1023 : i32
      %and3A_965 = vector.broadcast %and3A_964 : i32 to vector<16xi32>
      %and3A_966 = arith.andi %get3A_957, %and3A_965 : vector<16xi32>
      %add3A_967 = arith.addi %shift_left3A_963, %and3A_966 : vector<16xi32>
      %max3A_968 = arith.constant 0.000000e+00 : f32
      %max3A_969 = vector.broadcast %max3A_968 : f32 to vector<16xf32>
      %max3A_970 = arith.maximumf %get3A_952, %max3A_969 : vector<16xf32>
      %swap3A_971 = arith.constant 0 : i32
      %swap3A_972 = arith.index_cast %swap3A_971 : i32 to index
      %swap3A_973 = arith.constant 64 : index
      %swap3A_974 = tpu.vector_load %arg18[%swap3A_972, %swap3A_973] {strides = array<i32>} : memref<2x128xf32, #tpu.memory_space<vmem>>, vector<1x16xf32>,
      %swap3A_975 = vector.shape_cast %swap3A_974 : vector<1x16xf32> to vector<16xf32>
      %swap3A_976 = vector.shape_cast %max3A_970 : vector<16xf32> to vector<1x16xf32>
      tpu.vector_store %arg18[%swap3A_972, %swap3A_973], %swap3A_976 {strides = array<i32>} : memref<2x128xf32, #tpu.memory_space<vmem>>, vector<1x16xf32>,
      %neg3A_977 = arith.constant 0.000000e+00 : f32
      %neg3A_978 = vector.broadcast %neg3A_977 : f32 to vector<16xf32>
      %neg3A_979 = arith.subf %neg3A_978, %get3A_952 : vector<16xf32>
      %max3A_980 = arith.constant 0.000000e+00 : f32
      %max3A_981 = vector.broadcast %max3A_980 : f32 to vector<16xf32>
      %max3A_982 = arith.maximumf %neg3A_979, %max3A_981 : vector<16xf32>
      %swap3A_983 = arith.constant 1 : i32
      %swap3A_984 = arith.index_cast %swap3A_983 : i32 to index
      %swap3A_985 = arith.constant 64 : index
      %swap3A_986 = tpu.vector_load %arg18[%swap3A_984, %swap3A_985] {strides = array<i32>} : memref<2x128xf32, #tpu.memory_space<vmem>>, vector<1x16xf32>,
      %swap3A_987 = vector.shape_cast %swap3A_986 : vector<1x16xf32> to vector<16xf32>
      %swap3A_988 = vector.shape_cast %max3A_982 : vector<16xf32> to vector<1x16xf32>
      tpu.vector_store %arg18[%swap3A_984, %swap3A_985], %swap3A_988 {strides = array<i32>} : memref<2x128xf32, #tpu.memory_space<vmem>>, vector<1x16xf32>,
      %swap3A_989 = arith.constant 0 : i32
      %swap3A_990 = arith.index_cast %swap3A_989 : i32 to index
      %swap3A_991 = arith.constant 64 : index
      %swap3A_992 = tpu.vector_load %arg19[%swap3A_990, %swap3A_991] {strides = array<i32>} : memref<2x128xi32, #tpu.memory_space<vmem>>, vector<1x16xi32>,
      %swap3A_993 = vector.shape_cast %swap3A_992 : vector<1x16xi32> to vector<16xi32>
      %swap3A_994 = vector.shape_cast %add3A_967 : vector<16xi32> to vector<1x16xi32>
      tpu.vector_store %arg19[%swap3A_990, %swap3A_991], %swap3A_994 {strides = array<i32>} : memref<2x128xi32, #tpu.memory_space<vmem>>, vector<1x16xi32>,
      %add3A_995 = arith.constant 1024 : i32
      %add3A_996 = vector.broadcast %add3A_995 : i32 to vector<16xi32>
      %add3A_997 = arith.addi %add3A_967, %add3A_996 : vector<16xi32>
      %swap3A_998 = arith.constant 1 : i32
      %swap3A_999 = arith.index_cast %swap3A_998 : i32 to index
      %swap3A_1000 = arith.constant 64 : index
      %swap3A_1001 = tpu.vector_load %arg19[%swap3A_999, %swap3A_1000] {strides = array<i32>} : memref<2x128xi32, #tpu.memory_space<vmem>>, vector<1x16xi32>,
      %swap3A_1002 = vector.shape_cast %swap3A_1001 : vector<1x16xi32> to vector<16xi32>
      %swap3A_1003 = vector.shape_cast %add3A_997 : vector<16xi32> to vector<1x16xi32>
      tpu.vector_store %arg19[%swap3A_999, %swap3A_1000], %swap3A_1003 {strides = array<i32>} : memref<2x128xi32, #tpu.memory_space<vmem>>, vector<1x16xi32>,
      %get3A_1004 = arith.constant 0 : i32
      %get3A_1005 = arith.index_cast %get3A_1004 : i32 to index
      %get3A_1006 = arith.constant 80 : index
      %get3A_1007 = tpu.vector_load %arg15[%get3A_1005, %get3A_1006] {strides = array<i32>} : memref<1x128xf32, #tpu.memory_space<vmem>>, vector<1x16xf32>,
      %get3A_1008 = vector.shape_cast %get3A_1007 : vector<1x16xf32> to vector<16xf32>
      %get3A_1009 = arith.constant 0 : i32
      %get3A_1010 = arith.index_cast %get3A_1009 : i32 to index
      %get3A_1011 = arith.constant 80 : index
      %get3A_1012 = tpu.vector_load %arg13[%get3A_1010, %get3A_1011] {strides = array<i32>} : memref<1x128xi32, #tpu.memory_space<vmem>>, vector<1x16xi32>,
      %get3A_1013 = vector.shape_cast %get3A_1012 : vector<1x16xi32> to vector<16xi32>
      %shift_right_arithmetic3A_1014 = arith.constant 10 : i32
      %shift_right_arithmetic3A_1015 = vector.broadcast %shift_right_arithmetic3A_1014 : i32 to vector<16xi32>
      %shift_right_arithmetic3A_1016 = arith.shrsi %get3A_1013, %shift_right_arithmetic3A_1015 : vector<16xi32>
      %shift_left3A_1017 = arith.constant 11 : i32
      %shift_left3A_1018 = vector.broadcast %shift_left3A_1017 : i32 to vector<16xi32>
      %shift_left3A_1019 = arith.shli %shift_right_arithmetic3A_1016, %shift_left3A_1018 : vector<16xi32>
      %and3A_1020 = arith.constant 1023 : i32
      %and3A_1021 = vector.broadcast %and3A_1020 : i32 to vector<16xi32>
      %and3A_1022 = arith.andi %get3A_1013, %and3A_1021 : vector<16xi32>
      %add3A_1023 = arith.addi %shift_left3A_1019, %and3A_1022 : vector<16xi32>
      %max3A_1024 = arith.constant 0.000000e+00 : f32
      %max3A_1025 = vector.broadcast %max3A_1024 : f32 to vector<16xf32>
      %max3A_1026 = arith.maximumf %get3A_1008, %max3A_1025 : vector<16xf32>
      %swap3A_1027 = arith.constant 0 : i32
      %swap3A_1028 = arith.index_cast %swap3A_1027 : i32 to index
      %swap3A_1029 = arith.constant 80 : index
      %swap3A_1030 = tpu.vector_load %arg18[%swap3A_1028, %swap3A_1029] {strides = array<i32>} : memref<2x128xf32, #tpu.memory_space<vmem>>, vector<1x16xf32>,
      %swap3A_1031 = vector.shape_cast %swap3A_1030 : vector<1x16xf32> to vector<16xf32>
      %swap3A_1032 = vector.shape_cast %max3A_1026 : vector<16xf32> to vector<1x16xf32>
      tpu.vector_store %arg18[%swap3A_1028, %swap3A_1029], %swap3A_1032 {strides = array<i32>} : memref<2x128xf32, #tpu.memory_space<vmem>>, vector<1x16xf32>,
      %neg3A_1033 = arith.constant 0.000000e+00 : f32
      %neg3A_1034 = vector.broadcast %neg3A_1033 : f32 to vector<16xf32>
      %neg3A_1035 = arith.subf %neg3A_1034, %get3A_1008 : vector<16xf32>
      %max3A_1036 = arith.constant 0.000000e+00 : f32
      %max3A_1037 = vector.broadcast %max3A_1036 : f32 to vector<16xf32>
      %max3A_1038 = arith.maximumf %neg3A_1035, %max3A_1037 : vector<16xf32>
      %swap3A_1039 = arith.constant 1 : i32
      %swap3A_1040 = arith.index_cast %swap3A_1039 : i32 to index
      %swap3A_1041 = arith.constant 80 : index
      %swap3A_1042 = tpu.vector_load %arg18[%swap3A_1040, %swap3A_1041] {strides = array<i32>} : memref<2x128xf32, #tpu.memory_space<vmem>>, vector<1x16xf32>,
      %swap3A_1043 = vector.shape_cast %swap3A_1042 : vector<1x16xf32> to vector<16xf32>
      %swap3A_1044 = vector.shape_cast %max3A_1038 : vector<16xf32> to vector<1x16xf32>
      tpu.vector_store %arg18[%swap3A_1040, %swap3A_1041], %swap3A_1044 {strides = array<i32>} : memref<2x128xf32, #tpu.memory_space<vmem>>, vector<1x16xf32>,
      %swap3A_1045 = arith.constant 0 : i32
      %swap3A_1046 = arith.index_cast %swap3A_1045 : i32 to index
      %swap3A_1047 = arith.constant 80 : index
      %swap3A_1048 = tpu.vector_load %arg19[%swap3A_1046, %swap3A_1047] {strides = array<i32>} : memref<2x128xi32, #tpu.memory_space<vmem>>, vector<1x16xi32>,
      %swap3A_1049 = vector.shape_cast %swap3A_1048 : vector<1x16xi32> to vector<16xi32>
      %swap3A_1050 = vector.shape_cast %add3A_1023 : vector<16xi32> to vector<1x16xi32>
      tpu.vector_store %arg19[%swap3A_1046, %swap3A_1047], %swap3A_1050 {strides = array<i32>} : memref<2x128xi32, #tpu.memory_space<vmem>>, vector<1x16xi32>,
      %add3A_1051 = arith.constant 1024 : i32
      %add3A_1052 = vector.broadcast %add3A_1051 : i32 to vector<16xi32>
      %add3A_1053 = arith.addi %add3A_1023, %add3A_1052 : vector<16xi32>
      %swap3A_1054 = arith.constant 1 : i32
      %swap3A_1055 = arith.index_cast %swap3A_1054 : i32 to index
      %swap3A_1056 = arith.constant 80 : index
      %swap3A_1057 = tpu.vector_load %arg19[%swap3A_1055, %swap3A_1056] {strides = array<i32>} : memref<2x128xi32, #tpu.memory_space<vmem>>, vector<1x16xi32>,
      %swap3A_1058 = vector.shape_cast %swap3A_1057 : vector<1x16xi32> to vector<16xi32>
      %swap3A_1059 = vector.shape_cast %add3A_1053 : vector<16xi32> to vector<1x16xi32>
      tpu.vector_store %arg19[%swap3A_1055, %swap3A_1056], %swap3A_1059 {strides = array<i32>} : memref<2x128xi32, #tpu.memory_space<vmem>>, vector<1x16xi32>,
      %get3A_1060 = arith.constant 0 : i32
      %get3A_1061 = arith.index_cast %get3A_1060 : i32 to index
      %get3A_1062 = arith.constant 96 : index
      %get3A_1063 = tpu.vector_load %arg15[%get3A_1061, %get3A_1062] {strides = array<i32>} : memref<1x128xf32, #tpu.memory_space<vmem>>, vector<1x16xf32>,
      %get3A_1064 = vector.shape_cast %get3A_1063 : vector<1x16xf32> to vector<16xf32>
      %get3A_1065 = arith.constant 0 : i32
      %get3A_1066 = arith.index_cast %get3A_1065 : i32 to index
      %get3A_1067 = arith.constant 96 : index
      %get3A_1068 = tpu.vector_load %arg13[%get3A_1066, %get3A_1067] {strides = array<i32>} : memref<1x128xi32, #tpu.memory_space<vmem>>, vector<1x16xi32>,
      %get3A_1069 = vector.shape_cast %get3A_1068 : vector<1x16xi32> to vector<16xi32>
      %shift_right_arithmetic3A_1070 = arith.constant 10 : i32
      %shift_right_arithmetic3A_1071 = vector.broadcast %shift_right_arithmetic3A_1070 : i32 to vector<16xi32>
      %shift_right_arithmetic3A_1072 = arith.shrsi %get3A_1069, %shift_right_arithmetic3A_1071 : vector<16xi32>
      %shift_left3A_1073 = arith.constant 11 : i32
      %shift_left3A_1074 = vector.broadcast %shift_left3A_1073 : i32 to vector<16xi32>
      %shift_left3A_1075 = arith.shli %shift_right_arithmetic3A_1072, %shift_left3A_1074 : vector<16xi32>
      %and3A_1076 = arith.constant 1023 : i32
      %and3A_1077 = vector.broadcast %and3A_1076 : i32 to vector<16xi32>
      %and3A_1078 = arith.andi %get3A_1069, %and3A_1077 : vector<16xi32>
      %add3A_1079 = arith.addi %shift_left3A_1075, %and3A_1078 : vector<16xi32>
      %max3A_1080 = arith.constant 0.000000e+00 : f32
      %max3A_1081 = vector.broadcast %max3A_1080 : f32 to vector<16xf32>
      %max3A_1082 = arith.maximumf %get3A_1064, %max3A_1081 : vector<16xf32>
      %swap3A_1083 = arith.constant 0 : i32
      %swap3A_1084 = arith.index_cast %swap3A_1083 : i32 to index
      %swap3A_1085 = arith.constant 96 : index
      %swap3A_1086 = tpu.vector_load %arg18[%swap3A_1084, %swap3A_1085] {strides = array<i32>} : memref<2x128xf32, #tpu.memory_space<vmem>>, vector<1x16xf32>,
      %swap3A_1087 = vector.shape_cast %swap3A_1086 : vector<1x16xf32> to vector<16xf32>
      %swap3A_1088 = vector.shape_cast %max3A_1082 : vector<16xf32> to vector<1x16xf32>
      tpu.vector_store %arg18[%swap3A_1084, %swap3A_1085], %swap3A_1088 {strides = array<i32>} : memref<2x128xf32, #tpu.memory_space<vmem>>, vector<1x16xf32>,
      %neg3A_1089 = arith.constant 0.000000e+00 : f32
      %neg3A_1090 = vector.broadcast %neg3A_1089 : f32 to vector<16xf32>
      %neg3A_1091 = arith.subf %neg3A_1090, %get3A_1064 : vector<16xf32>
      %max3A_1092 = arith.constant 0.000000e+00 : f32
      %max3A_1093 = vector.broadcast %max3A_1092 : f32 to vector<16xf32>
      %max3A_1094 = arith.maximumf %neg3A_1091, %max3A_1093 : vector<16xf32>
      %swap3A_1095 = arith.constant 1 : i32
      %swap3A_1096 = arith.index_cast %swap3A_1095 : i32 to index
      %swap3A_1097 = arith.constant 96 : index
      %swap3A_1098 = tpu.vector_load %arg18[%swap3A_1096, %swap3A_1097] {strides = array<i32>} : memref<2x128xf32, #tpu.memory_space<vmem>>, vector<1x16xf32>,
      %swap3A_1099 = vector.shape_cast %swap3A_1098 : vector<1x16xf32> to vector<16xf32>
      %swap3A_1100 = vector.shape_cast %max3A_1094 : vector<16xf32> to vector<1x16xf32>
      tpu.vector_store %arg18[%swap3A_1096, %swap3A_1097], %swap3A_1100 {strides = array<i32>} : memref<2x128xf32, #tpu.memory_space<vmem>>, vector<1x16xf32>,
      %swap3A_1101 = arith.constant 0 : i32
      %swap3A_1102 = arith.index_cast %swap3A_1101 : i32 to index
      %swap3A_1103 = arith.constant 96 : index
      %swap3A_1104 = tpu.vector_load %arg19[%swap3A_1102, %swap3A_1103] {strides = array<i32>} : memref<2x128xi32, #tpu.memory_space<vmem>>, vector<1x16xi32>,
      %swap3A_1105 = vector.shape_cast %swap3A_1104 : vector<1x16xi32> to vector<16xi32>
      %swap3A_1106 = vector.shape_cast %add3A_1079 : vector<16xi32> to vector<1x16xi32>
      tpu.vector_store %arg19[%swap3A_1102, %swap3A_1103], %swap3A_1106 {strides = array<i32>} : memref<2x128xi32, #tpu.memory_space<vmem>>, vector<1x16xi32>,
      %add3A_1107 = arith.constant 1024 : i32
      %add3A_1108 = vector.broadcast %add3A_1107 : i32 to vector<16xi32>
      %add3A_1109 = arith.addi %add3A_1079, %add3A_1108 : vector<16xi32>
      %swap3A_1110 = arith.constant 1 : i32
      %swap3A_1111 = arith.index_cast %swap3A_1110 : i32 to index
      %swap3A_1112 = arith.constant 96 : index
      %swap3A_1113 = tpu.vector_load %arg19[%swap3A_1111, %swap3A_1112] {strides = array<i32>} : memref<2x128xi32, #tpu.memory_space<vmem>>, vector<1x16xi32>,
      %swap3A_1114 = vector.shape_cast %swap3A_1113 : vector<1x16xi32> to vector<16xi32>
      %swap3A_1115 = vector.shape_cast %add3A_1109 : vector<16xi32> to vector<1x16xi32>
      tpu.vector_store %arg19[%swap3A_1111, %swap3A_1112], %swap3A_1115 {strides = array<i32>} : memref<2x128xi32, #tpu.memory_space<vmem>>, vector<1x16xi32>,
      %get3A_1116 = arith.constant 0 : i32
      %get3A_1117 = arith.index_cast %get3A_1116 : i32 to index
      %get3A_1118 = arith.constant 112 : index
      %get3A_1119 = tpu.vector_load %arg15[%get3A_1117, %get3A_1118] {strides = array<i32>} : memref<1x128xf32, #tpu.memory_space<vmem>>, vector<1x16xf32>,
      %get3A_1120 = vector.shape_cast %get3A_1119 : vector<1x16xf32> to vector<16xf32>
      %get3A_1121 = arith.constant 0 : i32
      %get3A_1122 = arith.index_cast %get3A_1121 : i32 to index
      %get3A_1123 = arith.constant 112 : index
      %get3A_1124 = tpu.vector_load %arg13[%get3A_1122, %get3A_1123] {strides = array<i32>} : memref<1x128xi32, #tpu.memory_space<vmem>>, vector<1x16xi32>,
      %get3A_1125 = vector.shape_cast %get3A_1124 : vector<1x16xi32> to vector<16xi32>
      %shift_right_arithmetic3A_1126 = arith.constant 10 : i32
      %shift_right_arithmetic3A_1127 = vector.broadcast %shift_right_arithmetic3A_1126 : i32 to vector<16xi32>
      %shift_right_arithmetic3A_1128 = arith.shrsi %get3A_1125, %shift_right_arithmetic3A_1127 : vector<16xi32>
      %shift_left3A_1129 = arith.constant 11 : i32
      %shift_left3A_1130 = vector.broadcast %shift_left3A_1129 : i32 to vector<16xi32>
      %shift_left3A_1131 = arith.shli %shift_right_arithmetic3A_1128, %shift_left3A_1130 : vector<16xi32>
      %and3A_1132 = arith.constant 1023 : i32
      %and3A_1133 = vector.broadcast %and3A_1132 : i32 to vector<16xi32>
      %and3A_1134 = arith.andi %get3A_1125, %and3A_1133 : vector<16xi32>
      %add3A_1135 = arith.addi %shift_left3A_1131, %and3A_1134 : vector<16xi32>
      %max3A_1136 = arith.constant 0.000000e+00 : f32
      %max3A_1137 = vector.broadcast %max3A_1136 : f32 to vector<16xf32>
      %max3A_1138 = arith.maximumf %get3A_1120, %max3A_1137 : vector<16xf32>
      %swap3A_1139 = arith.constant 0 : i32
      %swap3A_1140 = arith.index_cast %swap3A_1139 : i32 to index
      %swap3A_1141 = arith.constant 112 : index
      %swap3A_1142 = tpu.vector_load %arg18[%swap3A_1140, %swap3A_1141] {strides = array<i32>} : memref<2x128xf32, #tpu.memory_space<vmem>>, vector<1x16xf32>,
      %swap3A_1143 = vector.shape_cast %swap3A_1142 : vector<1x16xf32> to vector<16xf32>
      %swap3A_1144 = vector.shape_cast %max3A_1138 : vector<16xf32> to vector<1x16xf32>
      tpu.vector_store %arg18[%swap3A_1140, %swap3A_1141], %swap3A_1144 {strides = array<i32>} : memref<2x128xf32, #tpu.memory_space<vmem>>, vector<1x16xf32>,
      %neg3A_1145 = arith.constant 0.000000e+00 : f32
      %neg3A_1146 = vector.broadcast %neg3A_1145 : f32 to vector<16xf32>
      %neg3A_1147 = arith.subf %neg3A_1146, %get3A_1120 : vector<16xf32>
      %max3A_1148 = arith.constant 0.000000e+00 : f32
      %max3A_1149 = vector.broadcast %max3A_1148 : f32 to vector<16xf32>
      %max3A_1150 = arith.maximumf %neg3A_1147, %max3A_1149 : vector<16xf32>
      %swap3A_1151 = arith.constant 1 : i32
      %swap3A_1152 = arith.index_cast %swap3A_1151 : i32 to index
      %swap3A_1153 = arith.constant 112 : index
      %swap3A_1154 = tpu.vector_load %arg18[%swap3A_1152, %swap3A_1153] {strides = array<i32>} : memref<2x128xf32, #tpu.memory_space<vmem>>, vector<1x16xf32>,
      %swap3A_1155 = vector.shape_cast %swap3A_1154 : vector<1x16xf32> to vector<16xf32>
      %swap3A_1156 = vector.shape_cast %max3A_1150 : vector<16xf32> to vector<1x16xf32>
      tpu.vector_store %arg18[%swap3A_1152, %swap3A_1153], %swap3A_1156 {strides = array<i32>} : memref<2x128xf32, #tpu.memory_space<vmem>>, vector<1x16xf32>,
      %swap3A_1157 = arith.constant 0 : i32
      %swap3A_1158 = arith.index_cast %swap3A_1157 : i32 to index
      %swap3A_1159 = arith.constant 112 : index
      %swap3A_1160 = tpu.vector_load %arg19[%swap3A_1158, %swap3A_1159] {strides = array<i32>} : memref<2x128xi32, #tpu.memory_space<vmem>>, vector<1x16xi32>,
      %swap3A_1161 = vector.shape_cast %swap3A_1160 : vector<1x16xi32> to vector<16xi32>
      %swap3A_1162 = vector.shape_cast %add3A_1135 : vector<16xi32> to vector<1x16xi32>
      tpu.vector_store %arg19[%swap3A_1158, %swap3A_1159], %swap3A_1162 {strides = array<i32>} : memref<2x128xi32, #tpu.memory_space<vmem>>, vector<1x16xi32>,
      %add3A_1163 = arith.constant 1024 : i32
      %add3A_1164 = vector.broadcast %add3A_1163 : i32 to vector<16xi32>
      %add3A_1165 = arith.addi %add3A_1135, %add3A_1164 : vector<16xi32>
      %swap3A_1166 = arith.constant 1 : i32
      %swap3A_1167 = arith.index_cast %swap3A_1166 : i32 to index
      %swap3A_1168 = arith.constant 112 : index
      %swap3A_1169 = tpu.vector_load %arg19[%swap3A_1167, %swap3A_1168] {strides = array<i32>} : memref<2x128xi32, #tpu.memory_space<vmem>>, vector<1x16xi32>,
      %swap3A_1170 = vector.shape_cast %swap3A_1169 : vector<1x16xi32> to vector<16xi32>
      %swap3A_1171 = vector.shape_cast %add3A_1165 : vector<16xi32> to vector<1x16xi32>
      tpu.vector_store %arg19[%swap3A_1167, %swap3A_1168], %swap3A_1171 {strides = array<i32>} : memref<2x128xi32, #tpu.memory_space<vmem>>, vector<1x16xi32>,
      %run_scoped3A_1172 = arith.constant 0 : i32
      %run_scoped3A_1173 = arith.constant 0 : i32
      "tpu.region"() ({
        %run_scoped3A_1184 = tpu.sem_alloc : memref<!tpu.dma_semaphore, #tpu.memory_space<semaphore_mem>>
        %dma_start3A_1185 = arith.constant 0 : i32
        %dma_start3A_1186 = tpu.memref_slice %arg18[%run_scoped3A_1172, %dma_start3A_1185] : memref<2x128xf32, #tpu.memory_space<vmem>> -> memref<1x128xf32, #tpu.memory_space<vmem>>
        %dma_start3A_1187 = tpu.memref_squeeze %dma_start3A_1186 : memref<1x128xf32, #tpu.memory_space<vmem>> -> memref<128xf32, #tpu.memory_space<vmem>>
        %dma_start3A_1188 = arith.constant 0 : i32
        %dma_start3A_1189 = tpu.memref_slice %arg19[%run_scoped3A_1173, %dma_start3A_1188] : memref<2x128xi32, #tpu.memory_space<vmem>> -> memref<1x128xi32, #tpu.memory_space<vmem>>
        %dma_start3A_1190 = tpu.memref_squeeze %dma_start3A_1189 : memref<1x128xi32, #tpu.memory_space<vmem>> -> memref<128xi32, #tpu.memory_space<vmem>>
        %dma_start3A_1191 = arith.constant 0 : i32
        %dma_start3A_1192 = tpu.memref_slice %arg21[%dma_start3A_1191] : memref<20480xf32, #tpu.memory_space<vmem_shared>> -> memref<20480xf32, #tpu.memory_space<vmem_shared>>
        tpu.enqueue_indirect_dma source(%dma_start3A_1187 : memref<128xf32, #tpu.memory_space<vmem>>) target(%dma_start3A_1192 : memref<20480xf32, #tpu.memory_space<vmem_shared>>) offsets(%dma_start3A_1190 : memref<128xi32, #tpu.memory_space<vmem>>) semaphore(%run_scoped3A_1184 : memref<!tpu.dma_semaphore, #tpu.memory_space<semaphore_mem>>) {add = true}
        %dma_wait3A_1193 = arith.constant 0 : i32
        %dma_wait3A_1194 = tpu.memref_slice %arg18[%run_scoped3A_1172, %dma_wait3A_1193] : memref<2x128xf32, #tpu.memory_space<vmem>> -> memref<1x128xf32, #tpu.memory_space<vmem>>
        %dma_wait3A_1195 = tpu.memref_squeeze %dma_wait3A_1194 : memref<1x128xf32, #tpu.memory_space<vmem>> -> memref<128xf32, #tpu.memory_space<vmem>>
        %dma_wait3A_1196 = arith.constant 0 : i32
        %dma_wait3A_1197 = tpu.memref_slice %arg19[%run_scoped3A_1173, %dma_wait3A_1196] : memref<2x128xi32, #tpu.memory_space<vmem>> -> memref<1x128xi32, #tpu.memory_space<vmem>>
        %dma_wait3A_1198 = tpu.memref_squeeze %dma_wait3A_1197 : memref<1x128xi32, #tpu.memory_space<vmem>> -> memref<128xi32, #tpu.memory_space<vmem>>
        %dma_wait3A_1199 = arith.constant 0 : i32
        %dma_wait3A_1200 = tpu.memref_slice %arg21[%dma_wait3A_1199] : memref<20480xf32, #tpu.memory_space<vmem_shared>> -> memref<20480xf32, #tpu.memory_space<vmem_shared>>
        tpu.wait_indirect_dma semaphore(%run_scoped3A_1184 : memref<!tpu.dma_semaphore, #tpu.memory_space<semaphore_mem>>) src(%dma_wait3A_1195 : memref<128xf32, #tpu.memory_space<vmem>>) dst(%dma_wait3A_1200 : memref<20480xf32, #tpu.memory_space<vmem_shared>>)
        tpu.yield
      }) : () -> ()
      %run_scoped3A_1174 = arith.constant 1 : i32
      %run_scoped3A_1175 = arith.constant 1 : i32
      "tpu.region"() ({
        %run_scoped3A_1184 = tpu.sem_alloc : memref<!tpu.dma_semaphore, #tpu.memory_space<semaphore_mem>>
        %dma_start3A_1185 = arith.constant 0 : i32
        %dma_start3A_1186 = tpu.memref_slice %arg18[%run_scoped3A_1174, %dma_start3A_1185] : memref<2x128xf32, #tpu.memory_space<vmem>> -> memref<1x128xf32, #tpu.memory_space<vmem>>
        %dma_start3A_1187 = tpu.memref_squeeze %dma_start3A_1186 : memref<1x128xf32, #tpu.memory_space<vmem>> -> memref<128xf32, #tpu.memory_space<vmem>>
        %dma_start3A_1188 = arith.constant 0 : i32
        %dma_start3A_1189 = tpu.memref_slice %arg19[%run_scoped3A_1175, %dma_start3A_1188] : memref<2x128xi32, #tpu.memory_space<vmem>> -> memref<1x128xi32, #tpu.memory_space<vmem>>
        %dma_start3A_1190 = tpu.memref_squeeze %dma_start3A_1189 : memref<1x128xi32, #tpu.memory_space<vmem>> -> memref<128xi32, #tpu.memory_space<vmem>>
        %dma_start3A_1191 = arith.constant 0 : i32
        %dma_start3A_1192 = tpu.memref_slice %arg21[%dma_start3A_1191] : memref<20480xf32, #tpu.memory_space<vmem_shared>> -> memref<20480xf32, #tpu.memory_space<vmem_shared>>
        tpu.enqueue_indirect_dma source(%dma_start3A_1187 : memref<128xf32, #tpu.memory_space<vmem>>) target(%dma_start3A_1192 : memref<20480xf32, #tpu.memory_space<vmem_shared>>) offsets(%dma_start3A_1190 : memref<128xi32, #tpu.memory_space<vmem>>) semaphore(%run_scoped3A_1184 : memref<!tpu.dma_semaphore, #tpu.memory_space<semaphore_mem>>) {add = true}
        %dma_wait3A_1193 = arith.constant 0 : i32
        %dma_wait3A_1194 = tpu.memref_slice %arg18[%run_scoped3A_1174, %dma_wait3A_1193] : memref<2x128xf32, #tpu.memory_space<vmem>> -> memref<1x128xf32, #tpu.memory_space<vmem>>
        %dma_wait3A_1195 = tpu.memref_squeeze %dma_wait3A_1194 : memref<1x128xf32, #tpu.memory_space<vmem>> -> memref<128xf32, #tpu.memory_space<vmem>>
        %dma_wait3A_1196 = arith.constant 0 : i32
        %dma_wait3A_1197 = tpu.memref_slice %arg19[%run_scoped3A_1175, %dma_wait3A_1196] : memref<2x128xi32, #tpu.memory_space<vmem>> -> memref<1x128xi32, #tpu.memory_space<vmem>>
        %dma_wait3A_1198 = tpu.memref_squeeze %dma_wait3A_1197 : memref<1x128xi32, #tpu.memory_space<vmem>> -> memref<128xi32, #tpu.memory_space<vmem>>
        %dma_wait3A_1199 = arith.constant 0 : i32
        %dma_wait3A_1200 = tpu.memref_slice %arg21[%dma_wait3A_1199] : memref<20480xf32, #tpu.memory_space<vmem_shared>> -> memref<20480xf32, #tpu.memory_space<vmem_shared>>
        tpu.wait_indirect_dma semaphore(%run_scoped3A_1184 : memref<!tpu.dma_semaphore, #tpu.memory_space<semaphore_mem>>) src(%dma_wait3A_1195 : memref<128xf32, #tpu.memory_space<vmem>>) dst(%dma_wait3A_1200 : memref<20480xf32, #tpu.memory_space<vmem_shared>>)
        tpu.yield
      }) : () -> ()
      %dma_wait3A_1176 = arith.constant 0 : i32
      %dma_wait3A_1177 = arith.constant 0 : i32
      %dma_wait3A_1178 = tpu.memref_slice %arg11[%dma_wait3A_1176, %dma_wait3A_1177] : memref<1x128xi32, #tpu.memory_space<vmem>> -> memref<1x128xi32, #tpu.memory_space<vmem>>
      %dma_wait3A_1179 = tpu.memref_squeeze %dma_wait3A_1178 : memref<1x128xi32, #tpu.memory_space<vmem>> -> memref<128xi32, #tpu.memory_space<vmem>>
      %dma_wait3A_1180 = arith.constant 0 : i32
      %dma_wait3A_1181 = arith.constant 0 : i32
      %dma_wait3A_1182 = tpu.memref_slice %arg5[%dma_wait3A_1180, %dma_wait3A_1181] : memref<10000x128xf32, #tpu.memory_space<hbm>> -> memref<10000x128xf32, #tpu.memory_space<hbm>>
      tpu.wait_indirect_dma semaphore(%arg23 : memref<!tpu.dma_semaphore, #tpu.memory_space<semaphore_mem>>) src(%dma_wait3A_1182 : memref<10000x128xf32, #tpu.memory_space<hbm>>) dst(%arg17 : memref<128x128xf32, #tpu.memory_space<vmem>>)
      %run_scoped3A_1183 = arith.constant 0 : i32
      "tpu.region"() ({
        %run_scoped3A_1184 = tpu.sem_alloc : memref<!tpu.dma_semaphore, #tpu.memory_space<semaphore_mem>>
        %dma_start3A_1185 = arith.constant 0 : i32
        %dma_start3A_1186 = tpu.memref_slice %arg13[%run_scoped3A_1183, %dma_start3A_1185] : memref<1x128xi32, #tpu.memory_space<vmem>> -> memref<1x128xi32, #tpu.memory_space<vmem>>
        %dma_start3A_1187 = tpu.memref_squeeze %dma_start3A_1186 : memref<1x128xi32, #tpu.memory_space<vmem>> -> memref<128xi32, #tpu.memory_space<vmem>>
        %dma_start3A_1188 = arith.constant 0 : i32
        %dma_start3A_1189 = arith.constant 0 : i32
        %dma_start3A_1190 = tpu.memref_slice %arg20[%dma_start3A_1188, %dma_start3A_1189] : memref<10240x128xf32, #tpu.memory_space<vmem_shared>> -> memref<10240x128xf32, #tpu.memory_space<vmem_shared>>
        tpu.enqueue_indirect_dma source(%arg17 : memref<128x128xf32, #tpu.memory_space<vmem>>) target(%dma_start3A_1190 : memref<10240x128xf32, #tpu.memory_space<vmem_shared>>) offsets(%dma_start3A_1187 : memref<128xi32, #tpu.memory_space<vmem>>) semaphore(%run_scoped3A_1184 : memref<!tpu.dma_semaphore, #tpu.memory_space<semaphore_mem>>) {add = true}
        %dma_wait3A_1191 = arith.constant 0 : i32
        %dma_wait3A_1192 = tpu.memref_slice %arg13[%run_scoped3A_1183, %dma_wait3A_1191] : memref<1x128xi32, #tpu.memory_space<vmem>> -> memref<1x128xi32, #tpu.memory_space<vmem>>
        %dma_wait3A_1193 = tpu.memref_squeeze %dma_wait3A_1192 : memref<1x128xi32, #tpu.memory_space<vmem>> -> memref<128xi32, #tpu.memory_space<vmem>>
        %dma_wait3A_1194 = arith.constant 0 : i32
        %dma_wait3A_1195 = arith.constant 0 : i32
        %dma_wait3A_1196 = tpu.memref_slice %arg20[%dma_wait3A_1194, %dma_wait3A_1195] : memref<10240x128xf32, #tpu.memory_space<vmem_shared>> -> memref<10240x128xf32, #tpu.memory_space<vmem_shared>>
        tpu.wait_indirect_dma semaphore(%run_scoped3A_1184 : memref<!tpu.dma_semaphore, #tpu.memory_space<semaphore_mem>>) src(%arg17 : memref<128x128xf32, #tpu.memory_space<vmem>>) dst(%dma_wait3A_1196 : memref<10240x128xf32, #tpu.memory_space<vmem_shared>>)
        tpu.yield
      }) : () -> ()
    }
    %while3A_64 = arith.constant 1 : i32
    scf.for %while3A_137 = %while3A_62 to %while3A_58 step %while3A_64  : i32 {
      %mul3A_138 = arith.constant 2 : i32
      %mul3A_139 = arith.muli %mul3A_138, %while3A_137 : i32
      %dma_wait3A_140 = arith.constant 0 : i32
      %dma_wait3A_141 = arith.constant 0 : i32
      %dma_wait3A_142 = tpu.memref_slice %arg2[%select_n3A, %dma_wait3A_140, %dma_wait3A_141] : memref<2561x1x128xi32, #tpu.memory_space<hbm>> -> memref<1x1x128xi32, #tpu.memory_space<hbm>>
      %dma_wait3A_143 = tpu.memref_squeeze %dma_wait3A_142 : memref<1x1x128xi32, #tpu.memory_space<hbm>> -> memref<1x128xi32, #tpu.memory_space<hbm>>
      %dma_wait3A_144 = arith.constant 0 : i32
      %dma_wait3A_145 = arith.constant 0 : i32
      %dma_wait3A_146 = tpu.memref_slice %arg2[%select_n3A, %dma_wait3A_144, %dma_wait3A_145] : memref<2561x1x128xi32, #tpu.memory_space<hbm>> -> memref<1x1x128xi32, #tpu.memory_space<hbm>>
      %dma_wait3A_147 = tpu.memref_squeeze %dma_wait3A_146 : memref<1x1x128xi32, #tpu.memory_space<hbm>> -> memref<1x128xi32, #tpu.memory_space<hbm>>
      tpu.wait_dma2 semaphore(%arg24 : memref<!tpu.dma_semaphore, #tpu.memory_space<semaphore_mem>>) src(%dma_wait3A_147 : memref<1x128xi32, #tpu.memory_space<hbm>>) dst(%arg10 : memref<1x128xi32, #tpu.memory_space<vmem>>)
      %dma_wait3A_148 = arith.constant 0 : i32
      %dma_wait3A_149 = arith.constant 0 : i32
      %dma_wait3A_150 = tpu.memref_slice %arg3[%select_n3A, %dma_wait3A_148, %dma_wait3A_149] : memref<2561x1x128xi32, #tpu.memory_space<hbm>> -> memref<1x1x128xi32, #tpu.memory_space<hbm>>
      %dma_wait3A_151 = tpu.memref_squeeze %dma_wait3A_150 : memref<1x1x128xi32, #tpu.memory_space<hbm>> -> memref<1x128xi32, #tpu.memory_space<hbm>>
      %dma_wait3A_152 = arith.constant 0 : i32
      %dma_wait3A_153 = arith.constant 0 : i32
      %dma_wait3A_154 = tpu.memref_slice %arg3[%select_n3A, %dma_wait3A_152, %dma_wait3A_153] : memref<2561x1x128xi32, #tpu.memory_space<hbm>> -> memref<1x1x128xi32, #tpu.memory_space<hbm>>
      %dma_wait3A_155 = tpu.memref_squeeze %dma_wait3A_154 : memref<1x1x128xi32, #tpu.memory_space<hbm>> -> memref<1x128xi32, #tpu.memory_space<hbm>>
      tpu.wait_dma2 semaphore(%arg24 : memref<!tpu.dma_semaphore, #tpu.memory_space<semaphore_mem>>) src(%dma_wait3A_155 : memref<1x128xi32, #tpu.memory_space<hbm>>) dst(%arg12 : memref<1x128xi32, #tpu.memory_space<vmem>>)
      %dma_wait3A_156 = arith.constant 0 : i32
      %dma_wait3A_157 = arith.constant 0 : i32
      %dma_wait3A_158 = tpu.memref_slice %arg4[%select_n3A, %dma_wait3A_156, %dma_wait3A_157] : memref<2561x1x128xf32, #tpu.memory_space<hbm>> -> memref<1x1x128xf32, #tpu.memory_space<hbm>>
      %dma_wait3A_159 = tpu.memref_squeeze %dma_wait3A_158 : memref<1x1x128xf32, #tpu.memory_space<hbm>> -> memref<1x128xf32, #tpu.memory_space<hbm>>
      %dma_wait3A_160 = arith.constant 0 : i32
      %dma_wait3A_161 = arith.constant 0 : i32
      %dma_wait3A_162 = tpu.memref_slice %arg4[%select_n3A, %dma_wait3A_160, %dma_wait3A_161] : memref<2561x1x128xf32, #tpu.memory_space<hbm>> -> memref<1x1x128xf32, #tpu.memory_space<hbm>>
      %dma_wait3A_163 = tpu.memref_squeeze %dma_wait3A_162 : memref<1x1x128xf32, #tpu.memory_space<hbm>> -> memref<1x128xf32, #tpu.memory_space<hbm>>
      tpu.wait_dma2 semaphore(%arg24 : memref<!tpu.dma_semaphore, #tpu.memory_space<semaphore_mem>>) src(%dma_wait3A_163 : memref<1x128xf32, #tpu.memory_space<hbm>>) dst(%arg14 : memref<1x128xf32, #tpu.memory_space<vmem>>)
      %dma_start3A_164 = arith.constant 0 : i32
      %dma_start3A_165 = arith.constant 0 : i32
      %dma_start3A_166 = tpu.memref_slice %arg10[%dma_start3A_164, %dma_start3A_165] : memref<1x128xi32, #tpu.memory_space<vmem>> -> memref<1x128xi32, #tpu.memory_space<vmem>>
      %dma_start3A_167 = tpu.memref_squeeze %dma_start3A_166 : memref<1x128xi32, #tpu.memory_space<vmem>> -> memref<128xi32, #tpu.memory_space<vmem>>
      %dma_start3A_168 = arith.constant 0 : i32
      %dma_start3A_169 = arith.constant 0 : i32
      %dma_start3A_170 = tpu.memref_slice %arg5[%dma_start3A_168, %dma_start3A_169] : memref<10000x128xf32, #tpu.memory_space<hbm>> -> memref<10000x128xf32, #tpu.memory_space<hbm>>
      tpu.enqueue_indirect_dma source(%dma_start3A_170 : memref<10000x128xf32, #tpu.memory_space<hbm>>) target(%arg16 : memref<128x128xf32, #tpu.memory_space<vmem>>) offsets(%dma_start3A_167 : memref<128xi32, #tpu.memory_space<vmem>>) semaphore(%arg22 : memref<!tpu.dma_semaphore, #tpu.memory_space<semaphore_mem>>)
      %add3A_171 = arith.addi %select_n3A, %mul3A_139 : i32
      %add3A_172 = arith.constant 1 : i32
      %add3A_173 = arith.addi %add3A_171, %add3A_172 : i32
      %dma_start3A_174 = arith.constant 0 : i32
      %dma_start3A_175 = arith.constant 0 : i32
      %dma_start3A_176 = tpu.memref_slice %arg2[%add3A_173, %dma_start3A_174, %dma_start3A_175] : memref<2561x1x128xi32, #tpu.memory_space<hbm>> -> memref<1x1x128xi32, #tpu.memory_space<hbm>>
      %dma_start3A_177 = tpu.memref_squeeze %dma_start3A_176 : memref<1x1x128xi32, #tpu.memory_space<hbm>> -> memref<1x128xi32, #tpu.memory_space<hbm>>
      %dma_start3A_178 = arith.constant 0 : i32
      %dma_start3A_179 = arith.constant 0 : i32
      %dma_start3A_180 = tpu.memref_slice %arg2[%add3A_173, %dma_start3A_178, %dma_start3A_179] : memref<2561x1x128xi32, #tpu.memory_space<hbm>> -> memref<1x1x128xi32, #tpu.memory_space<hbm>>
      %dma_start3A_181 = tpu.memref_squeeze %dma_start3A_180 : memref<1x1x128xi32, #tpu.memory_space<hbm>> -> memref<1x128xi32, #tpu.memory_space<hbm>>
      tpu.enqueue_dma source(%dma_start3A_181 : memref<1x128xi32, #tpu.memory_space<hbm>>) target(%arg11 : memref<1x128xi32, #tpu.memory_space<vmem>>) target_semaphore(%arg25 : memref<!tpu.dma_semaphore, #tpu.memory_space<semaphore_mem>>)
      %add3A_182 = arith.addi %select_n3A, %mul3A_139 : i32
      %add3A_183 = arith.constant 1 : i32
      %add3A_184 = arith.addi %add3A_182, %add3A_183 : i32
      %dma_start3A_185 = arith.constant 0 : i32
      %dma_start3A_186 = arith.constant 0 : i32
      %dma_start3A_187 = tpu.memref_slice %arg3[%add3A_184, %dma_start3A_185, %dma_start3A_186] : memref<2561x1x128xi32, #tpu.memory_space<hbm>> -> memref<1x1x128xi32, #tpu.memory_space<hbm>>
      %dma_start3A_188 = tpu.memref_squeeze %dma_start3A_187 : memref<1x1x128xi32, #tpu.memory_space<hbm>> -> memref<1x128xi32, #tpu.memory_space<hbm>>
      %dma_start3A_189 = arith.constant 0 : i32
      %dma_start3A_190 = arith.constant 0 : i32
      %dma_start3A_191 = tpu.memref_slice %arg3[%add3A_184, %dma_start3A_189, %dma_start3A_190] : memref<2561x1x128xi32, #tpu.memory_space<hbm>> -> memref<1x1x128xi32, #tpu.memory_space<hbm>>
      %dma_start3A_192 = tpu.memref_squeeze %dma_start3A_191 : memref<1x1x128xi32, #tpu.memory_space<hbm>> -> memref<1x128xi32, #tpu.memory_space<hbm>>
      tpu.enqueue_dma source(%dma_start3A_192 : memref<1x128xi32, #tpu.memory_space<hbm>>) target(%arg13 : memref<1x128xi32, #tpu.memory_space<vmem>>) target_semaphore(%arg25 : memref<!tpu.dma_semaphore, #tpu.memory_space<semaphore_mem>>)
      %add3A_193 = arith.addi %select_n3A, %mul3A_139 : i32
      %add3A_194 = arith.constant 1 : i32
      %add3A_195 = arith.addi %add3A_193, %add3A_194 : i32
      %dma_start3A_196 = arith.constant 0 : i32
      %dma_start3A_197 = arith.constant 0 : i32
      %dma_start3A_198 = tpu.memref_slice %arg4[%add3A_195, %dma_start3A_196, %dma_start3A_197] : memref<2561x1x128xf32, #tpu.memory_space<hbm>> -> memref<1x1x128xf32, #tpu.memory_space<hbm>>
      %dma_start3A_199 = tpu.memref_squeeze %dma_start3A_198 : memref<1x1x128xf32, #tpu.memory_space<hbm>> -> memref<1x128xf32, #tpu.memory_space<hbm>>
      %dma_start3A_200 = arith.constant 0 : i32
      %dma_start3A_201 = arith.constant 0 : i32
      %dma_start3A_202 = tpu.memref_slice %arg4[%add3A_195, %dma_start3A_200, %dma_start3A_201] : memref<2561x1x128xf32, #tpu.memory_space<hbm>> -> memref<1x1x128xf32, #tpu.memory_space<hbm>>
      %dma_start3A_203 = tpu.memref_squeeze %dma_start3A_202 : memref<1x1x128xf32, #tpu.memory_space<hbm>> -> memref<1x128xf32, #tpu.memory_space<hbm>>
      tpu.enqueue_dma source(%dma_start3A_203 : memref<1x128xf32, #tpu.memory_space<hbm>>) target(%arg15 : memref<1x128xf32, #tpu.memory_space<vmem>>) target_semaphore(%arg25 : memref<!tpu.dma_semaphore, #tpu.memory_space<semaphore_mem>>)
      %get3A = arith.constant 0 : i32
      %get3A_204 = arith.index_cast %get3A : i32 to index
      %get3A_205 = arith.constant 0 : index
      %get3A_206 = tpu.vector_load %arg14[%get3A_204, %get3A_205] {strides = array<i32>} : memref<1x128xf32, #tpu.memory_space<vmem>>, vector<1x16xf32>,
      %get3A_207 = vector.shape_cast %get3A_206 : vector<1x16xf32> to vector<16xf32>
      %get3A_208 = arith.constant 0 : i32
      %get3A_209 = arith.index_cast %get3A_208 : i32 to index
      %get3A_210 = arith.constant 0 : index
      %get3A_211 = tpu.vector_load %arg12[%get3A_209, %get3A_210] {strides = array<i32>} : memref<1x128xi32, #tpu.memory_space<vmem>>, vector<1x16xi32>,
      %get3A_212 = vector.shape_cast %get3A_211 : vector<1x16xi32> to vector<16xi32>
      %shift_right_arithmetic3A = arith.constant 10 : i32
      %shift_right_arithmetic3A_213 = vector.broadcast %shift_right_arithmetic3A : i32 to vector<16xi32>
      %shift_right_arithmetic3A_214 = arith.shrsi %get3A_212, %shift_right_arithmetic3A_213 : vector<16xi32>
      %shift_left3A = arith.constant 11 : i32
      %shift_left3A_215 = vector.broadcast %shift_left3A : i32 to vector<16xi32>
      %shift_left3A_216 = arith.shli %shift_right_arithmetic3A_214, %shift_left3A_215 : vector<16xi32>
      %and3A = arith.constant 1023 : i32
      %and3A_217 = vector.broadcast %and3A : i32 to vector<16xi32>
      %and3A_218 = arith.andi %get3A_212, %and3A_217 : vector<16xi32>
      %add3A_219 = arith.addi %shift_left3A_216, %and3A_218 : vector<16xi32>
      %max3A = arith.constant 0.000000e+00 : f32
      %max3A_220 = vector.broadcast %max3A : f32 to vector<16xf32>
      %max3A_221 = arith.maximumf %get3A_207, %max3A_220 : vector<16xf32>
      %swap3A = arith.constant 0 : i32
      %swap3A_222 = arith.index_cast %swap3A : i32 to index
      %swap3A_223 = arith.constant 0 : index
      %swap3A_224 = tpu.vector_load %arg18[%swap3A_222, %swap3A_223] {strides = array<i32>} : memref<2x128xf32, #tpu.memory_space<vmem>>, vector<1x16xf32>,
      %swap3A_225 = vector.shape_cast %swap3A_224 : vector<1x16xf32> to vector<16xf32>
      %swap3A_226 = vector.shape_cast %max3A_221 : vector<16xf32> to vector<1x16xf32>
      tpu.vector_store %arg18[%swap3A_222, %swap3A_223], %swap3A_226 {strides = array<i32>} : memref<2x128xf32, #tpu.memory_space<vmem>>, vector<1x16xf32>,
      %neg3A = arith.constant 0.000000e+00 : f32
      %neg3A_227 = vector.broadcast %neg3A : f32 to vector<16xf32>
      %neg3A_228 = arith.subf %neg3A_227, %get3A_207 : vector<16xf32>
      %max3A_229 = arith.constant 0.000000e+00 : f32
      %max3A_230 = vector.broadcast %max3A_229 : f32 to vector<16xf32>
      %max3A_231 = arith.maximumf %neg3A_228, %max3A_230 : vector<16xf32>
      %swap3A_232 = arith.constant 1 : i32
      %swap3A_233 = arith.index_cast %swap3A_232 : i32 to index
      %swap3A_234 = arith.constant 0 : index
      %swap3A_235 = tpu.vector_load %arg18[%swap3A_233, %swap3A_234] {strides = array<i32>} : memref<2x128xf32, #tpu.memory_space<vmem>>, vector<1x16xf32>,
      %swap3A_236 = vector.shape_cast %swap3A_235 : vector<1x16xf32> to vector<16xf32>
      %swap3A_237 = vector.shape_cast %max3A_231 : vector<16xf32> to vector<1x16xf32>
      tpu.vector_store %arg18[%swap3A_233, %swap3A_234], %swap3A_237 {strides = array<i32>} : memref<2x128xf32, #tpu.memory_space<vmem>>, vector<1x16xf32>,
      %swap3A_238 = arith.constant 0 : i32
      %swap3A_239 = arith.index_cast %swap3A_238 : i32 to index
      %swap3A_240 = arith.constant 0 : index
      %swap3A_241 = tpu.vector_load %arg19[%swap3A_239, %swap3A_240] {strides = array<i32>} : memref<2x128xi32, #tpu.memory_space<vmem>>, vector<1x16xi32>,
      %swap3A_242 = vector.shape_cast %swap3A_241 : vector<1x16xi32> to vector<16xi32>
      %swap3A_243 = vector.shape_cast %add3A_219 : vector<16xi32> to vector<1x16xi32>
      tpu.vector_store %arg19[%swap3A_239, %swap3A_240], %swap3A_243 {strides = array<i32>} : memref<2x128xi32, #tpu.memory_space<vmem>>, vector<1x16xi32>,
      %add3A_244 = arith.constant 1024 : i32
      %add3A_245 = vector.broadcast %add3A_244 : i32 to vector<16xi32>
      %add3A_246 = arith.addi %add3A_219, %add3A_245 : vector<16xi32>
      %swap3A_247 = arith.constant 1 : i32
      %swap3A_248 = arith.index_cast %swap3A_247 : i32 to index
      %swap3A_249 = arith.constant 0 : index
      %swap3A_250 = tpu.vector_load %arg19[%swap3A_248, %swap3A_249] {strides = array<i32>} : memref<2x128xi32, #tpu.memory_space<vmem>>, vector<1x16xi32>,
      %swap3A_251 = vector.shape_cast %swap3A_250 : vector<1x16xi32> to vector<16xi32>
      %swap3A_252 = vector.shape_cast %add3A_246 : vector<16xi32> to vector<1x16xi32>
      tpu.vector_store %arg19[%swap3A_248, %swap3A_249], %swap3A_252 {strides = array<i32>} : memref<2x128xi32, #tpu.memory_space<vmem>>, vector<1x16xi32>,
      %get3A_253 = arith.constant 0 : i32
      %get3A_254 = arith.index_cast %get3A_253 : i32 to index
      %get3A_255 = arith.constant 16 : index
      %get3A_256 = tpu.vector_load %arg14[%get3A_254, %get3A_255] {strides = array<i32>} : memref<1x128xf32, #tpu.memory_space<vmem>>, vector<1x16xf32>,
      %get3A_257 = vector.shape_cast %get3A_256 : vector<1x16xf32> to vector<16xf32>
      %get3A_258 = arith.constant 0 : i32
      %get3A_259 = arith.index_cast %get3A_258 : i32 to index
      %get3A_260 = arith.constant 16 : index
      %get3A_261 = tpu.vector_load %arg12[%get3A_259, %get3A_260] {strides = array<i32>} : memref<1x128xi32, #tpu.memory_space<vmem>>, vector<1x16xi32>,
      %get3A_262 = vector.shape_cast %get3A_261 : vector<1x16xi32> to vector<16xi32>
      %shift_right_arithmetic3A_263 = arith.constant 10 : i32
      %shift_right_arithmetic3A_264 = vector.broadcast %shift_right_arithmetic3A_263 : i32 to vector<16xi32>
      %shift_right_arithmetic3A_265 = arith.shrsi %get3A_262, %shift_right_arithmetic3A_264 : vector<16xi32>
      %shift_left3A_266 = arith.constant 11 : i32
      %shift_left3A_267 = vector.broadcast %shift_left3A_266 : i32 to vector<16xi32>
      %shift_left3A_268 = arith.shli %shift_right_arithmetic3A_265, %shift_left3A_267 : vector<16xi32>
      %and3A_269 = arith.constant 1023 : i32
      %and3A_270 = vector.broadcast %and3A_269 : i32 to vector<16xi32>
      %and3A_271 = arith.andi %get3A_262, %and3A_270 : vector<16xi32>
      %add3A_272 = arith.addi %shift_left3A_268, %and3A_271 : vector<16xi32>
      %max3A_273 = arith.constant 0.000000e+00 : f32
      %max3A_274 = vector.broadcast %max3A_273 : f32 to vector<16xf32>
      %max3A_275 = arith.maximumf %get3A_257, %max3A_274 : vector<16xf32>
      %swap3A_276 = arith.constant 0 : i32
      %swap3A_277 = arith.index_cast %swap3A_276 : i32 to index
      %swap3A_278 = arith.constant 16 : index
      %swap3A_279 = tpu.vector_load %arg18[%swap3A_277, %swap3A_278] {strides = array<i32>} : memref<2x128xf32, #tpu.memory_space<vmem>>, vector<1x16xf32>,
      %swap3A_280 = vector.shape_cast %swap3A_279 : vector<1x16xf32> to vector<16xf32>
      %swap3A_281 = vector.shape_cast %max3A_275 : vector<16xf32> to vector<1x16xf32>
      tpu.vector_store %arg18[%swap3A_277, %swap3A_278], %swap3A_281 {strides = array<i32>} : memref<2x128xf32, #tpu.memory_space<vmem>>, vector<1x16xf32>,
      %neg3A_282 = arith.constant 0.000000e+00 : f32
      %neg3A_283 = vector.broadcast %neg3A_282 : f32 to vector<16xf32>
      %neg3A_284 = arith.subf %neg3A_283, %get3A_257 : vector<16xf32>
      %max3A_285 = arith.constant 0.000000e+00 : f32
      %max3A_286 = vector.broadcast %max3A_285 : f32 to vector<16xf32>
      %max3A_287 = arith.maximumf %neg3A_284, %max3A_286 : vector<16xf32>
      %swap3A_288 = arith.constant 1 : i32
      %swap3A_289 = arith.index_cast %swap3A_288 : i32 to index
      %swap3A_290 = arith.constant 16 : index
      %swap3A_291 = tpu.vector_load %arg18[%swap3A_289, %swap3A_290] {strides = array<i32>} : memref<2x128xf32, #tpu.memory_space<vmem>>, vector<1x16xf32>,
      %swap3A_292 = vector.shape_cast %swap3A_291 : vector<1x16xf32> to vector<16xf32>
      %swap3A_293 = vector.shape_cast %max3A_287 : vector<16xf32> to vector<1x16xf32>
      tpu.vector_store %arg18[%swap3A_289, %swap3A_290], %swap3A_293 {strides = array<i32>} : memref<2x128xf32, #tpu.memory_space<vmem>>, vector<1x16xf32>,
      %swap3A_294 = arith.constant 0 : i32
      %swap3A_295 = arith.index_cast %swap3A_294 : i32 to index
      %swap3A_296 = arith.constant 16 : index
      %swap3A_297 = tpu.vector_load %arg19[%swap3A_295, %swap3A_296] {strides = array<i32>} : memref<2x128xi32, #tpu.memory_space<vmem>>, vector<1x16xi32>,
      %swap3A_298 = vector.shape_cast %swap3A_297 : vector<1x16xi32> to vector<16xi32>
      %swap3A_299 = vector.shape_cast %add3A_272 : vector<16xi32> to vector<1x16xi32>
      tpu.vector_store %arg19[%swap3A_295, %swap3A_296], %swap3A_299 {strides = array<i32>} : memref<2x128xi32, #tpu.memory_space<vmem>>, vector<1x16xi32>,
      %add3A_300 = arith.constant 1024 : i32
      %add3A_301 = vector.broadcast %add3A_300 : i32 to vector<16xi32>
      %add3A_302 = arith.addi %add3A_272, %add3A_301 : vector<16xi32>
      %swap3A_303 = arith.constant 1 : i32
      %swap3A_304 = arith.index_cast %swap3A_303 : i32 to index
      %swap3A_305 = arith.constant 16 : index
      %swap3A_306 = tpu.vector_load %arg19[%swap3A_304, %swap3A_305] {strides = array<i32>} : memref<2x128xi32, #tpu.memory_space<vmem>>, vector<1x16xi32>,
      %swap3A_307 = vector.shape_cast %swap3A_306 : vector<1x16xi32> to vector<16xi32>
      %swap3A_308 = vector.shape_cast %add3A_302 : vector<16xi32> to vector<1x16xi32>
      tpu.vector_store %arg19[%swap3A_304, %swap3A_305], %swap3A_308 {strides = array<i32>} : memref<2x128xi32, #tpu.memory_space<vmem>>, vector<1x16xi32>,
      %get3A_309 = arith.constant 0 : i32
      %get3A_310 = arith.index_cast %get3A_309 : i32 to index
      %get3A_311 = arith.constant 32 : index
      %get3A_312 = tpu.vector_load %arg14[%get3A_310, %get3A_311] {strides = array<i32>} : memref<1x128xf32, #tpu.memory_space<vmem>>, vector<1x16xf32>,
      %get3A_313 = vector.shape_cast %get3A_312 : vector<1x16xf32> to vector<16xf32>
      %get3A_314 = arith.constant 0 : i32
      %get3A_315 = arith.index_cast %get3A_314 : i32 to index
      %get3A_316 = arith.constant 32 : index
      %get3A_317 = tpu.vector_load %arg12[%get3A_315, %get3A_316] {strides = array<i32>} : memref<1x128xi32, #tpu.memory_space<vmem>>, vector<1x16xi32>,
      %get3A_318 = vector.shape_cast %get3A_317 : vector<1x16xi32> to vector<16xi32>
      %shift_right_arithmetic3A_319 = arith.constant 10 : i32
      %shift_right_arithmetic3A_320 = vector.broadcast %shift_right_arithmetic3A_319 : i32 to vector<16xi32>
      %shift_right_arithmetic3A_321 = arith.shrsi %get3A_318, %shift_right_arithmetic3A_320 : vector<16xi32>
      %shift_left3A_322 = arith.constant 11 : i32
      %shift_left3A_323 = vector.broadcast %shift_left3A_322 : i32 to vector<16xi32>
      %shift_left3A_324 = arith.shli %shift_right_arithmetic3A_321, %shift_left3A_323 : vector<16xi32>
      %and3A_325 = arith.constant 1023 : i32
      %and3A_326 = vector.broadcast %and3A_325 : i32 to vector<16xi32>
      %and3A_327 = arith.andi %get3A_318, %and3A_326 : vector<16xi32>
      %add3A_328 = arith.addi %shift_left3A_324, %and3A_327 : vector<16xi32>
      %max3A_329 = arith.constant 0.000000e+00 : f32
      %max3A_330 = vector.broadcast %max3A_329 : f32 to vector<16xf32>
      %max3A_331 = arith.maximumf %get3A_313, %max3A_330 : vector<16xf32>
      %swap3A_332 = arith.constant 0 : i32
      %swap3A_333 = arith.index_cast %swap3A_332 : i32 to index
      %swap3A_334 = arith.constant 32 : index
      %swap3A_335 = tpu.vector_load %arg18[%swap3A_333, %swap3A_334] {strides = array<i32>} : memref<2x128xf32, #tpu.memory_space<vmem>>, vector<1x16xf32>,
      %swap3A_336 = vector.shape_cast %swap3A_335 : vector<1x16xf32> to vector<16xf32>
      %swap3A_337 = vector.shape_cast %max3A_331 : vector<16xf32> to vector<1x16xf32>
      tpu.vector_store %arg18[%swap3A_333, %swap3A_334], %swap3A_337 {strides = array<i32>} : memref<2x128xf32, #tpu.memory_space<vmem>>, vector<1x16xf32>,
      %neg3A_338 = arith.constant 0.000000e+00 : f32
      %neg3A_339 = vector.broadcast %neg3A_338 : f32 to vector<16xf32>
      %neg3A_340 = arith.subf %neg3A_339, %get3A_313 : vector<16xf32>
      %max3A_341 = arith.constant 0.000000e+00 : f32
      %max3A_342 = vector.broadcast %max3A_341 : f32 to vector<16xf32>
      %max3A_343 = arith.maximumf %neg3A_340, %max3A_342 : vector<16xf32>
      %swap3A_344 = arith.constant 1 : i32
      %swap3A_345 = arith.index_cast %swap3A_344 : i32 to index
      %swap3A_346 = arith.constant 32 : index
      %swap3A_347 = tpu.vector_load %arg18[%swap3A_345, %swap3A_346] {strides = array<i32>} : memref<2x128xf32, #tpu.memory_space<vmem>>, vector<1x16xf32>,
      %swap3A_348 = vector.shape_cast %swap3A_347 : vector<1x16xf32> to vector<16xf32>
      %swap3A_349 = vector.shape_cast %max3A_343 : vector<16xf32> to vector<1x16xf32>
      tpu.vector_store %arg18[%swap3A_345, %swap3A_346], %swap3A_349 {strides = array<i32>} : memref<2x128xf32, #tpu.memory_space<vmem>>, vector<1x16xf32>,
      %swap3A_350 = arith.constant 0 : i32
      %swap3A_351 = arith.index_cast %swap3A_350 : i32 to index
      %swap3A_352 = arith.constant 32 : index
      %swap3A_353 = tpu.vector_load %arg19[%swap3A_351, %swap3A_352] {strides = array<i32>} : memref<2x128xi32, #tpu.memory_space<vmem>>, vector<1x16xi32>,
      %swap3A_354 = vector.shape_cast %swap3A_353 : vector<1x16xi32> to vector<16xi32>
      %swap3A_355 = vector.shape_cast %add3A_328 : vector<16xi32> to vector<1x16xi32>
      tpu.vector_store %arg19[%swap3A_351, %swap3A_352], %swap3A_355 {strides = array<i32>} : memref<2x128xi32, #tpu.memory_space<vmem>>, vector<1x16xi32>,
      %add3A_356 = arith.constant 1024 : i32
      %add3A_357 = vector.broadcast %add3A_356 : i32 to vector<16xi32>
      %add3A_358 = arith.addi %add3A_328, %add3A_357 : vector<16xi32>
      %swap3A_359 = arith.constant 1 : i32
      %swap3A_360 = arith.index_cast %swap3A_359 : i32 to index
      %swap3A_361 = arith.constant 32 : index
      %swap3A_362 = tpu.vector_load %arg19[%swap3A_360, %swap3A_361] {strides = array<i32>} : memref<2x128xi32, #tpu.memory_space<vmem>>, vector<1x16xi32>,
      %swap3A_363 = vector.shape_cast %swap3A_362 : vector<1x16xi32> to vector<16xi32>
      %swap3A_364 = vector.shape_cast %add3A_358 : vector<16xi32> to vector<1x16xi32>
      tpu.vector_store %arg19[%swap3A_360, %swap3A_361], %swap3A_364 {strides = array<i32>} : memref<2x128xi32, #tpu.memory_space<vmem>>, vector<1x16xi32>,
      %get3A_365 = arith.constant 0 : i32
      %get3A_366 = arith.index_cast %get3A_365 : i32 to index
      %get3A_367 = arith.constant 48 : index
      %get3A_368 = tpu.vector_load %arg14[%get3A_366, %get3A_367] {strides = array<i32>} : memref<1x128xf32, #tpu.memory_space<vmem>>, vector<1x16xf32>,
      %get3A_369 = vector.shape_cast %get3A_368 : vector<1x16xf32> to vector<16xf32>
      %get3A_370 = arith.constant 0 : i32
      %get3A_371 = arith.index_cast %get3A_370 : i32 to index
      %get3A_372 = arith.constant 48 : index
      %get3A_373 = tpu.vector_load %arg12[%get3A_371, %get3A_372] {strides = array<i32>} : memref<1x128xi32, #tpu.memory_space<vmem>>, vector<1x16xi32>,
      %get3A_374 = vector.shape_cast %get3A_373 : vector<1x16xi32> to vector<16xi32>
      %shift_right_arithmetic3A_375 = arith.constant 10 : i32
      %shift_right_arithmetic3A_376 = vector.broadcast %shift_right_arithmetic3A_375 : i32 to vector<16xi32>
      %shift_right_arithmetic3A_377 = arith.shrsi %get3A_374, %shift_right_arithmetic3A_376 : vector<16xi32>
      %shift_left3A_378 = arith.constant 11 : i32
      %shift_left3A_379 = vector.broadcast %shift_left3A_378 : i32 to vector<16xi32>
      %shift_left3A_380 = arith.shli %shift_right_arithmetic3A_377, %shift_left3A_379 : vector<16xi32>
      %and3A_381 = arith.constant 1023 : i32
      %and3A_382 = vector.broadcast %and3A_381 : i32 to vector<16xi32>
      %and3A_383 = arith.andi %get3A_374, %and3A_382 : vector<16xi32>
      %add3A_384 = arith.addi %shift_left3A_380, %and3A_383 : vector<16xi32>
      %max3A_385 = arith.constant 0.000000e+00 : f32
      %max3A_386 = vector.broadcast %max3A_385 : f32 to vector<16xf32>
      %max3A_387 = arith.maximumf %get3A_369, %max3A_386 : vector<16xf32>
      %swap3A_388 = arith.constant 0 : i32
      %swap3A_389 = arith.index_cast %swap3A_388 : i32 to index
      %swap3A_390 = arith.constant 48 : index
      %swap3A_391 = tpu.vector_load %arg18[%swap3A_389, %swap3A_390] {strides = array<i32>} : memref<2x128xf32, #tpu.memory_space<vmem>>, vector<1x16xf32>,
      %swap3A_392 = vector.shape_cast %swap3A_391 : vector<1x16xf32> to vector<16xf32>
      %swap3A_393 = vector.shape_cast %max3A_387 : vector<16xf32> to vector<1x16xf32>
      tpu.vector_store %arg18[%swap3A_389, %swap3A_390], %swap3A_393 {strides = array<i32>} : memref<2x128xf32, #tpu.memory_space<vmem>>, vector<1x16xf32>,
      %neg3A_394 = arith.constant 0.000000e+00 : f32
      %neg3A_395 = vector.broadcast %neg3A_394 : f32 to vector<16xf32>
      %neg3A_396 = arith.subf %neg3A_395, %get3A_369 : vector<16xf32>
      %max3A_397 = arith.constant 0.000000e+00 : f32
      %max3A_398 = vector.broadcast %max3A_397 : f32 to vector<16xf32>
      %max3A_399 = arith.maximumf %neg3A_396, %max3A_398 : vector<16xf32>
      %swap3A_400 = arith.constant 1 : i32
      %swap3A_401 = arith.index_cast %swap3A_400 : i32 to index
      %swap3A_402 = arith.constant 48 : index
      %swap3A_403 = tpu.vector_load %arg18[%swap3A_401, %swap3A_402] {strides = array<i32>} : memref<2x128xf32, #tpu.memory_space<vmem>>, vector<1x16xf32>,
      %swap3A_404 = vector.shape_cast %swap3A_403 : vector<1x16xf32> to vector<16xf32>
      %swap3A_405 = vector.shape_cast %max3A_399 : vector<16xf32> to vector<1x16xf32>
      tpu.vector_store %arg18[%swap3A_401, %swap3A_402], %swap3A_405 {strides = array<i32>} : memref<2x128xf32, #tpu.memory_space<vmem>>, vector<1x16xf32>,
      %swap3A_406 = arith.constant 0 : i32
      %swap3A_407 = arith.index_cast %swap3A_406 : i32 to index
      %swap3A_408 = arith.constant 48 : index
      %swap3A_409 = tpu.vector_load %arg19[%swap3A_407, %swap3A_408] {strides = array<i32>} : memref<2x128xi32, #tpu.memory_space<vmem>>, vector<1x16xi32>,
      %swap3A_410 = vector.shape_cast %swap3A_409 : vector<1x16xi32> to vector<16xi32>
      %swap3A_411 = vector.shape_cast %add3A_384 : vector<16xi32> to vector<1x16xi32>
      tpu.vector_store %arg19[%swap3A_407, %swap3A_408], %swap3A_411 {strides = array<i32>} : memref<2x128xi32, #tpu.memory_space<vmem>>, vector<1x16xi32>,
      %add3A_412 = arith.constant 1024 : i32
      %add3A_413 = vector.broadcast %add3A_412 : i32 to vector<16xi32>
      %add3A_414 = arith.addi %add3A_384, %add3A_413 : vector<16xi32>
      %swap3A_415 = arith.constant 1 : i32
      %swap3A_416 = arith.index_cast %swap3A_415 : i32 to index
      %swap3A_417 = arith.constant 48 : index
      %swap3A_418 = tpu.vector_load %arg19[%swap3A_416, %swap3A_417] {strides = array<i32>} : memref<2x128xi32, #tpu.memory_space<vmem>>, vector<1x16xi32>,
      %swap3A_419 = vector.shape_cast %swap3A_418 : vector<1x16xi32> to vector<16xi32>
      %swap3A_420 = vector.shape_cast %add3A_414 : vector<16xi32> to vector<1x16xi32>
      tpu.vector_store %arg19[%swap3A_416, %swap3A_417], %swap3A_420 {strides = array<i32>} : memref<2x128xi32, #tpu.memory_space<vmem>>, vector<1x16xi32>,
      %get3A_421 = arith.constant 0 : i32
      %get3A_422 = arith.index_cast %get3A_421 : i32 to index
      %get3A_423 = arith.constant 64 : index
      %get3A_424 = tpu.vector_load %arg14[%get3A_422, %get3A_423] {strides = array<i32>} : memref<1x128xf32, #tpu.memory_space<vmem>>, vector<1x16xf32>,
      %get3A_425 = vector.shape_cast %get3A_424 : vector<1x16xf32> to vector<16xf32>
      %get3A_426 = arith.constant 0 : i32
      %get3A_427 = arith.index_cast %get3A_426 : i32 to index
      %get3A_428 = arith.constant 64 : index
      %get3A_429 = tpu.vector_load %arg12[%get3A_427, %get3A_428] {strides = array<i32>} : memref<1x128xi32, #tpu.memory_space<vmem>>, vector<1x16xi32>,
      %get3A_430 = vector.shape_cast %get3A_429 : vector<1x16xi32> to vector<16xi32>
      %shift_right_arithmetic3A_431 = arith.constant 10 : i32
      %shift_right_arithmetic3A_432 = vector.broadcast %shift_right_arithmetic3A_431 : i32 to vector<16xi32>
      %shift_right_arithmetic3A_433 = arith.shrsi %get3A_430, %shift_right_arithmetic3A_432 : vector<16xi32>
      %shift_left3A_434 = arith.constant 11 : i32
      %shift_left3A_435 = vector.broadcast %shift_left3A_434 : i32 to vector<16xi32>
      %shift_left3A_436 = arith.shli %shift_right_arithmetic3A_433, %shift_left3A_435 : vector<16xi32>
      %and3A_437 = arith.constant 1023 : i32
      %and3A_438 = vector.broadcast %and3A_437 : i32 to vector<16xi32>
      %and3A_439 = arith.andi %get3A_430, %and3A_438 : vector<16xi32>
      %add3A_440 = arith.addi %shift_left3A_436, %and3A_439 : vector<16xi32>
      %max3A_441 = arith.constant 0.000000e+00 : f32
      %max3A_442 = vector.broadcast %max3A_441 : f32 to vector<16xf32>
      %max3A_443 = arith.maximumf %get3A_425, %max3A_442 : vector<16xf32>
      %swap3A_444 = arith.constant 0 : i32
      %swap3A_445 = arith.index_cast %swap3A_444 : i32 to index
      %swap3A_446 = arith.constant 64 : index
      %swap3A_447 = tpu.vector_load %arg18[%swap3A_445, %swap3A_446] {strides = array<i32>} : memref<2x128xf32, #tpu.memory_space<vmem>>, vector<1x16xf32>,
      %swap3A_448 = vector.shape_cast %swap3A_447 : vector<1x16xf32> to vector<16xf32>
      %swap3A_449 = vector.shape_cast %max3A_443 : vector<16xf32> to vector<1x16xf32>
      tpu.vector_store %arg18[%swap3A_445, %swap3A_446], %swap3A_449 {strides = array<i32>} : memref<2x128xf32, #tpu.memory_space<vmem>>, vector<1x16xf32>,
      %neg3A_450 = arith.constant 0.000000e+00 : f32
      %neg3A_451 = vector.broadcast %neg3A_450 : f32 to vector<16xf32>
      %neg3A_452 = arith.subf %neg3A_451, %get3A_425 : vector<16xf32>
      %max3A_453 = arith.constant 0.000000e+00 : f32
      %max3A_454 = vector.broadcast %max3A_453 : f32 to vector<16xf32>
      %max3A_455 = arith.maximumf %neg3A_452, %max3A_454 : vector<16xf32>
      %swap3A_456 = arith.constant 1 : i32
      %swap3A_457 = arith.index_cast %swap3A_456 : i32 to index
      %swap3A_458 = arith.constant 64 : index
      %swap3A_459 = tpu.vector_load %arg18[%swap3A_457, %swap3A_458] {strides = array<i32>} : memref<2x128xf32, #tpu.memory_space<vmem>>, vector<1x16xf32>,
      %swap3A_460 = vector.shape_cast %swap3A_459 : vector<1x16xf32> to vector<16xf32>
      %swap3A_461 = vector.shape_cast %max3A_455 : vector<16xf32> to vector<1x16xf32>
      tpu.vector_store %arg18[%swap3A_457, %swap3A_458], %swap3A_461 {strides = array<i32>} : memref<2x128xf32, #tpu.memory_space<vmem>>, vector<1x16xf32>,
      %swap3A_462 = arith.constant 0 : i32
      %swap3A_463 = arith.index_cast %swap3A_462 : i32 to index
      %swap3A_464 = arith.constant 64 : index
      %swap3A_465 = tpu.vector_load %arg19[%swap3A_463, %swap3A_464] {strides = array<i32>} : memref<2x128xi32, #tpu.memory_space<vmem>>, vector<1x16xi32>,
      %swap3A_466 = vector.shape_cast %swap3A_465 : vector<1x16xi32> to vector<16xi32>
      %swap3A_467 = vector.shape_cast %add3A_440 : vector<16xi32> to vector<1x16xi32>
      tpu.vector_store %arg19[%swap3A_463, %swap3A_464], %swap3A_467 {strides = array<i32>} : memref<2x128xi32, #tpu.memory_space<vmem>>, vector<1x16xi32>,
      %add3A_468 = arith.constant 1024 : i32
      %add3A_469 = vector.broadcast %add3A_468 : i32 to vector<16xi32>
      %add3A_470 = arith.addi %add3A_440, %add3A_469 : vector<16xi32>
      %swap3A_471 = arith.constant 1 : i32
      %swap3A_472 = arith.index_cast %swap3A_471 : i32 to index
      %swap3A_473 = arith.constant 64 : index
      %swap3A_474 = tpu.vector_load %arg19[%swap3A_472, %swap3A_473] {strides = array<i32>} : memref<2x128xi32, #tpu.memory_space<vmem>>, vector<1x16xi32>,
      %swap3A_475 = vector.shape_cast %swap3A_474 : vector<1x16xi32> to vector<16xi32>
      %swap3A_476 = vector.shape_cast %add3A_470 : vector<16xi32> to vector<1x16xi32>
      tpu.vector_store %arg19[%swap3A_472, %swap3A_473], %swap3A_476 {strides = array<i32>} : memref<2x128xi32, #tpu.memory_space<vmem>>, vector<1x16xi32>,
      %get3A_477 = arith.constant 0 : i32
      %get3A_478 = arith.index_cast %get3A_477 : i32 to index
      %get3A_479 = arith.constant 80 : index
      %get3A_480 = tpu.vector_load %arg14[%get3A_478, %get3A_479] {strides = array<i32>} : memref<1x128xf32, #tpu.memory_space<vmem>>, vector<1x16xf32>,
      %get3A_481 = vector.shape_cast %get3A_480 : vector<1x16xf32> to vector<16xf32>
      %get3A_482 = arith.constant 0 : i32
      %get3A_483 = arith.index_cast %get3A_482 : i32 to index
      %get3A_484 = arith.constant 80 : index
      %get3A_485 = tpu.vector_load %arg12[%get3A_483, %get3A_484] {strides = array<i32>} : memref<1x128xi32, #tpu.memory_space<vmem>>, vector<1x16xi32>,
      %get3A_486 = vector.shape_cast %get3A_485 : vector<1x16xi32> to vector<16xi32>
      %shift_right_arithmetic3A_487 = arith.constant 10 : i32
      %shift_right_arithmetic3A_488 = vector.broadcast %shift_right_arithmetic3A_487 : i32 to vector<16xi32>
      %shift_right_arithmetic3A_489 = arith.shrsi %get3A_486, %shift_right_arithmetic3A_488 : vector<16xi32>
      %shift_left3A_490 = arith.constant 11 : i32
      %shift_left3A_491 = vector.broadcast %shift_left3A_490 : i32 to vector<16xi32>
      %shift_left3A_492 = arith.shli %shift_right_arithmetic3A_489, %shift_left3A_491 : vector<16xi32>
      %and3A_493 = arith.constant 1023 : i32
      %and3A_494 = vector.broadcast %and3A_493 : i32 to vector<16xi32>
      %and3A_495 = arith.andi %get3A_486, %and3A_494 : vector<16xi32>
      %add3A_496 = arith.addi %shift_left3A_492, %and3A_495 : vector<16xi32>
      %max3A_497 = arith.constant 0.000000e+00 : f32
      %max3A_498 = vector.broadcast %max3A_497 : f32 to vector<16xf32>
      %max3A_499 = arith.maximumf %get3A_481, %max3A_498 : vector<16xf32>
      %swap3A_500 = arith.constant 0 : i32
      %swap3A_501 = arith.index_cast %swap3A_500 : i32 to index
      %swap3A_502 = arith.constant 80 : index
      %swap3A_503 = tpu.vector_load %arg18[%swap3A_501, %swap3A_502] {strides = array<i32>} : memref<2x128xf32, #tpu.memory_space<vmem>>, vector<1x16xf32>,
      %swap3A_504 = vector.shape_cast %swap3A_503 : vector<1x16xf32> to vector<16xf32>
      %swap3A_505 = vector.shape_cast %max3A_499 : vector<16xf32> to vector<1x16xf32>
      tpu.vector_store %arg18[%swap3A_501, %swap3A_502], %swap3A_505 {strides = array<i32>} : memref<2x128xf32, #tpu.memory_space<vmem>>, vector<1x16xf32>,
      %neg3A_506 = arith.constant 0.000000e+00 : f32
      %neg3A_507 = vector.broadcast %neg3A_506 : f32 to vector<16xf32>
      %neg3A_508 = arith.subf %neg3A_507, %get3A_481 : vector<16xf32>
      %max3A_509 = arith.constant 0.000000e+00 : f32
      %max3A_510 = vector.broadcast %max3A_509 : f32 to vector<16xf32>
      %max3A_511 = arith.maximumf %neg3A_508, %max3A_510 : vector<16xf32>
      %swap3A_512 = arith.constant 1 : i32
      %swap3A_513 = arith.index_cast %swap3A_512 : i32 to index
      %swap3A_514 = arith.constant 80 : index
      %swap3A_515 = tpu.vector_load %arg18[%swap3A_513, %swap3A_514] {strides = array<i32>} : memref<2x128xf32, #tpu.memory_space<vmem>>, vector<1x16xf32>,
      %swap3A_516 = vector.shape_cast %swap3A_515 : vector<1x16xf32> to vector<16xf32>
      %swap3A_517 = vector.shape_cast %max3A_511 : vector<16xf32> to vector<1x16xf32>
      tpu.vector_store %arg18[%swap3A_513, %swap3A_514], %swap3A_517 {strides = array<i32>} : memref<2x128xf32, #tpu.memory_space<vmem>>, vector<1x16xf32>,
      %swap3A_518 = arith.constant 0 : i32
      %swap3A_519 = arith.index_cast %swap3A_518 : i32 to index
      %swap3A_520 = arith.constant 80 : index
      %swap3A_521 = tpu.vector_load %arg19[%swap3A_519, %swap3A_520] {strides = array<i32>} : memref<2x128xi32, #tpu.memory_space<vmem>>, vector<1x16xi32>,
      %swap3A_522 = vector.shape_cast %swap3A_521 : vector<1x16xi32> to vector<16xi32>
      %swap3A_523 = vector.shape_cast %add3A_496 : vector<16xi32> to vector<1x16xi32>
      tpu.vector_store %arg19[%swap3A_519, %swap3A_520], %swap3A_523 {strides = array<i32>} : memref<2x128xi32, #tpu.memory_space<vmem>>, vector<1x16xi32>,
      %add3A_524 = arith.constant 1024 : i32
      %add3A_525 = vector.broadcast %add3A_524 : i32 to vector<16xi32>
      %add3A_526 = arith.addi %add3A_496, %add3A_525 : vector<16xi32>
      %swap3A_527 = arith.constant 1 : i32
      %swap3A_528 = arith.index_cast %swap3A_527 : i32 to index
      %swap3A_529 = arith.constant 80 : index
      %swap3A_530 = tpu.vector_load %arg19[%swap3A_528, %swap3A_529] {strides = array<i32>} : memref<2x128xi32, #tpu.memory_space<vmem>>, vector<1x16xi32>,
      %swap3A_531 = vector.shape_cast %swap3A_530 : vector<1x16xi32> to vector<16xi32>
      %swap3A_532 = vector.shape_cast %add3A_526 : vector<16xi32> to vector<1x16xi32>
      tpu.vector_store %arg19[%swap3A_528, %swap3A_529], %swap3A_532 {strides = array<i32>} : memref<2x128xi32, #tpu.memory_space<vmem>>, vector<1x16xi32>,
      %get3A_533 = arith.constant 0 : i32
      %get3A_534 = arith.index_cast %get3A_533 : i32 to index
      %get3A_535 = arith.constant 96 : index
      %get3A_536 = tpu.vector_load %arg14[%get3A_534, %get3A_535] {strides = array<i32>} : memref<1x128xf32, #tpu.memory_space<vmem>>, vector<1x16xf32>,
      %get3A_537 = vector.shape_cast %get3A_536 : vector<1x16xf32> to vector<16xf32>
      %get3A_538 = arith.constant 0 : i32
      %get3A_539 = arith.index_cast %get3A_538 : i32 to index
      %get3A_540 = arith.constant 96 : index
      %get3A_541 = tpu.vector_load %arg12[%get3A_539, %get3A_540] {strides = array<i32>} : memref<1x128xi32, #tpu.memory_space<vmem>>, vector<1x16xi32>,
      %get3A_542 = vector.shape_cast %get3A_541 : vector<1x16xi32> to vector<16xi32>
      %shift_right_arithmetic3A_543 = arith.constant 10 : i32
      %shift_right_arithmetic3A_544 = vector.broadcast %shift_right_arithmetic3A_543 : i32 to vector<16xi32>
      %shift_right_arithmetic3A_545 = arith.shrsi %get3A_542, %shift_right_arithmetic3A_544 : vector<16xi32>
      %shift_left3A_546 = arith.constant 11 : i32
      %shift_left3A_547 = vector.broadcast %shift_left3A_546 : i32 to vector<16xi32>
      %shift_left3A_548 = arith.shli %shift_right_arithmetic3A_545, %shift_left3A_547 : vector<16xi32>
      %and3A_549 = arith.constant 1023 : i32
      %and3A_550 = vector.broadcast %and3A_549 : i32 to vector<16xi32>
      %and3A_551 = arith.andi %get3A_542, %and3A_550 : vector<16xi32>
      %add3A_552 = arith.addi %shift_left3A_548, %and3A_551 : vector<16xi32>
      %max3A_553 = arith.constant 0.000000e+00 : f32
      %max3A_554 = vector.broadcast %max3A_553 : f32 to vector<16xf32>
      %max3A_555 = arith.maximumf %get3A_537, %max3A_554 : vector<16xf32>
      %swap3A_556 = arith.constant 0 : i32
      %swap3A_557 = arith.index_cast %swap3A_556 : i32 to index
      %swap3A_558 = arith.constant 96 : index
      %swap3A_559 = tpu.vector_load %arg18[%swap3A_557, %swap3A_558] {strides = array<i32>} : memref<2x128xf32, #tpu.memory_space<vmem>>, vector<1x16xf32>,
      %swap3A_560 = vector.shape_cast %swap3A_559 : vector<1x16xf32> to vector<16xf32>
      %swap3A_561 = vector.shape_cast %max3A_555 : vector<16xf32> to vector<1x16xf32>
      tpu.vector_store %arg18[%swap3A_557, %swap3A_558], %swap3A_561 {strides = array<i32>} : memref<2x128xf32, #tpu.memory_space<vmem>>, vector<1x16xf32>,
      %neg3A_562 = arith.constant 0.000000e+00 : f32
      %neg3A_563 = vector.broadcast %neg3A_562 : f32 to vector<16xf32>
      %neg3A_564 = arith.subf %neg3A_563, %get3A_537 : vector<16xf32>
      %max3A_565 = arith.constant 0.000000e+00 : f32
      %max3A_566 = vector.broadcast %max3A_565 : f32 to vector<16xf32>
      %max3A_567 = arith.maximumf %neg3A_564, %max3A_566 : vector<16xf32>
      %swap3A_568 = arith.constant 1 : i32
      %swap3A_569 = arith.index_cast %swap3A_568 : i32 to index
      %swap3A_570 = arith.constant 96 : index
      %swap3A_571 = tpu.vector_load %arg18[%swap3A_569, %swap3A_570] {strides = array<i32>} : memref<2x128xf32, #tpu.memory_space<vmem>>, vector<1x16xf32>,
      %swap3A_572 = vector.shape_cast %swap3A_571 : vector<1x16xf32> to vector<16xf32>
      %swap3A_573 = vector.shape_cast %max3A_567 : vector<16xf32> to vector<1x16xf32>
      tpu.vector_store %arg18[%swap3A_569, %swap3A_570], %swap3A_573 {strides = array<i32>} : memref<2x128xf32, #tpu.memory_space<vmem>>, vector<1x16xf32>,
      %swap3A_574 = arith.constant 0 : i32
      %swap3A_575 = arith.index_cast %swap3A_574 : i32 to index
      %swap3A_576 = arith.constant 96 : index
      %swap3A_577 = tpu.vector_load %arg19[%swap3A_575, %swap3A_576] {strides = array<i32>} : memref<2x128xi32, #tpu.memory_space<vmem>>, vector<1x16xi32>,
      %swap3A_578 = vector.shape_cast %swap3A_577 : vector<1x16xi32> to vector<16xi32>
      %swap3A_579 = vector.shape_cast %add3A_552 : vector<16xi32> to vector<1x16xi32>
      tpu.vector_store %arg19[%swap3A_575, %swap3A_576], %swap3A_579 {strides = array<i32>} : memref<2x128xi32, #tpu.memory_space<vmem>>, vector<1x16xi32>,
      %add3A_580 = arith.constant 1024 : i32
      %add3A_581 = vector.broadcast %add3A_580 : i32 to vector<16xi32>
      %add3A_582 = arith.addi %add3A_552, %add3A_581 : vector<16xi32>
      %swap3A_583 = arith.constant 1 : i32
      %swap3A_584 = arith.index_cast %swap3A_583 : i32 to index
      %swap3A_585 = arith.constant 96 : index
      %swap3A_586 = tpu.vector_load %arg19[%swap3A_584, %swap3A_585] {strides = array<i32>} : memref<2x128xi32, #tpu.memory_space<vmem>>, vector<1x16xi32>,
      %swap3A_587 = vector.shape_cast %swap3A_586 : vector<1x16xi32> to vector<16xi32>
      %swap3A_588 = vector.shape_cast %add3A_582 : vector<16xi32> to vector<1x16xi32>
      tpu.vector_store %arg19[%swap3A_584, %swap3A_585], %swap3A_588 {strides = array<i32>} : memref<2x128xi32, #tpu.memory_space<vmem>>, vector<1x16xi32>,
      %get3A_589 = arith.constant 0 : i32
      %get3A_590 = arith.index_cast %get3A_589 : i32 to index
      %get3A_591 = arith.constant 112 : index
      %get3A_592 = tpu.vector_load %arg14[%get3A_590, %get3A_591] {strides = array<i32>} : memref<1x128xf32, #tpu.memory_space<vmem>>, vector<1x16xf32>,
      %get3A_593 = vector.shape_cast %get3A_592 : vector<1x16xf32> to vector<16xf32>
      %get3A_594 = arith.constant 0 : i32
      %get3A_595 = arith.index_cast %get3A_594 : i32 to index
      %get3A_596 = arith.constant 112 : index
      %get3A_597 = tpu.vector_load %arg12[%get3A_595, %get3A_596] {strides = array<i32>} : memref<1x128xi32, #tpu.memory_space<vmem>>, vector<1x16xi32>,
      %get3A_598 = vector.shape_cast %get3A_597 : vector<1x16xi32> to vector<16xi32>
      %shift_right_arithmetic3A_599 = arith.constant 10 : i32
      %shift_right_arithmetic3A_600 = vector.broadcast %shift_right_arithmetic3A_599 : i32 to vector<16xi32>
      %shift_right_arithmetic3A_601 = arith.shrsi %get3A_598, %shift_right_arithmetic3A_600 : vector<16xi32>
      %shift_left3A_602 = arith.constant 11 : i32
      %shift_left3A_603 = vector.broadcast %shift_left3A_602 : i32 to vector<16xi32>
      %shift_left3A_604 = arith.shli %shift_right_arithmetic3A_601, %shift_left3A_603 : vector<16xi32>
      %and3A_605 = arith.constant 1023 : i32
      %and3A_606 = vector.broadcast %and3A_605 : i32 to vector<16xi32>
      %and3A_607 = arith.andi %get3A_598, %and3A_606 : vector<16xi32>
      %add3A_608 = arith.addi %shift_left3A_604, %and3A_607 : vector<16xi32>
      %max3A_609 = arith.constant 0.000000e+00 : f32
      %max3A_610 = vector.broadcast %max3A_609 : f32 to vector<16xf32>
      %max3A_611 = arith.maximumf %get3A_593, %max3A_610 : vector<16xf32>
      %swap3A_612 = arith.constant 0 : i32
      %swap3A_613 = arith.index_cast %swap3A_612 : i32 to index
      %swap3A_614 = arith.constant 112 : index
      %swap3A_615 = tpu.vector_load %arg18[%swap3A_613, %swap3A_614] {strides = array<i32>} : memref<2x128xf32, #tpu.memory_space<vmem>>, vector<1x16xf32>,
      %swap3A_616 = vector.shape_cast %swap3A_615 : vector<1x16xf32> to vector<16xf32>
      %swap3A_617 = vector.shape_cast %max3A_611 : vector<16xf32> to vector<1x16xf32>
      tpu.vector_store %arg18[%swap3A_613, %swap3A_614], %swap3A_617 {strides = array<i32>} : memref<2x128xf32, #tpu.memory_space<vmem>>, vector<1x16xf32>,
      %neg3A_618 = arith.constant 0.000000e+00 : f32
      %neg3A_619 = vector.broadcast %neg3A_618 : f32 to vector<16xf32>
      %neg3A_620 = arith.subf %neg3A_619, %get3A_593 : vector<16xf32>
      %max3A_621 = arith.constant 0.000000e+00 : f32
      %max3A_622 = vector.broadcast %max3A_621 : f32 to vector<16xf32>
      %max3A_623 = arith.maximumf %neg3A_620, %max3A_622 : vector<16xf32>
      %swap3A_624 = arith.constant 1 : i32
      %swap3A_625 = arith.index_cast %swap3A_624 : i32 to index
      %swap3A_626 = arith.constant 112 : index
      %swap3A_627 = tpu.vector_load %arg18[%swap3A_625, %swap3A_626] {strides = array<i32>} : memref<2x128xf32, #tpu.memory_space<vmem>>, vector<1x16xf32>,
      %swap3A_628 = vector.shape_cast %swap3A_627 : vector<1x16xf32> to vector<16xf32>
      %swap3A_629 = vector.shape_cast %max3A_623 : vector<16xf32> to vector<1x16xf32>
      tpu.vector_store %arg18[%swap3A_625, %swap3A_626], %swap3A_629 {strides = array<i32>} : memref<2x128xf32, #tpu.memory_space<vmem>>, vector<1x16xf32>,
      %swap3A_630 = arith.constant 0 : i32
      %swap3A_631 = arith.index_cast %swap3A_630 : i32 to index
      %swap3A_632 = arith.constant 112 : index
      %swap3A_633 = tpu.vector_load %arg19[%swap3A_631, %swap3A_632] {strides = array<i32>} : memref<2x128xi32, #tpu.memory_space<vmem>>, vector<1x16xi32>,
      %swap3A_634 = vector.shape_cast %swap3A_633 : vector<1x16xi32> to vector<16xi32>
      %swap3A_635 = vector.shape_cast %add3A_608 : vector<16xi32> to vector<1x16xi32>
      tpu.vector_store %arg19[%swap3A_631, %swap3A_632], %swap3A_635 {strides = array<i32>} : memref<2x128xi32, #tpu.memory_space<vmem>>, vector<1x16xi32>,
      %add3A_636 = arith.constant 1024 : i32
      %add3A_637 = vector.broadcast %add3A_636 : i32 to vector<16xi32>
      %add3A_638 = arith.addi %add3A_608, %add3A_637 : vector<16xi32>
      %swap3A_639 = arith.constant 1 : i32
      %swap3A_640 = arith.index_cast %swap3A_639 : i32 to index
      %swap3A_641 = arith.constant 112 : index
      %swap3A_642 = tpu.vector_load %arg19[%swap3A_640, %swap3A_641] {strides = array<i32>} : memref<2x128xi32, #tpu.memory_space<vmem>>, vector<1x16xi32>,
      %swap3A_643 = vector.shape_cast %swap3A_642 : vector<1x16xi32> to vector<16xi32>
      %swap3A_644 = vector.shape_cast %add3A_638 : vector<16xi32> to vector<1x16xi32>
      tpu.vector_store %arg19[%swap3A_640, %swap3A_641], %swap3A_644 {strides = array<i32>} : memref<2x128xi32, #tpu.memory_space<vmem>>, vector<1x16xi32>,
      %run_scoped3A = arith.constant 0 : i32
      %run_scoped3A_645 = arith.constant 0 : i32
      "tpu.region"() ({
        %run_scoped3A_1184 = tpu.sem_alloc : memref<!tpu.dma_semaphore, #tpu.memory_space<semaphore_mem>>
        %dma_start3A_1185 = arith.constant 0 : i32
        %dma_start3A_1186 = tpu.memref_slice %arg18[%run_scoped3A, %dma_start3A_1185] : memref<2x128xf32, #tpu.memory_space<vmem>> -> memref<1x128xf32, #tpu.memory_space<vmem>>
        %dma_start3A_1187 = tpu.memref_squeeze %dma_start3A_1186 : memref<1x128xf32, #tpu.memory_space<vmem>> -> memref<128xf32, #tpu.memory_space<vmem>>
        %dma_start3A_1188 = arith.constant 0 : i32
        %dma_start3A_1189 = tpu.memref_slice %arg19[%run_scoped3A_645, %dma_start3A_1188] : memref<2x128xi32, #tpu.memory_space<vmem>> -> memref<1x128xi32, #tpu.memory_space<vmem>>
        %dma_start3A_1190 = tpu.memref_squeeze %dma_start3A_1189 : memref<1x128xi32, #tpu.memory_space<vmem>> -> memref<128xi32, #tpu.memory_space<vmem>>
        %dma_start3A_1191 = arith.constant 0 : i32
        %dma_start3A_1192 = tpu.memref_slice %arg21[%dma_start3A_1191] : memref<20480xf32, #tpu.memory_space<vmem_shared>> -> memref<20480xf32, #tpu.memory_space<vmem_shared>>
        tpu.enqueue_indirect_dma source(%dma_start3A_1187 : memref<128xf32, #tpu.memory_space<vmem>>) target(%dma_start3A_1192 : memref<20480xf32, #tpu.memory_space<vmem_shared>>) offsets(%dma_start3A_1190 : memref<128xi32, #tpu.memory_space<vmem>>) semaphore(%run_scoped3A_1184 : memref<!tpu.dma_semaphore, #tpu.memory_space<semaphore_mem>>) {add = true}
        %dma_wait3A_1193 = arith.constant 0 : i32
        %dma_wait3A_1194 = tpu.memref_slice %arg18[%run_scoped3A, %dma_wait3A_1193] : memref<2x128xf32, #tpu.memory_space<vmem>> -> memref<1x128xf32, #tpu.memory_space<vmem>>
        %dma_wait3A_1195 = tpu.memref_squeeze %dma_wait3A_1194 : memref<1x128xf32, #tpu.memory_space<vmem>> -> memref<128xf32, #tpu.memory_space<vmem>>
        %dma_wait3A_1196 = arith.constant 0 : i32
        %dma_wait3A_1197 = tpu.memref_slice %arg19[%run_scoped3A_645, %dma_wait3A_1196] : memref<2x128xi32, #tpu.memory_space<vmem>> -> memref<1x128xi32, #tpu.memory_space<vmem>>
        %dma_wait3A_1198 = tpu.memref_squeeze %dma_wait3A_1197 : memref<1x128xi32, #tpu.memory_space<vmem>> -> memref<128xi32, #tpu.memory_space<vmem>>
        %dma_wait3A_1199 = arith.constant 0 : i32
        %dma_wait3A_1200 = tpu.memref_slice %arg21[%dma_wait3A_1199] : memref<20480xf32, #tpu.memory_space<vmem_shared>> -> memref<20480xf32, #tpu.memory_space<vmem_shared>>
        tpu.wait_indirect_dma semaphore(%run_scoped3A_1184 : memref<!tpu.dma_semaphore, #tpu.memory_space<semaphore_mem>>) src(%dma_wait3A_1195 : memref<128xf32, #tpu.memory_space<vmem>>) dst(%dma_wait3A_1200 : memref<20480xf32, #tpu.memory_space<vmem_shared>>)
        tpu.yield
      }) : () -> ()
      %run_scoped3A_646 = arith.constant 1 : i32
      %run_scoped3A_647 = arith.constant 1 : i32
      "tpu.region"() ({
        %run_scoped3A_1184 = tpu.sem_alloc : memref<!tpu.dma_semaphore, #tpu.memory_space<semaphore_mem>>
        %dma_start3A_1185 = arith.constant 0 : i32
        %dma_start3A_1186 = tpu.memref_slice %arg18[%run_scoped3A_646, %dma_start3A_1185] : memref<2x128xf32, #tpu.memory_space<vmem>> -> memref<1x128xf32, #tpu.memory_space<vmem>>
        %dma_start3A_1187 = tpu.memref_squeeze %dma_start3A_1186 : memref<1x128xf32, #tpu.memory_space<vmem>> -> memref<128xf32, #tpu.memory_space<vmem>>
        %dma_start3A_1188 = arith.constant 0 : i32
        %dma_start3A_1189 = tpu.memref_slice %arg19[%run_scoped3A_647, %dma_start3A_1188] : memref<2x128xi32, #tpu.memory_space<vmem>> -> memref<1x128xi32, #tpu.memory_space<vmem>>
        %dma_start3A_1190 = tpu.memref_squeeze %dma_start3A_1189 : memref<1x128xi32, #tpu.memory_space<vmem>> -> memref<128xi32, #tpu.memory_space<vmem>>
        %dma_start3A_1191 = arith.constant 0 : i32
        %dma_start3A_1192 = tpu.memref_slice %arg21[%dma_start3A_1191] : memref<20480xf32, #tpu.memory_space<vmem_shared>> -> memref<20480xf32, #tpu.memory_space<vmem_shared>>
        tpu.enqueue_indirect_dma source(%dma_start3A_1187 : memref<128xf32, #tpu.memory_space<vmem>>) target(%dma_start3A_1192 : memref<20480xf32, #tpu.memory_space<vmem_shared>>) offsets(%dma_start3A_1190 : memref<128xi32, #tpu.memory_space<vmem>>) semaphore(%run_scoped3A_1184 : memref<!tpu.dma_semaphore, #tpu.memory_space<semaphore_mem>>) {add = true}
        %dma_wait3A_1193 = arith.constant 0 : i32
        %dma_wait3A_1194 = tpu.memref_slice %arg18[%run_scoped3A_646, %dma_wait3A_1193] : memref<2x128xf32, #tpu.memory_space<vmem>> -> memref<1x128xf32, #tpu.memory_space<vmem>>
        %dma_wait3A_1195 = tpu.memref_squeeze %dma_wait3A_1194 : memref<1x128xf32, #tpu.memory_space<vmem>> -> memref<128xf32, #tpu.memory_space<vmem>>
        %dma_wait3A_1196 = arith.constant 0 : i32
        %dma_wait3A_1197 = tpu.memref_slice %arg19[%run_scoped3A_647, %dma_wait3A_1196] : memref<2x128xi32, #tpu.memory_space<vmem>> -> memref<1x128xi32, #tpu.memory_space<vmem>>
        %dma_wait3A_1198 = tpu.memref_squeeze %dma_wait3A_1197 : memref<1x128xi32, #tpu.memory_space<vmem>> -> memref<128xi32, #tpu.memory_space<vmem>>
        %dma_wait3A_1199 = arith.constant 0 : i32
        %dma_wait3A_1200 = tpu.memref_slice %arg21[%dma_wait3A_1199] : memref<20480xf32, #tpu.memory_space<vmem_shared>> -> memref<20480xf32, #tpu.memory_space<vmem_shared>>
        tpu.wait_indirect_dma semaphore(%run_scoped3A_1184 : memref<!tpu.dma_semaphore, #tpu.memory_space<semaphore_mem>>) src(%dma_wait3A_1195 : memref<128xf32, #tpu.memory_space<vmem>>) dst(%dma_wait3A_1200 : memref<20480xf32, #tpu.memory_space<vmem_shared>>)
        tpu.yield
      }) : () -> ()
      %dma_wait3A_648 = arith.constant 0 : i32
      %dma_wait3A_649 = arith.constant 0 : i32
      %dma_wait3A_650 = tpu.memref_slice %arg10[%dma_wait3A_648, %dma_wait3A_649] : memref<1x128xi32, #tpu.memory_space<vmem>> -> memref<1x128xi32, #tpu.memory_space<vmem>>
      %dma_wait3A_651 = tpu.memref_squeeze %dma_wait3A_650 : memref<1x128xi32, #tpu.memory_space<vmem>> -> memref<128xi32, #tpu.memory_space<vmem>>
      %dma_wait3A_652 = arith.constant 0 : i32
      %dma_wait3A_653 = arith.constant 0 : i32
      %dma_wait3A_654 = tpu.memref_slice %arg5[%dma_wait3A_652, %dma_wait3A_653] : memref<10000x128xf32, #tpu.memory_space<hbm>> -> memref<10000x128xf32, #tpu.memory_space<hbm>>
      tpu.wait_indirect_dma semaphore(%arg22 : memref<!tpu.dma_semaphore, #tpu.memory_space<semaphore_mem>>) src(%dma_wait3A_654 : memref<10000x128xf32, #tpu.memory_space<hbm>>) dst(%arg16 : memref<128x128xf32, #tpu.memory_space<vmem>>)
      %run_scoped3A_655 = arith.constant 0 : i32
      "tpu.region"() ({
        %run_scoped3A_1184 = tpu.sem_alloc : memref<!tpu.dma_semaphore, #tpu.memory_space<semaphore_mem>>
        %dma_start3A_1185 = arith.constant 0 : i32
        %dma_start3A_1186 = tpu.memref_slice %arg12[%run_scoped3A_655, %dma_start3A_1185] : memref<1x128xi32, #tpu.memory_space<vmem>> -> memref<1x128xi32, #tpu.memory_space<vmem>>
        %dma_start3A_1187 = tpu.memref_squeeze %dma_start3A_1186 : memref<1x128xi32, #tpu.memory_space<vmem>> -> memref<128xi32, #tpu.memory_space<vmem>>
        %dma_start3A_1188 = arith.constant 0 : i32
        %dma_start3A_1189 = arith.constant 0 : i32
        %dma_start3A_1190 = tpu.memref_slice %arg20[%dma_start3A_1188, %dma_start3A_1189] : memref<10240x128xf32, #tpu.memory_space<vmem_shared>> -> memref<10240x128xf32, #tpu.memory_space<vmem_shared>>
        tpu.enqueue_indirect_dma source(%arg16 : memref<128x128xf32, #tpu.memory_space<vmem>>) target(%dma_start3A_1190 : memref<10240x128xf32, #tpu.memory_space<vmem_shared>>) offsets(%dma_start3A_1187 : memref<128xi32, #tpu.memory_space<vmem>>) semaphore(%run_scoped3A_1184 : memref<!tpu.dma_semaphore, #tpu.memory_space<semaphore_mem>>) {add = true}
        %dma_wait3A_1191 = arith.constant 0 : i32
        %dma_wait3A_1192 = tpu.memref_slice %arg12[%run_scoped3A_655, %dma_wait3A_1191] : memref<1x128xi32, #tpu.memory_space<vmem>> -> memref<1x128xi32, #tpu.memory_space<vmem>>
        %dma_wait3A_1193 = tpu.memref_squeeze %dma_wait3A_1192 : memref<1x128xi32, #tpu.memory_space<vmem>> -> memref<128xi32, #tpu.memory_space<vmem>>
        %dma_wait3A_1194 = arith.constant 0 : i32
        %dma_wait3A_1195 = arith.constant 0 : i32
        %dma_wait3A_1196 = tpu.memref_slice %arg20[%dma_wait3A_1194, %dma_wait3A_1195] : memref<10240x128xf32, #tpu.memory_space<vmem_shared>> -> memref<10240x128xf32, #tpu.memory_space<vmem_shared>>
        tpu.wait_indirect_dma semaphore(%run_scoped3A_1184 : memref<!tpu.dma_semaphore, #tpu.memory_space<semaphore_mem>>) src(%arg16 : memref<128x128xf32, #tpu.memory_space<vmem>>) dst(%dma_wait3A_1196 : memref<10240x128xf32, #tpu.memory_space<vmem_shared>>)
        tpu.yield
      }) : () -> ()
      %mul3A_656 = arith.constant 2 : i32
      %mul3A_657 = arith.muli %mul3A_656, %while3A_137 : i32
      %add3A_658 = arith.constant 1 : i32
      %add3A_659 = arith.addi %mul3A_657, %add3A_658 : i32
      %dma_wait3A_660 = arith.constant 0 : i32
      %dma_wait3A_661 = arith.constant 0 : i32
      %dma_wait3A_662 = tpu.memref_slice %arg2[%select_n3A, %dma_wait3A_660, %dma_wait3A_661] : memref<2561x1x128xi32, #tpu.memory_space<hbm>> -> memref<1x1x128xi32, #tpu.memory_space<hbm>>
      %dma_wait3A_663 = tpu.memref_squeeze %dma_wait3A_662 : memref<1x1x128xi32, #tpu.memory_space<hbm>> -> memref<1x128xi32, #tpu.memory_space<hbm>>
      %dma_wait3A_664 = arith.constant 0 : i32
      %dma_wait3A_665 = arith.constant 0 : i32
      %dma_wait3A_666 = tpu.memref_slice %arg2[%select_n3A, %dma_wait3A_664, %dma_wait3A_665] : memref<2561x1x128xi32, #tpu.memory_space<hbm>> -> memref<1x1x128xi32, #tpu.memory_space<hbm>>
      %dma_wait3A_667 = tpu.memref_squeeze %dma_wait3A_666 : memref<1x1x128xi32, #tpu.memory_space<hbm>> -> memref<1x128xi32, #tpu.memory_space<hbm>>
      tpu.wait_dma2 semaphore(%arg25 : memref<!tpu.dma_semaphore, #tpu.memory_space<semaphore_mem>>) src(%dma_wait3A_667 : memref<1x128xi32, #tpu.memory_space<hbm>>) dst(%arg11 : memref<1x128xi32, #tpu.memory_space<vmem>>)
      %dma_wait3A_668 = arith.constant 0 : i32
      %dma_wait3A_669 = arith.constant 0 : i32
      %dma_wait3A_670 = tpu.memref_slice %arg3[%select_n3A, %dma_wait3A_668, %dma_wait3A_669] : memref<2561x1x128xi32, #tpu.memory_space<hbm>> -> memref<1x1x128xi32, #tpu.memory_space<hbm>>
      %dma_wait3A_671 = tpu.memref_squeeze %dma_wait3A_670 : memref<1x1x128xi32, #tpu.memory_space<hbm>> -> memref<1x128xi32, #tpu.memory_space<hbm>>
      %dma_wait3A_672 = arith.constant 0 : i32
      %dma_wait3A_673 = arith.constant 0 : i32
      %dma_wait3A_674 = tpu.memref_slice %arg3[%select_n3A, %dma_wait3A_672, %dma_wait3A_673] : memref<2561x1x128xi32, #tpu.memory_space<hbm>> -> memref<1x1x128xi32, #tpu.memory_space<hbm>>
      %dma_wait3A_675 = tpu.memref_squeeze %dma_wait3A_674 : memref<1x1x128xi32, #tpu.memory_space<hbm>> -> memref<1x128xi32, #tpu.memory_space<hbm>>
      tpu.wait_dma2 semaphore(%arg25 : memref<!tpu.dma_semaphore, #tpu.memory_space<semaphore_mem>>) src(%dma_wait3A_675 : memref<1x128xi32, #tpu.memory_space<hbm>>) dst(%arg13 : memref<1x128xi32, #tpu.memory_space<vmem>>)
      %dma_wait3A_676 = arith.constant 0 : i32
      %dma_wait3A_677 = arith.constant 0 : i32
      %dma_wait3A_678 = tpu.memref_slice %arg4[%select_n3A, %dma_wait3A_676, %dma_wait3A_677] : memref<2561x1x128xf32, #tpu.memory_space<hbm>> -> memref<1x1x128xf32, #tpu.memory_space<hbm>>
      %dma_wait3A_679 = tpu.memref_squeeze %dma_wait3A_678 : memref<1x1x128xf32, #tpu.memory_space<hbm>> -> memref<1x128xf32, #tpu.memory_space<hbm>>
      %dma_wait3A_680 = arith.constant 0 : i32
      %dma_wait3A_681 = arith.constant 0 : i32
      %dma_wait3A_682 = tpu.memref_slice %arg4[%select_n3A, %dma_wait3A_680, %dma_wait3A_681] : memref<2561x1x128xf32, #tpu.memory_space<hbm>> -> memref<1x1x128xf32, #tpu.memory_space<hbm>>
      %dma_wait3A_683 = tpu.memref_squeeze %dma_wait3A_682 : memref<1x1x128xf32, #tpu.memory_space<hbm>> -> memref<1x128xf32, #tpu.memory_space<hbm>>
      tpu.wait_dma2 semaphore(%arg25 : memref<!tpu.dma_semaphore, #tpu.memory_space<semaphore_mem>>) src(%dma_wait3A_683 : memref<1x128xf32, #tpu.memory_space<hbm>>) dst(%arg15 : memref<1x128xf32, #tpu.memory_space<vmem>>)
      %dma_start3A_684 = arith.constant 0 : i32
      %dma_start3A_685 = arith.constant 0 : i32
      %dma_start3A_686 = tpu.memref_slice %arg11[%dma_start3A_684, %dma_start3A_685] : memref<1x128xi32, #tpu.memory_space<vmem>> -> memref<1x128xi32, #tpu.memory_space<vmem>>
      %dma_start3A_687 = tpu.memref_squeeze %dma_start3A_686 : memref<1x128xi32, #tpu.memory_space<vmem>> -> memref<128xi32, #tpu.memory_space<vmem>>
      %dma_start3A_688 = arith.constant 0 : i32
      %dma_start3A_689 = arith.constant 0 : i32
      %dma_start3A_690 = tpu.memref_slice %arg5[%dma_start3A_688, %dma_start3A_689] : memref<10000x128xf32, #tpu.memory_space<hbm>> -> memref<10000x128xf32, #tpu.memory_space<hbm>>
      tpu.enqueue_indirect_dma source(%dma_start3A_690 : memref<10000x128xf32, #tpu.memory_space<hbm>>) target(%arg17 : memref<128x128xf32, #tpu.memory_space<vmem>>) offsets(%dma_start3A_687 : memref<128xi32, #tpu.memory_space<vmem>>) semaphore(%arg23 : memref<!tpu.dma_semaphore, #tpu.memory_space<semaphore_mem>>)
      %add3A_691 = arith.addi %select_n3A, %add3A_659 : i32
      %add3A_692 = arith.constant 1 : i32
      %add3A_693 = arith.addi %add3A_691, %add3A_692 : i32
      %dma_start3A_694 = arith.constant 0 : i32
      %dma_start3A_695 = arith.constant 0 : i32
      %dma_start3A_696 = tpu.memref_slice %arg2[%add3A_693, %dma_start3A_694, %dma_start3A_695] : memref<2561x1x128xi32, #tpu.memory_space<hbm>> -> memref<1x1x128xi32, #tpu.memory_space<hbm>>
      %dma_start3A_697 = tpu.memref_squeeze %dma_start3A_696 : memref<1x1x128xi32, #tpu.memory_space<hbm>> -> memref<1x128xi32, #tpu.memory_space<hbm>>
      %dma_start3A_698 = arith.constant 0 : i32
      %dma_start3A_699 = arith.constant 0 : i32
      %dma_start3A_700 = tpu.memref_slice %arg2[%add3A_693, %dma_start3A_698, %dma_start3A_699] : memref<2561x1x128xi32, #tpu.memory_space<hbm>> -> memref<1x1x128xi32, #tpu.memory_space<hbm>>
      %dma_start3A_701 = tpu.memref_squeeze %dma_start3A_700 : memref<1x1x128xi32, #tpu.memory_space<hbm>> -> memref<1x128xi32, #tpu.memory_space<hbm>>
      tpu.enqueue_dma source(%dma_start3A_701 : memref<1x128xi32, #tpu.memory_space<hbm>>) target(%arg10 : memref<1x128xi32, #tpu.memory_space<vmem>>) target_semaphore(%arg24 : memref<!tpu.dma_semaphore, #tpu.memory_space<semaphore_mem>>)
      %add3A_702 = arith.addi %select_n3A, %add3A_659 : i32
      %add3A_703 = arith.constant 1 : i32
      %add3A_704 = arith.addi %add3A_702, %add3A_703 : i32
      %dma_start3A_705 = arith.constant 0 : i32
      %dma_start3A_706 = arith.constant 0 : i32
      %dma_start3A_707 = tpu.memref_slice %arg3[%add3A_704, %dma_start3A_705, %dma_start3A_706] : memref<2561x1x128xi32, #tpu.memory_space<hbm>> -> memref<1x1x128xi32, #tpu.memory_space<hbm>>
      %dma_start3A_708 = tpu.memref_squeeze %dma_start3A_707 : memref<1x1x128xi32, #tpu.memory_space<hbm>> -> memref<1x128xi32, #tpu.memory_space<hbm>>
      %dma_start3A_709 = arith.constant 0 : i32
      %dma_start3A_710 = arith.constant 0 : i32
      %dma_start3A_711 = tpu.memref_slice %arg3[%add3A_704, %dma_start3A_709, %dma_start3A_710] : memref<2561x1x128xi32, #tpu.memory_space<hbm>> -> memref<1x1x128xi32, #tpu.memory_space<hbm>>
      %dma_start3A_712 = tpu.memref_squeeze %dma_start3A_711 : memref<1x1x128xi32, #tpu.memory_space<hbm>> -> memref<1x128xi32, #tpu.memory_space<hbm>>
      tpu.enqueue_dma source(%dma_start3A_712 : memref<1x128xi32, #tpu.memory_space<hbm>>) target(%arg12 : memref<1x128xi32, #tpu.memory_space<vmem>>) target_semaphore(%arg24 : memref<!tpu.dma_semaphore, #tpu.memory_space<semaphore_mem>>)
      %add3A_713 = arith.addi %select_n3A, %add3A_659 : i32
      %add3A_714 = arith.constant 1 : i32
      %add3A_715 = arith.addi %add3A_713, %add3A_714 : i32
      %dma_start3A_716 = arith.constant 0 : i32
      %dma_start3A_717 = arith.constant 0 : i32
      %dma_start3A_718 = tpu.memref_slice %arg4[%add3A_715, %dma_start3A_716, %dma_start3A_717] : memref<2561x1x128xf32, #tpu.memory_space<hbm>> -> memref<1x1x128xf32, #tpu.memory_space<hbm>>
      %dma_start3A_719 = tpu.memref_squeeze %dma_start3A_718 : memref<1x1x128xf32, #tpu.memory_space<hbm>> -> memref<1x128xf32, #tpu.memory_space<hbm>>
      %dma_start3A_720 = arith.constant 0 : i32
      %dma_start3A_721 = arith.constant 0 : i32
      %dma_start3A_722 = tpu.memref_slice %arg4[%add3A_715, %dma_start3A_720, %dma_start3A_721] : memref<2561x1x128xf32, #tpu.memory_space<hbm>> -> memref<1x1x128xf32, #tpu.memory_space<hbm>>
      %dma_start3A_723 = tpu.memref_squeeze %dma_start3A_722 : memref<1x1x128xf32, #tpu.memory_space<hbm>> -> memref<1x128xf32, #tpu.memory_space<hbm>>
      tpu.enqueue_dma source(%dma_start3A_723 : memref<1x128xf32, #tpu.memory_space<hbm>>) target(%arg14 : memref<1x128xf32, #tpu.memory_space<vmem>>) target_semaphore(%arg24 : memref<!tpu.dma_semaphore, #tpu.memory_space<semaphore_mem>>)
      %get3A_724 = arith.constant 0 : i32
      %get3A_725 = arith.index_cast %get3A_724 : i32 to index
      %get3A_726 = arith.constant 0 : index
      %get3A_727 = tpu.vector_load %arg15[%get3A_725, %get3A_726] {strides = array<i32>} : memref<1x128xf32, #tpu.memory_space<vmem>>, vector<1x16xf32>,
      %get3A_728 = vector.shape_cast %get3A_727 : vector<1x16xf32> to vector<16xf32>
      %get3A_729 = arith.constant 0 : i32
      %get3A_730 = arith.index_cast %get3A_729 : i32 to index
      %get3A_731 = arith.constant 0 : index
      %get3A_732 = tpu.vector_load %arg13[%get3A_730, %get3A_731] {strides = array<i32>} : memref<1x128xi32, #tpu.memory_space<vmem>>, vector<1x16xi32>,
      %get3A_733 = vector.shape_cast %get3A_732 : vector<1x16xi32> to vector<16xi32>
      %shift_right_arithmetic3A_734 = arith.constant 10 : i32
      %shift_right_arithmetic3A_735 = vector.broadcast %shift_right_arithmetic3A_734 : i32 to vector<16xi32>
      %shift_right_arithmetic3A_736 = arith.shrsi %get3A_733, %shift_right_arithmetic3A_735 : vector<16xi32>
      %shift_left3A_737 = arith.constant 11 : i32
      %shift_left3A_738 = vector.broadcast %shift_left3A_737 : i32 to vector<16xi32>
      %shift_left3A_739 = arith.shli %shift_right_arithmetic3A_736, %shift_left3A_738 : vector<16xi32>
      %and3A_740 = arith.constant 1023 : i32
      %and3A_741 = vector.broadcast %and3A_740 : i32 to vector<16xi32>
      %and3A_742 = arith.andi %get3A_733, %and3A_741 : vector<16xi32>
      %add3A_743 = arith.addi %shift_left3A_739, %and3A_742 : vector<16xi32>
      %max3A_744 = arith.constant 0.000000e+00 : f32
      %max3A_745 = vector.broadcast %max3A_744 : f32 to vector<16xf32>
      %max3A_746 = arith.maximumf %get3A_728, %max3A_745 : vector<16xf32>
      %swap3A_747 = arith.constant 0 : i32
      %swap3A_748 = arith.index_cast %swap3A_747 : i32 to index
      %swap3A_749 = arith.constant 0 : index
      %swap3A_750 = tpu.vector_load %arg18[%swap3A_748, %swap3A_749] {strides = array<i32>} : memref<2x128xf32, #tpu.memory_space<vmem>>, vector<1x16xf32>,
      %swap3A_751 = vector.shape_cast %swap3A_750 : vector<1x16xf32> to vector<16xf32>
      %swap3A_752 = vector.shape_cast %max3A_746 : vector<16xf32> to vector<1x16xf32>
      tpu.vector_store %arg18[%swap3A_748, %swap3A_749], %swap3A_752 {strides = array<i32>} : memref<2x128xf32, #tpu.memory_space<vmem>>, vector<1x16xf32>,
      %neg3A_753 = arith.constant 0.000000e+00 : f32
      %neg3A_754 = vector.broadcast %neg3A_753 : f32 to vector<16xf32>
      %neg3A_755 = arith.subf %neg3A_754, %get3A_728 : vector<16xf32>
      %max3A_756 = arith.constant 0.000000e+00 : f32
      %max3A_757 = vector.broadcast %max3A_756 : f32 to vector<16xf32>
      %max3A_758 = arith.maximumf %neg3A_755, %max3A_757 : vector<16xf32>
      %swap3A_759 = arith.constant 1 : i32
      %swap3A_760 = arith.index_cast %swap3A_759 : i32 to index
      %swap3A_761 = arith.constant 0 : index
      %swap3A_762 = tpu.vector_load %arg18[%swap3A_760, %swap3A_761] {strides = array<i32>} : memref<2x128xf32, #tpu.memory_space<vmem>>, vector<1x16xf32>,
      %swap3A_763 = vector.shape_cast %swap3A_762 : vector<1x16xf32> to vector<16xf32>
      %swap3A_764 = vector.shape_cast %max3A_758 : vector<16xf32> to vector<1x16xf32>
      tpu.vector_store %arg18[%swap3A_760, %swap3A_761], %swap3A_764 {strides = array<i32>} : memref<2x128xf32, #tpu.memory_space<vmem>>, vector<1x16xf32>,
      %swap3A_765 = arith.constant 0 : i32
      %swap3A_766 = arith.index_cast %swap3A_765 : i32 to index
      %swap3A_767 = arith.constant 0 : index
      %swap3A_768 = tpu.vector_load %arg19[%swap3A_766, %swap3A_767] {strides = array<i32>} : memref<2x128xi32, #tpu.memory_space<vmem>>, vector<1x16xi32>,
      %swap3A_769 = vector.shape_cast %swap3A_768 : vector<1x16xi32> to vector<16xi32>
      %swap3A_770 = vector.shape_cast %add3A_743 : vector<16xi32> to vector<1x16xi32>
      tpu.vector_store %arg19[%swap3A_766, %swap3A_767], %swap3A_770 {strides = array<i32>} : memref<2x128xi32, #tpu.memory_space<vmem>>, vector<1x16xi32>,
      %add3A_771 = arith.constant 1024 : i32
      %add3A_772 = vector.broadcast %add3A_771 : i32 to vector<16xi32>
      %add3A_773 = arith.addi %add3A_743, %add3A_772 : vector<16xi32>
      %swap3A_774 = arith.constant 1 : i32
      %swap3A_775 = arith.index_cast %swap3A_774 : i32 to index
      %swap3A_776 = arith.constant 0 : index
      %swap3A_777 = tpu.vector_load %arg19[%swap3A_775, %swap3A_776] {strides = array<i32>} : memref<2x128xi32, #tpu.memory_space<vmem>>, vector<1x16xi32>,
      %swap3A_778 = vector.shape_cast %swap3A_777 : vector<1x16xi32> to vector<16xi32>
      %swap3A_779 = vector.shape_cast %add3A_773 : vector<16xi32> to vector<1x16xi32>
      tpu.vector_store %arg19[%swap3A_775, %swap3A_776], %swap3A_779 {strides = array<i32>} : memref<2x128xi32, #tpu.memory_space<vmem>>, vector<1x16xi32>,
      %get3A_780 = arith.constant 0 : i32
      %get3A_781 = arith.index_cast %get3A_780 : i32 to index
      %get3A_782 = arith.constant 16 : index
      %get3A_783 = tpu.vector_load %arg15[%get3A_781, %get3A_782] {strides = array<i32>} : memref<1x128xf32, #tpu.memory_space<vmem>>, vector<1x16xf32>,
      %get3A_784 = vector.shape_cast %get3A_783 : vector<1x16xf32> to vector<16xf32>
      %get3A_785 = arith.constant 0 : i32
      %get3A_786 = arith.index_cast %get3A_785 : i32 to index
      %get3A_787 = arith.constant 16 : index
      %get3A_788 = tpu.vector_load %arg13[%get3A_786, %get3A_787] {strides = array<i32>} : memref<1x128xi32, #tpu.memory_space<vmem>>, vector<1x16xi32>,
      %get3A_789 = vector.shape_cast %get3A_788 : vector<1x16xi32> to vector<16xi32>
      %shift_right_arithmetic3A_790 = arith.constant 10 : i32
      %shift_right_arithmetic3A_791 = vector.broadcast %shift_right_arithmetic3A_790 : i32 to vector<16xi32>
      %shift_right_arithmetic3A_792 = arith.shrsi %get3A_789, %shift_right_arithmetic3A_791 : vector<16xi32>
      %shift_left3A_793 = arith.constant 11 : i32
      %shift_left3A_794 = vector.broadcast %shift_left3A_793 : i32 to vector<16xi32>
      %shift_left3A_795 = arith.shli %shift_right_arithmetic3A_792, %shift_left3A_794 : vector<16xi32>
      %and3A_796 = arith.constant 1023 : i32
      %and3A_797 = vector.broadcast %and3A_796 : i32 to vector<16xi32>
      %and3A_798 = arith.andi %get3A_789, %and3A_797 : vector<16xi32>
      %add3A_799 = arith.addi %shift_left3A_795, %and3A_798 : vector<16xi32>
      %max3A_800 = arith.constant 0.000000e+00 : f32
      %max3A_801 = vector.broadcast %max3A_800 : f32 to vector<16xf32>
      %max3A_802 = arith.maximumf %get3A_784, %max3A_801 : vector<16xf32>
      %swap3A_803 = arith.constant 0 : i32
      %swap3A_804 = arith.index_cast %swap3A_803 : i32 to index
      %swap3A_805 = arith.constant 16 : index
      %swap3A_806 = tpu.vector_load %arg18[%swap3A_804, %swap3A_805] {strides = array<i32>} : memref<2x128xf32, #tpu.memory_space<vmem>>, vector<1x16xf32>,
      %swap3A_807 = vector.shape_cast %swap3A_806 : vector<1x16xf32> to vector<16xf32>
      %swap3A_808 = vector.shape_cast %max3A_802 : vector<16xf32> to vector<1x16xf32>
      tpu.vector_store %arg18[%swap3A_804, %swap3A_805], %swap3A_808 {strides = array<i32>} : memref<2x128xf32, #tpu.memory_space<vmem>>, vector<1x16xf32>,
      %neg3A_809 = arith.constant 0.000000e+00 : f32
      %neg3A_810 = vector.broadcast %neg3A_809 : f32 to vector<16xf32>
      %neg3A_811 = arith.subf %neg3A_810, %get3A_784 : vector<16xf32>
      %max3A_812 = arith.constant 0.000000e+00 : f32
      %max3A_813 = vector.broadcast %max3A_812 : f32 to vector<16xf32>
      %max3A_814 = arith.maximumf %neg3A_811, %max3A_813 : vector<16xf32>
      %swap3A_815 = arith.constant 1 : i32
      %swap3A_816 = arith.index_cast %swap3A_815 : i32 to index
      %swap3A_817 = arith.constant 16 : index
      %swap3A_818 = tpu.vector_load %arg18[%swap3A_816, %swap3A_817] {strides = array<i32>} : memref<2x128xf32, #tpu.memory_space<vmem>>, vector<1x16xf32>,
      %swap3A_819 = vector.shape_cast %swap3A_818 : vector<1x16xf32> to vector<16xf32>
      %swap3A_820 = vector.shape_cast %max3A_814 : vector<16xf32> to vector<1x16xf32>
      tpu.vector_store %arg18[%swap3A_816, %swap3A_817], %swap3A_820 {strides = array<i32>} : memref<2x128xf32, #tpu.memory_space<vmem>>, vector<1x16xf32>,
      %swap3A_821 = arith.constant 0 : i32
      %swap3A_822 = arith.index_cast %swap3A_821 : i32 to index
      %swap3A_823 = arith.constant 16 : index
      %swap3A_824 = tpu.vector_load %arg19[%swap3A_822, %swap3A_823] {strides = array<i32>} : memref<2x128xi32, #tpu.memory_space<vmem>>, vector<1x16xi32>,
      %swap3A_825 = vector.shape_cast %swap3A_824 : vector<1x16xi32> to vector<16xi32>
      %swap3A_826 = vector.shape_cast %add3A_799 : vector<16xi32> to vector<1x16xi32>
      tpu.vector_store %arg19[%swap3A_822, %swap3A_823], %swap3A_826 {strides = array<i32>} : memref<2x128xi32, #tpu.memory_space<vmem>>, vector<1x16xi32>,
      %add3A_827 = arith.constant 1024 : i32
      %add3A_828 = vector.broadcast %add3A_827 : i32 to vector<16xi32>
      %add3A_829 = arith.addi %add3A_799, %add3A_828 : vector<16xi32>
      %swap3A_830 = arith.constant 1 : i32
      %swap3A_831 = arith.index_cast %swap3A_830 : i32 to index
      %swap3A_832 = arith.constant 16 : index
      %swap3A_833 = tpu.vector_load %arg19[%swap3A_831, %swap3A_832] {strides = array<i32>} : memref<2x128xi32, #tpu.memory_space<vmem>>, vector<1x16xi32>,
      %swap3A_834 = vector.shape_cast %swap3A_833 : vector<1x16xi32> to vector<16xi32>
      %swap3A_835 = vector.shape_cast %add3A_829 : vector<16xi32> to vector<1x16xi32>
      tpu.vector_store %arg19[%swap3A_831, %swap3A_832], %swap3A_835 {strides = array<i32>} : memref<2x128xi32, #tpu.memory_space<vmem>>, vector<1x16xi32>,
      %get3A_836 = arith.constant 0 : i32
      %get3A_837 = arith.index_cast %get3A_836 : i32 to index
      %get3A_838 = arith.constant 32 : index
      %get3A_839 = tpu.vector_load %arg15[%get3A_837, %get3A_838] {strides = array<i32>} : memref<1x128xf32, #tpu.memory_space<vmem>>, vector<1x16xf32>,
      %get3A_840 = vector.shape_cast %get3A_839 : vector<1x16xf32> to vector<16xf32>
      %get3A_841 = arith.constant 0 : i32
      %get3A_842 = arith.index_cast %get3A_841 : i32 to index
      %get3A_843 = arith.constant 32 : index
      %get3A_844 = tpu.vector_load %arg13[%get3A_842, %get3A_843] {strides = array<i32>} : memref<1x128xi32, #tpu.memory_space<vmem>>, vector<1x16xi32>,
      %get3A_845 = vector.shape_cast %get3A_844 : vector<1x16xi32> to vector<16xi32>
      %shift_right_arithmetic3A_846 = arith.constant 10 : i32
      %shift_right_arithmetic3A_847 = vector.broadcast %shift_right_arithmetic3A_846 : i32 to vector<16xi32>
      %shift_right_arithmetic3A_848 = arith.shrsi %get3A_845, %shift_right_arithmetic3A_847 : vector<16xi32>
      %shift_left3A_849 = arith.constant 11 : i32
      %shift_left3A_850 = vector.broadcast %shift_left3A_849 : i32 to vector<16xi32>
      %shift_left3A_851 = arith.shli %shift_right_arithmetic3A_848, %shift_left3A_850 : vector<16xi32>
      %and3A_852 = arith.constant 1023 : i32
      %and3A_853 = vector.broadcast %and3A_852 : i32 to vector<16xi32>
      %and3A_854 = arith.andi %get3A_845, %and3A_853 : vector<16xi32>
      %add3A_855 = arith.addi %shift_left3A_851, %and3A_854 : vector<16xi32>
      %max3A_856 = arith.constant 0.000000e+00 : f32
      %max3A_857 = vector.broadcast %max3A_856 : f32 to vector<16xf32>
      %max3A_858 = arith.maximumf %get3A_840, %max3A_857 : vector<16xf32>
      %swap3A_859 = arith.constant 0 : i32
      %swap3A_860 = arith.index_cast %swap3A_859 : i32 to index
      %swap3A_861 = arith.constant 32 : index
      %swap3A_862 = tpu.vector_load %arg18[%swap3A_860, %swap3A_861] {strides = array<i32>} : memref<2x128xf32, #tpu.memory_space<vmem>>, vector<1x16xf32>,
      %swap3A_863 = vector.shape_cast %swap3A_862 : vector<1x16xf32> to vector<16xf32>
      %swap3A_864 = vector.shape_cast %max3A_858 : vector<16xf32> to vector<1x16xf32>
      tpu.vector_store %arg18[%swap3A_860, %swap3A_861], %swap3A_864 {strides = array<i32>} : memref<2x128xf32, #tpu.memory_space<vmem>>, vector<1x16xf32>,
      %neg3A_865 = arith.constant 0.000000e+00 : f32
      %neg3A_866 = vector.broadcast %neg3A_865 : f32 to vector<16xf32>
      %neg3A_867 = arith.subf %neg3A_866, %get3A_840 : vector<16xf32>
      %max3A_868 = arith.constant 0.000000e+00 : f32
      %max3A_869 = vector.broadcast %max3A_868 : f32 to vector<16xf32>
      %max3A_870 = arith.maximumf %neg3A_867, %max3A_869 : vector<16xf32>
      %swap3A_871 = arith.constant 1 : i32
      %swap3A_872 = arith.index_cast %swap3A_871 : i32 to index
      %swap3A_873 = arith.constant 32 : index
      %swap3A_874 = tpu.vector_load %arg18[%swap3A_872, %swap3A_873] {strides = array<i32>} : memref<2x128xf32, #tpu.memory_space<vmem>>, vector<1x16xf32>,
      %swap3A_875 = vector.shape_cast %swap3A_874 : vector<1x16xf32> to vector<16xf32>
      %swap3A_876 = vector.shape_cast %max3A_870 : vector<16xf32> to vector<1x16xf32>
      tpu.vector_store %arg18[%swap3A_872, %swap3A_873], %swap3A_876 {strides = array<i32>} : memref<2x128xf32, #tpu.memory_space<vmem>>, vector<1x16xf32>,
      %swap3A_877 = arith.constant 0 : i32
      %swap3A_878 = arith.index_cast %swap3A_877 : i32 to index
      %swap3A_879 = arith.constant 32 : index
      %swap3A_880 = tpu.vector_load %arg19[%swap3A_878, %swap3A_879] {strides = array<i32>} : memref<2x128xi32, #tpu.memory_space<vmem>>, vector<1x16xi32>,
      %swap3A_881 = vector.shape_cast %swap3A_880 : vector<1x16xi32> to vector<16xi32>
      %swap3A_882 = vector.shape_cast %add3A_855 : vector<16xi32> to vector<1x16xi32>
      tpu.vector_store %arg19[%swap3A_878, %swap3A_879], %swap3A_882 {strides = array<i32>} : memref<2x128xi32, #tpu.memory_space<vmem>>, vector<1x16xi32>,
      %add3A_883 = arith.constant 1024 : i32
      %add3A_884 = vector.broadcast %add3A_883 : i32 to vector<16xi32>
      %add3A_885 = arith.addi %add3A_855, %add3A_884 : vector<16xi32>
      %swap3A_886 = arith.constant 1 : i32
      %swap3A_887 = arith.index_cast %swap3A_886 : i32 to index
      %swap3A_888 = arith.constant 32 : index
      %swap3A_889 = tpu.vector_load %arg19[%swap3A_887, %swap3A_888] {strides = array<i32>} : memref<2x128xi32, #tpu.memory_space<vmem>>, vector<1x16xi32>,
      %swap3A_890 = vector.shape_cast %swap3A_889 : vector<1x16xi32> to vector<16xi32>
      %swap3A_891 = vector.shape_cast %add3A_885 : vector<16xi32> to vector<1x16xi32>
      tpu.vector_store %arg19[%swap3A_887, %swap3A_888], %swap3A_891 {strides = array<i32>} : memref<2x128xi32, #tpu.memory_space<vmem>>, vector<1x16xi32>,
      %get3A_892 = arith.constant 0 : i32
      %get3A_893 = arith.index_cast %get3A_892 : i32 to index
      %get3A_894 = arith.constant 48 : index
      %get3A_895 = tpu.vector_load %arg15[%get3A_893, %get3A_894] {strides = array<i32>} : memref<1x128xf32, #tpu.memory_space<vmem>>, vector<1x16xf32>,
      %get3A_896 = vector.shape_cast %get3A_895 : vector<1x16xf32> to vector<16xf32>
      %get3A_897 = arith.constant 0 : i32
      %get3A_898 = arith.index_cast %get3A_897 : i32 to index
      %get3A_899 = arith.constant 48 : index
      %get3A_900 = tpu.vector_load %arg13[%get3A_898, %get3A_899] {strides = array<i32>} : memref<1x128xi32, #tpu.memory_space<vmem>>, vector<1x16xi32>,
      %get3A_901 = vector.shape_cast %get3A_900 : vector<1x16xi32> to vector<16xi32>
      %shift_right_arithmetic3A_902 = arith.constant 10 : i32
      %shift_right_arithmetic3A_903 = vector.broadcast %shift_right_arithmetic3A_902 : i32 to vector<16xi32>
      %shift_right_arithmetic3A_904 = arith.shrsi %get3A_901, %shift_right_arithmetic3A_903 : vector<16xi32>
      %shift_left3A_905 = arith.constant 11 : i32
      %shift_left3A_906 = vector.broadcast %shift_left3A_905 : i32 to vector<16xi32>
      %shift_left3A_907 = arith.shli %shift_right_arithmetic3A_904, %shift_left3A_906 : vector<16xi32>
      %and3A_908 = arith.constant 1023 : i32
      %and3A_909 = vector.broadcast %and3A_908 : i32 to vector<16xi32>
      %and3A_910 = arith.andi %get3A_901, %and3A_909 : vector<16xi32>
      %add3A_911 = arith.addi %shift_left3A_907, %and3A_910 : vector<16xi32>
      %max3A_912 = arith.constant 0.000000e+00 : f32
      %max3A_913 = vector.broadcast %max3A_912 : f32 to vector<16xf32>
      %max3A_914 = arith.maximumf %get3A_896, %max3A_913 : vector<16xf32>
      %swap3A_915 = arith.constant 0 : i32
      %swap3A_916 = arith.index_cast %swap3A_915 : i32 to index
      %swap3A_917 = arith.constant 48 : index
      %swap3A_918 = tpu.vector_load %arg18[%swap3A_916, %swap3A_917] {strides = array<i32>} : memref<2x128xf32, #tpu.memory_space<vmem>>, vector<1x16xf32>,
      %swap3A_919 = vector.shape_cast %swap3A_918 : vector<1x16xf32> to vector<16xf32>
      %swap3A_920 = vector.shape_cast %max3A_914 : vector<16xf32> to vector<1x16xf32>
      tpu.vector_store %arg18[%swap3A_916, %swap3A_917], %swap3A_920 {strides = array<i32>} : memref<2x128xf32, #tpu.memory_space<vmem>>, vector<1x16xf32>,
      %neg3A_921 = arith.constant 0.000000e+00 : f32
      %neg3A_922 = vector.broadcast %neg3A_921 : f32 to vector<16xf32>
      %neg3A_923 = arith.subf %neg3A_922, %get3A_896 : vector<16xf32>
      %max3A_924 = arith.constant 0.000000e+00 : f32
      %max3A_925 = vector.broadcast %max3A_924 : f32 to vector<16xf32>
      %max3A_926 = arith.maximumf %neg3A_923, %max3A_925 : vector<16xf32>
      %swap3A_927 = arith.constant 1 : i32
      %swap3A_928 = arith.index_cast %swap3A_927 : i32 to index
      %swap3A_929 = arith.constant 48 : index
      %swap3A_930 = tpu.vector_load %arg18[%swap3A_928, %swap3A_929] {strides = array<i32>} : memref<2x128xf32, #tpu.memory_space<vmem>>, vector<1x16xf32>,
      %swap3A_931 = vector.shape_cast %swap3A_930 : vector<1x16xf32> to vector<16xf32>
      %swap3A_932 = vector.shape_cast %max3A_926 : vector<16xf32> to vector<1x16xf32>
      tpu.vector_store %arg18[%swap3A_928, %swap3A_929], %swap3A_932 {strides = array<i32>} : memref<2x128xf32, #tpu.memory_space<vmem>>, vector<1x16xf32>,
      %swap3A_933 = arith.constant 0 : i32
      %swap3A_934 = arith.index_cast %swap3A_933 : i32 to index
      %swap3A_935 = arith.constant 48 : index
      %swap3A_936 = tpu.vector_load %arg19[%swap3A_934, %swap3A_935] {strides = array<i32>} : memref<2x128xi32, #tpu.memory_space<vmem>>, vector<1x16xi32>,
      %swap3A_937 = vector.shape_cast %swap3A_936 : vector<1x16xi32> to vector<16xi32>
      %swap3A_938 = vector.shape_cast %add3A_911 : vector<16xi32> to vector<1x16xi32>
      tpu.vector_store %arg19[%swap3A_934, %swap3A_935], %swap3A_938 {strides = array<i32>} : memref<2x128xi32, #tpu.memory_space<vmem>>, vector<1x16xi32>,
      %add3A_939 = arith.constant 1024 : i32
      %add3A_940 = vector.broadcast %add3A_939 : i32 to vector<16xi32>
      %add3A_941 = arith.addi %add3A_911, %add3A_940 : vector<16xi32>
      %swap3A_942 = arith.constant 1 : i32
      %swap3A_943 = arith.index_cast %swap3A_942 : i32 to index
      %swap3A_944 = arith.constant 48 : index
      %swap3A_945 = tpu.vector_load %arg19[%swap3A_943, %swap3A_944] {strides = array<i32>} : memref<2x128xi32, #tpu.memory_space<vmem>>, vector<1x16xi32>,
      %swap3A_946 = vector.shape_cast %swap3A_945 : vector<1x16xi32> to vector<16xi32>
      %swap3A_947 = vector.shape_cast %add3A_941 : vector<16xi32> to vector<1x16xi32>
      tpu.vector_store %arg19[%swap3A_943, %swap3A_944], %swap3A_947 {strides = array<i32>} : memref<2x128xi32, #tpu.memory_space<vmem>>, vector<1x16xi32>,
      %get3A_948 = arith.constant 0 : i32
      %get3A_949 = arith.index_cast %get3A_948 : i32 to index
      %get3A_950 = arith.constant 64 : index
      %get3A_951 = tpu.vector_load %arg15[%get3A_949, %get3A_950] {strides = array<i32>} : memref<1x128xf32, #tpu.memory_space<vmem>>, vector<1x16xf32>,
      %get3A_952 = vector.shape_cast %get3A_951 : vector<1x16xf32> to vector<16xf32>
      %get3A_953 = arith.constant 0 : i32
      %get3A_954 = arith.index_cast %get3A_953 : i32 to index
      %get3A_955 = arith.constant 64 : index
      %get3A_956 = tpu.vector_load %arg13[%get3A_954, %get3A_955] {strides = array<i32>} : memref<1x128xi32, #tpu.memory_space<vmem>>, vector<1x16xi32>,
      %get3A_957 = vector.shape_cast %get3A_956 : vector<1x16xi32> to vector<16xi32>
      %shift_right_arithmetic3A_958 = arith.constant 10 : i32
      %shift_right_arithmetic3A_959 = vector.broadcast %shift_right_arithmetic3A_958 : i32 to vector<16xi32>
      %shift_right_arithmetic3A_960 = arith.shrsi %get3A_957, %shift_right_arithmetic3A_959 : vector<16xi32>
      %shift_left3A_961 = arith.constant 11 : i32
      %shift_left3A_962 = vector.broadcast %shift_left3A_961 : i32 to vector<16xi32>
      %shift_left3A_963 = arith.shli %shift_right_arithmetic3A_960, %shift_left3A_962 : vector<16xi32>
      %and3A_964 = arith.constant 1023 : i32
      %and3A_965 = vector.broadcast %and3A_964 : i32 to vector<16xi32>
      %and3A_966 = arith.andi %get3A_957, %and3A_965 : vector<16xi32>
      %add3A_967 = arith.addi %shift_left3A_963, %and3A_966 : vector<16xi32>
      %max3A_968 = arith.constant 0.000000e+00 : f32
      %max3A_969 = vector.broadcast %max3A_968 : f32 to vector<16xf32>
      %max3A_970 = arith.maximumf %get3A_952, %max3A_969 : vector<16xf32>
      %swap3A_971 = arith.constant 0 : i32
      %swap3A_972 = arith.index_cast %swap3A_971 : i32 to index
      %swap3A_973 = arith.constant 64 : index
      %swap3A_974 = tpu.vector_load %arg18[%swap3A_972, %swap3A_973] {strides = array<i32>} : memref<2x128xf32, #tpu.memory_space<vmem>>, vector<1x16xf32>,
      %swap3A_975 = vector.shape_cast %swap3A_974 : vector<1x16xf32> to vector<16xf32>
      %swap3A_976 = vector.shape_cast %max3A_970 : vector<16xf32> to vector<1x16xf32>
      tpu.vector_store %arg18[%swap3A_972, %swap3A_973], %swap3A_976 {strides = array<i32>} : memref<2x128xf32, #tpu.memory_space<vmem>>, vector<1x16xf32>,
      %neg3A_977 = arith.constant 0.000000e+00 : f32
      %neg3A_978 = vector.broadcast %neg3A_977 : f32 to vector<16xf32>
      %neg3A_979 = arith.subf %neg3A_978, %get3A_952 : vector<16xf32>
      %max3A_980 = arith.constant 0.000000e+00 : f32
      %max3A_981 = vector.broadcast %max3A_980 : f32 to vector<16xf32>
      %max3A_982 = arith.maximumf %neg3A_979, %max3A_981 : vector<16xf32>
      %swap3A_983 = arith.constant 1 : i32
      %swap3A_984 = arith.index_cast %swap3A_983 : i32 to index
      %swap3A_985 = arith.constant 64 : index
      %swap3A_986 = tpu.vector_load %arg18[%swap3A_984, %swap3A_985] {strides = array<i32>} : memref<2x128xf32, #tpu.memory_space<vmem>>, vector<1x16xf32>,
      %swap3A_987 = vector.shape_cast %swap3A_986 : vector<1x16xf32> to vector<16xf32>
      %swap3A_988 = vector.shape_cast %max3A_982 : vector<16xf32> to vector<1x16xf32>
      tpu.vector_store %arg18[%swap3A_984, %swap3A_985], %swap3A_988 {strides = array<i32>} : memref<2x128xf32, #tpu.memory_space<vmem>>, vector<1x16xf32>,
      %swap3A_989 = arith.constant 0 : i32
      %swap3A_990 = arith.index_cast %swap3A_989 : i32 to index
      %swap3A_991 = arith.constant 64 : index
      %swap3A_992 = tpu.vector_load %arg19[%swap3A_990, %swap3A_991] {strides = array<i32>} : memref<2x128xi32, #tpu.memory_space<vmem>>, vector<1x16xi32>,
      %swap3A_993 = vector.shape_cast %swap3A_992 : vector<1x16xi32> to vector<16xi32>
      %swap3A_994 = vector.shape_cast %add3A_967 : vector<16xi32> to vector<1x16xi32>
      tpu.vector_store %arg19[%swap3A_990, %swap3A_991], %swap3A_994 {strides = array<i32>} : memref<2x128xi32, #tpu.memory_space<vmem>>, vector<1x16xi32>,
      %add3A_995 = arith.constant 1024 : i32
      %add3A_996 = vector.broadcast %add3A_995 : i32 to vector<16xi32>
      %add3A_997 = arith.addi %add3A_967, %add3A_996 : vector<16xi32>
      %swap3A_998 = arith.constant 1 : i32
      %swap3A_999 = arith.index_cast %swap3A_998 : i32 to index
      %swap3A_1000 = arith.constant 64 : index
      %swap3A_1001 = tpu.vector_load %arg19[%swap3A_999, %swap3A_1000] {strides = array<i32>} : memref<2x128xi32, #tpu.memory_space<vmem>>, vector<1x16xi32>,
      %swap3A_1002 = vector.shape_cast %swap3A_1001 : vector<1x16xi32> to vector<16xi32>
      %swap3A_1003 = vector.shape_cast %add3A_997 : vector<16xi32> to vector<1x16xi32>
      tpu.vector_store %arg19[%swap3A_999, %swap3A_1000], %swap3A_1003 {strides = array<i32>} : memref<2x128xi32, #tpu.memory_space<vmem>>, vector<1x16xi32>,
      %get3A_1004 = arith.constant 0 : i32
      %get3A_1005 = arith.index_cast %get3A_1004 : i32 to index
      %get3A_1006 = arith.constant 80 : index
      %get3A_1007 = tpu.vector_load %arg15[%get3A_1005, %get3A_1006] {strides = array<i32>} : memref<1x128xf32, #tpu.memory_space<vmem>>, vector<1x16xf32>,
      %get3A_1008 = vector.shape_cast %get3A_1007 : vector<1x16xf32> to vector<16xf32>
      %get3A_1009 = arith.constant 0 : i32
      %get3A_1010 = arith.index_cast %get3A_1009 : i32 to index
      %get3A_1011 = arith.constant 80 : index
      %get3A_1012 = tpu.vector_load %arg13[%get3A_1010, %get3A_1011] {strides = array<i32>} : memref<1x128xi32, #tpu.memory_space<vmem>>, vector<1x16xi32>,
      %get3A_1013 = vector.shape_cast %get3A_1012 : vector<1x16xi32> to vector<16xi32>
      %shift_right_arithmetic3A_1014 = arith.constant 10 : i32
      %shift_right_arithmetic3A_1015 = vector.broadcast %shift_right_arithmetic3A_1014 : i32 to vector<16xi32>
      %shift_right_arithmetic3A_1016 = arith.shrsi %get3A_1013, %shift_right_arithmetic3A_1015 : vector<16xi32>
      %shift_left3A_1017 = arith.constant 11 : i32
      %shift_left3A_1018 = vector.broadcast %shift_left3A_1017 : i32 to vector<16xi32>
      %shift_left3A_1019 = arith.shli %shift_right_arithmetic3A_1016, %shift_left3A_1018 : vector<16xi32>
      %and3A_1020 = arith.constant 1023 : i32
      %and3A_1021 = vector.broadcast %and3A_1020 : i32 to vector<16xi32>
      %and3A_1022 = arith.andi %get3A_1013, %and3A_1021 : vector<16xi32>
      %add3A_1023 = arith.addi %shift_left3A_1019, %and3A_1022 : vector<16xi32>
      %max3A_1024 = arith.constant 0.000000e+00 : f32
      %max3A_1025 = vector.broadcast %max3A_1024 : f32 to vector<16xf32>
      %max3A_1026 = arith.maximumf %get3A_1008, %max3A_1025 : vector<16xf32>
      %swap3A_1027 = arith.constant 0 : i32
      %swap3A_1028 = arith.index_cast %swap3A_1027 : i32 to index
      %swap3A_1029 = arith.constant 80 : index
      %swap3A_1030 = tpu.vector_load %arg18[%swap3A_1028, %swap3A_1029] {strides = array<i32>} : memref<2x128xf32, #tpu.memory_space<vmem>>, vector<1x16xf32>,
      %swap3A_1031 = vector.shape_cast %swap3A_1030 : vector<1x16xf32> to vector<16xf32>
      %swap3A_1032 = vector.shape_cast %max3A_1026 : vector<16xf32> to vector<1x16xf32>
      tpu.vector_store %arg18[%swap3A_1028, %swap3A_1029], %swap3A_1032 {strides = array<i32>} : memref<2x128xf32, #tpu.memory_space<vmem>>, vector<1x16xf32>,
      %neg3A_1033 = arith.constant 0.000000e+00 : f32
      %neg3A_1034 = vector.broadcast %neg3A_1033 : f32 to vector<16xf32>
      %neg3A_1035 = arith.subf %neg3A_1034, %get3A_1008 : vector<16xf32>
      %max3A_1036 = arith.constant 0.000000e+00 : f32
      %max3A_1037 = vector.broadcast %max3A_1036 : f32 to vector<16xf32>
      %max3A_1038 = arith.maximumf %neg3A_1035, %max3A_1037 : vector<16xf32>
      %swap3A_1039 = arith.constant 1 : i32
      %swap3A_1040 = arith.index_cast %swap3A_1039 : i32 to index
      %swap3A_1041 = arith.constant 80 : index
      %swap3A_1042 = tpu.vector_load %arg18[%swap3A_1040, %swap3A_1041] {strides = array<i32>} : memref<2x128xf32, #tpu.memory_space<vmem>>, vector<1x16xf32>,
      %swap3A_1043 = vector.shape_cast %swap3A_1042 : vector<1x16xf32> to vector<16xf32>
      %swap3A_1044 = vector.shape_cast %max3A_1038 : vector<16xf32> to vector<1x16xf32>
      tpu.vector_store %arg18[%swap3A_1040, %swap3A_1041], %swap3A_1044 {strides = array<i32>} : memref<2x128xf32, #tpu.memory_space<vmem>>, vector<1x16xf32>,
      %swap3A_1045 = arith.constant 0 : i32
      %swap3A_1046 = arith.index_cast %swap3A_1045 : i32 to index
      %swap3A_1047 = arith.constant 80 : index
      %swap3A_1048 = tpu.vector_load %arg19[%swap3A_1046, %swap3A_1047] {strides = array<i32>} : memref<2x128xi32, #tpu.memory_space<vmem>>, vector<1x16xi32>,
      %swap3A_1049 = vector.shape_cast %swap3A_1048 : vector<1x16xi32> to vector<16xi32>
      %swap3A_1050 = vector.shape_cast %add3A_1023 : vector<16xi32> to vector<1x16xi32>
      tpu.vector_store %arg19[%swap3A_1046, %swap3A_1047], %swap3A_1050 {strides = array<i32>} : memref<2x128xi32, #tpu.memory_space<vmem>>, vector<1x16xi32>,
      %add3A_1051 = arith.constant 1024 : i32
      %add3A_1052 = vector.broadcast %add3A_1051 : i32 to vector<16xi32>
      %add3A_1053 = arith.addi %add3A_1023, %add3A_1052 : vector<16xi32>
      %swap3A_1054 = arith.constant 1 : i32
      %swap3A_1055 = arith.index_cast %swap3A_1054 : i32 to index
      %swap3A_1056 = arith.constant 80 : index
      %swap3A_1057 = tpu.vector_load %arg19[%swap3A_1055, %swap3A_1056] {strides = array<i32>} : memref<2x128xi32, #tpu.memory_space<vmem>>, vector<1x16xi32>,
      %swap3A_1058 = vector.shape_cast %swap3A_1057 : vector<1x16xi32> to vector<16xi32>
      %swap3A_1059 = vector.shape_cast %add3A_1053 : vector<16xi32> to vector<1x16xi32>
      tpu.vector_store %arg19[%swap3A_1055, %swap3A_1056], %swap3A_1059 {strides = array<i32>} : memref<2x128xi32, #tpu.memory_space<vmem>>, vector<1x16xi32>,
      %get3A_1060 = arith.constant 0 : i32
      %get3A_1061 = arith.index_cast %get3A_1060 : i32 to index
      %get3A_1062 = arith.constant 96 : index
      %get3A_1063 = tpu.vector_load %arg15[%get3A_1061, %get3A_1062] {strides = array<i32>} : memref<1x128xf32, #tpu.memory_space<vmem>>, vector<1x16xf32>,
      %get3A_1064 = vector.shape_cast %get3A_1063 : vector<1x16xf32> to vector<16xf32>
      %get3A_1065 = arith.constant 0 : i32
      %get3A_1066 = arith.index_cast %get3A_1065 : i32 to index
      %get3A_1067 = arith.constant 96 : index
      %get3A_1068 = tpu.vector_load %arg13[%get3A_1066, %get3A_1067] {strides = array<i32>} : memref<1x128xi32, #tpu.memory_space<vmem>>, vector<1x16xi32>,
      %get3A_1069 = vector.shape_cast %get3A_1068 : vector<1x16xi32> to vector<16xi32>
      %shift_right_arithmetic3A_1070 = arith.constant 10 : i32
      %shift_right_arithmetic3A_1071 = vector.broadcast %shift_right_arithmetic3A_1070 : i32 to vector<16xi32>
      %shift_right_arithmetic3A_1072 = arith.shrsi %get3A_1069, %shift_right_arithmetic3A_1071 : vector<16xi32>
      %shift_left3A_1073 = arith.constant 11 : i32
      %shift_left3A_1074 = vector.broadcast %shift_left3A_1073 : i32 to vector<16xi32>
      %shift_left3A_1075 = arith.shli %shift_right_arithmetic3A_1072, %shift_left3A_1074 : vector<16xi32>
      %and3A_1076 = arith.constant 1023 : i32
      %and3A_1077 = vector.broadcast %and3A_1076 : i32 to vector<16xi32>
      %and3A_1078 = arith.andi %get3A_1069, %and3A_1077 : vector<16xi32>
      %add3A_1079 = arith.addi %shift_left3A_1075, %and3A_1078 : vector<16xi32>
      %max3A_1080 = arith.constant 0.000000e+00 : f32
      %max3A_1081 = vector.broadcast %max3A_1080 : f32 to vector<16xf32>
      %max3A_1082 = arith.maximumf %get3A_1064, %max3A_1081 : vector<16xf32>
      %swap3A_1083 = arith.constant 0 : i32
      %swap3A_1084 = arith.index_cast %swap3A_1083 : i32 to index
      %swap3A_1085 = arith.constant 96 : index
      %swap3A_1086 = tpu.vector_load %arg18[%swap3A_1084, %swap3A_1085] {strides = array<i32>} : memref<2x128xf32, #tpu.memory_space<vmem>>, vector<1x16xf32>,
      %swap3A_1087 = vector.shape_cast %swap3A_1086 : vector<1x16xf32> to vector<16xf32>
      %swap3A_1088 = vector.shape_cast %max3A_1082 : vector<16xf32> to vector<1x16xf32>
      tpu.vector_store %arg18[%swap3A_1084, %swap3A_1085], %swap3A_1088 {strides = array<i32>} : memref<2x128xf32, #tpu.memory_space<vmem>>, vector<1x16xf32>,
      %neg3A_1089 = arith.constant 0.000000e+00 : f32
      %neg3A_1090 = vector.broadcast %neg3A_1089 : f32 to vector<16xf32>
      %neg3A_1091 = arith.subf %neg3A_1090, %get3A_1064 : vector<16xf32>
      %max3A_1092 = arith.constant 0.000000e+00 : f32
      %max3A_1093 = vector.broadcast %max3A_1092 : f32 to vector<16xf32>
      %max3A_1094 = arith.maximumf %neg3A_1091, %max3A_1093 : vector<16xf32>
      %swap3A_1095 = arith.constant 1 : i32
      %swap3A_1096 = arith.index_cast %swap3A_1095 : i32 to index
      %swap3A_1097 = arith.constant 96 : index
      %swap3A_1098 = tpu.vector_load %arg18[%swap3A_1096, %swap3A_1097] {strides = array<i32>} : memref<2x128xf32, #tpu.memory_space<vmem>>, vector<1x16xf32>,
      %swap3A_1099 = vector.shape_cast %swap3A_1098 : vector<1x16xf32> to vector<16xf32>
      %swap3A_1100 = vector.shape_cast %max3A_1094 : vector<16xf32> to vector<1x16xf32>
      tpu.vector_store %arg18[%swap3A_1096, %swap3A_1097], %swap3A_1100 {strides = array<i32>} : memref<2x128xf32, #tpu.memory_space<vmem>>, vector<1x16xf32>,
      %swap3A_1101 = arith.constant 0 : i32
      %swap3A_1102 = arith.index_cast %swap3A_1101 : i32 to index
      %swap3A_1103 = arith.constant 96 : index
      %swap3A_1104 = tpu.vector_load %arg19[%swap3A_1102, %swap3A_1103] {strides = array<i32>} : memref<2x128xi32, #tpu.memory_space<vmem>>, vector<1x16xi32>,
      %swap3A_1105 = vector.shape_cast %swap3A_1104 : vector<1x16xi32> to vector<16xi32>
      %swap3A_1106 = vector.shape_cast %add3A_1079 : vector<16xi32> to vector<1x16xi32>
      tpu.vector_store %arg19[%swap3A_1102, %swap3A_1103], %swap3A_1106 {strides = array<i32>} : memref<2x128xi32, #tpu.memory_space<vmem>>, vector<1x16xi32>,
      %add3A_1107 = arith.constant 1024 : i32
      %add3A_1108 = vector.broadcast %add3A_1107 : i32 to vector<16xi32>
      %add3A_1109 = arith.addi %add3A_1079, %add3A_1108 : vector<16xi32>
      %swap3A_1110 = arith.constant 1 : i32
      %swap3A_1111 = arith.index_cast %swap3A_1110 : i32 to index
      %swap3A_1112 = arith.constant 96 : index
      %swap3A_1113 = tpu.vector_load %arg19[%swap3A_1111, %swap3A_1112] {strides = array<i32>} : memref<2x128xi32, #tpu.memory_space<vmem>>, vector<1x16xi32>,
      %swap3A_1114 = vector.shape_cast %swap3A_1113 : vector<1x16xi32> to vector<16xi32>
      %swap3A_1115 = vector.shape_cast %add3A_1109 : vector<16xi32> to vector<1x16xi32>
      tpu.vector_store %arg19[%swap3A_1111, %swap3A_1112], %swap3A_1115 {strides = array<i32>} : memref<2x128xi32, #tpu.memory_space<vmem>>, vector<1x16xi32>,
      %get3A_1116 = arith.constant 0 : i32
      %get3A_1117 = arith.index_cast %get3A_1116 : i32 to index
      %get3A_1118 = arith.constant 112 : index
      %get3A_1119 = tpu.vector_load %arg15[%get3A_1117, %get3A_1118] {strides = array<i32>} : memref<1x128xf32, #tpu.memory_space<vmem>>, vector<1x16xf32>,
      %get3A_1120 = vector.shape_cast %get3A_1119 : vector<1x16xf32> to vector<16xf32>
      %get3A_1121 = arith.constant 0 : i32
      %get3A_1122 = arith.index_cast %get3A_1121 : i32 to index
      %get3A_1123 = arith.constant 112 : index
      %get3A_1124 = tpu.vector_load %arg13[%get3A_1122, %get3A_1123] {strides = array<i32>} : memref<1x128xi32, #tpu.memory_space<vmem>>, vector<1x16xi32>,
      %get3A_1125 = vector.shape_cast %get3A_1124 : vector<1x16xi32> to vector<16xi32>
      %shift_right_arithmetic3A_1126 = arith.constant 10 : i32
      %shift_right_arithmetic3A_1127 = vector.broadcast %shift_right_arithmetic3A_1126 : i32 to vector<16xi32>
      %shift_right_arithmetic3A_1128 = arith.shrsi %get3A_1125, %shift_right_arithmetic3A_1127 : vector<16xi32>
      %shift_left3A_1129 = arith.constant 11 : i32
      %shift_left3A_1130 = vector.broadcast %shift_left3A_1129 : i32 to vector<16xi32>
      %shift_left3A_1131 = arith.shli %shift_right_arithmetic3A_1128, %shift_left3A_1130 : vector<16xi32>
      %and3A_1132 = arith.constant 1023 : i32
      %and3A_1133 = vector.broadcast %and3A_1132 : i32 to vector<16xi32>
      %and3A_1134 = arith.andi %get3A_1125, %and3A_1133 : vector<16xi32>
      %add3A_1135 = arith.addi %shift_left3A_1131, %and3A_1134 : vector<16xi32>
      %max3A_1136 = arith.constant 0.000000e+00 : f32
      %max3A_1137 = vector.broadcast %max3A_1136 : f32 to vector<16xf32>
      %max3A_1138 = arith.maximumf %get3A_1120, %max3A_1137 : vector<16xf32>
      %swap3A_1139 = arith.constant 0 : i32
      %swap3A_1140 = arith.index_cast %swap3A_1139 : i32 to index
      %swap3A_1141 = arith.constant 112 : index
      %swap3A_1142 = tpu.vector_load %arg18[%swap3A_1140, %swap3A_1141] {strides = array<i32>} : memref<2x128xf32, #tpu.memory_space<vmem>>, vector<1x16xf32>,
      %swap3A_1143 = vector.shape_cast %swap3A_1142 : vector<1x16xf32> to vector<16xf32>
      %swap3A_1144 = vector.shape_cast %max3A_1138 : vector<16xf32> to vector<1x16xf32>
      tpu.vector_store %arg18[%swap3A_1140, %swap3A_1141], %swap3A_1144 {strides = array<i32>} : memref<2x128xf32, #tpu.memory_space<vmem>>, vector<1x16xf32>,
      %neg3A_1145 = arith.constant 0.000000e+00 : f32
      %neg3A_1146 = vector.broadcast %neg3A_1145 : f32 to vector<16xf32>
      %neg3A_1147 = arith.subf %neg3A_1146, %get3A_1120 : vector<16xf32>
      %max3A_1148 = arith.constant 0.000000e+00 : f32
      %max3A_1149 = vector.broadcast %max3A_1148 : f32 to vector<16xf32>
      %max3A_1150 = arith.maximumf %neg3A_1147, %max3A_1149 : vector<16xf32>
      %swap3A_1151 = arith.constant 1 : i32
      %swap3A_1152 = arith.index_cast %swap3A_1151 : i32 to index
      %swap3A_1153 = arith.constant 112 : index
      %swap3A_1154 = tpu.vector_load %arg18[%swap3A_1152, %swap3A_1153] {strides = array<i32>} : memref<2x128xf32, #tpu.memory_space<vmem>>, vector<1x16xf32>,
      %swap3A_1155 = vector.shape_cast %swap3A_1154 : vector<1x16xf32> to vector<16xf32>
      %swap3A_1156 = vector.shape_cast %max3A_1150 : vector<16xf32> to vector<1x16xf32>
      tpu.vector_store %arg18[%swap3A_1152, %swap3A_1153], %swap3A_1156 {strides = array<i32>} : memref<2x128xf32, #tpu.memory_space<vmem>>, vector<1x16xf32>,
      %swap3A_1157 = arith.constant 0 : i32
      %swap3A_1158 = arith.index_cast %swap3A_1157 : i32 to index
      %swap3A_1159 = arith.constant 112 : index
      %swap3A_1160 = tpu.vector_load %arg19[%swap3A_1158, %swap3A_1159] {strides = array<i32>} : memref<2x128xi32, #tpu.memory_space<vmem>>, vector<1x16xi32>,
      %swap3A_1161 = vector.shape_cast %swap3A_1160 : vector<1x16xi32> to vector<16xi32>
      %swap3A_1162 = vector.shape_cast %add3A_1135 : vector<16xi32> to vector<1x16xi32>
      tpu.vector_store %arg19[%swap3A_1158, %swap3A_1159], %swap3A_1162 {strides = array<i32>} : memref<2x128xi32, #tpu.memory_space<vmem>>, vector<1x16xi32>,
      %add3A_1163 = arith.constant 1024 : i32
      %add3A_1164 = vector.broadcast %add3A_1163 : i32 to vector<16xi32>
      %add3A_1165 = arith.addi %add3A_1135, %add3A_1164 : vector<16xi32>
      %swap3A_1166 = arith.constant 1 : i32
      %swap3A_1167 = arith.index_cast %swap3A_1166 : i32 to index
      %swap3A_1168 = arith.constant 112 : index
      %swap3A_1169 = tpu.vector_load %arg19[%swap3A_1167, %swap3A_1168] {strides = array<i32>} : memref<2x128xi32, #tpu.memory_space<vmem>>, vector<1x16xi32>,
      %swap3A_1170 = vector.shape_cast %swap3A_1169 : vector<1x16xi32> to vector<16xi32>
      %swap3A_1171 = vector.shape_cast %add3A_1165 : vector<16xi32> to vector<1x16xi32>
      tpu.vector_store %arg19[%swap3A_1167, %swap3A_1168], %swap3A_1171 {strides = array<i32>} : memref<2x128xi32, #tpu.memory_space<vmem>>, vector<1x16xi32>,
      %run_scoped3A_1172 = arith.constant 0 : i32
      %run_scoped3A_1173 = arith.constant 0 : i32
      "tpu.region"() ({
        %run_scoped3A_1184 = tpu.sem_alloc : memref<!tpu.dma_semaphore, #tpu.memory_space<semaphore_mem>>
        %dma_start3A_1185 = arith.constant 0 : i32
        %dma_start3A_1186 = tpu.memref_slice %arg18[%run_scoped3A_1172, %dma_start3A_1185] : memref<2x128xf32, #tpu.memory_space<vmem>> -> memref<1x128xf32, #tpu.memory_space<vmem>>
        %dma_start3A_1187 = tpu.memref_squeeze %dma_start3A_1186 : memref<1x128xf32, #tpu.memory_space<vmem>> -> memref<128xf32, #tpu.memory_space<vmem>>
        %dma_start3A_1188 = arith.constant 0 : i32
        %dma_start3A_1189 = tpu.memref_slice %arg19[%run_scoped3A_1173, %dma_start3A_1188] : memref<2x128xi32, #tpu.memory_space<vmem>> -> memref<1x128xi32, #tpu.memory_space<vmem>>
        %dma_start3A_1190 = tpu.memref_squeeze %dma_start3A_1189 : memref<1x128xi32, #tpu.memory_space<vmem>> -> memref<128xi32, #tpu.memory_space<vmem>>
        %dma_start3A_1191 = arith.constant 0 : i32
        %dma_start3A_1192 = tpu.memref_slice %arg21[%dma_start3A_1191] : memref<20480xf32, #tpu.memory_space<vmem_shared>> -> memref<20480xf32, #tpu.memory_space<vmem_shared>>
        tpu.enqueue_indirect_dma source(%dma_start3A_1187 : memref<128xf32, #tpu.memory_space<vmem>>) target(%dma_start3A_1192 : memref<20480xf32, #tpu.memory_space<vmem_shared>>) offsets(%dma_start3A_1190 : memref<128xi32, #tpu.memory_space<vmem>>) semaphore(%run_scoped3A_1184 : memref<!tpu.dma_semaphore, #tpu.memory_space<semaphore_mem>>) {add = true}
        %dma_wait3A_1193 = arith.constant 0 : i32
        %dma_wait3A_1194 = tpu.memref_slice %arg18[%run_scoped3A_1172, %dma_wait3A_1193] : memref<2x128xf32, #tpu.memory_space<vmem>> -> memref<1x128xf32, #tpu.memory_space<vmem>>
        %dma_wait3A_1195 = tpu.memref_squeeze %dma_wait3A_1194 : memref<1x128xf32, #tpu.memory_space<vmem>> -> memref<128xf32, #tpu.memory_space<vmem>>
        %dma_wait3A_1196 = arith.constant 0 : i32
        %dma_wait3A_1197 = tpu.memref_slice %arg19[%run_scoped3A_1173, %dma_wait3A_1196] : memref<2x128xi32, #tpu.memory_space<vmem>> -> memref<1x128xi32, #tpu.memory_space<vmem>>
        %dma_wait3A_1198 = tpu.memref_squeeze %dma_wait3A_1197 : memref<1x128xi32, #tpu.memory_space<vmem>> -> memref<128xi32, #tpu.memory_space<vmem>>
        %dma_wait3A_1199 = arith.constant 0 : i32
        %dma_wait3A_1200 = tpu.memref_slice %arg21[%dma_wait3A_1199] : memref<20480xf32, #tpu.memory_space<vmem_shared>> -> memref<20480xf32, #tpu.memory_space<vmem_shared>>
        tpu.wait_indirect_dma semaphore(%run_scoped3A_1184 : memref<!tpu.dma_semaphore, #tpu.memory_space<semaphore_mem>>) src(%dma_wait3A_1195 : memref<128xf32, #tpu.memory_space<vmem>>) dst(%dma_wait3A_1200 : memref<20480xf32, #tpu.memory_space<vmem_shared>>)
        tpu.yield
      }) : () -> ()
      %run_scoped3A_1174 = arith.constant 1 : i32
      %run_scoped3A_1175 = arith.constant 1 : i32
      "tpu.region"() ({
        %run_scoped3A_1184 = tpu.sem_alloc : memref<!tpu.dma_semaphore, #tpu.memory_space<semaphore_mem>>
        %dma_start3A_1185 = arith.constant 0 : i32
        %dma_start3A_1186 = tpu.memref_slice %arg18[%run_scoped3A_1174, %dma_start3A_1185] : memref<2x128xf32, #tpu.memory_space<vmem>> -> memref<1x128xf32, #tpu.memory_space<vmem>>
        %dma_start3A_1187 = tpu.memref_squeeze %dma_start3A_1186 : memref<1x128xf32, #tpu.memory_space<vmem>> -> memref<128xf32, #tpu.memory_space<vmem>>
        %dma_start3A_1188 = arith.constant 0 : i32
        %dma_start3A_1189 = tpu.memref_slice %arg19[%run_scoped3A_1175, %dma_start3A_1188] : memref<2x128xi32, #tpu.memory_space<vmem>> -> memref<1x128xi32, #tpu.memory_space<vmem>>
        %dma_start3A_1190 = tpu.memref_squeeze %dma_start3A_1189 : memref<1x128xi32, #tpu.memory_space<vmem>> -> memref<128xi32, #tpu.memory_space<vmem>>
        %dma_start3A_1191 = arith.constant 0 : i32
        %dma_start3A_1192 = tpu.memref_slice %arg21[%dma_start3A_1191] : memref<20480xf32, #tpu.memory_space<vmem_shared>> -> memref<20480xf32, #tpu.memory_space<vmem_shared>>
        tpu.enqueue_indirect_dma source(%dma_start3A_1187 : memref<128xf32, #tpu.memory_space<vmem>>) target(%dma_start3A_1192 : memref<20480xf32, #tpu.memory_space<vmem_shared>>) offsets(%dma_start3A_1190 : memref<128xi32, #tpu.memory_space<vmem>>) semaphore(%run_scoped3A_1184 : memref<!tpu.dma_semaphore, #tpu.memory_space<semaphore_mem>>) {add = true}
        %dma_wait3A_1193 = arith.constant 0 : i32
        %dma_wait3A_1194 = tpu.memref_slice %arg18[%run_scoped3A_1174, %dma_wait3A_1193] : memref<2x128xf32, #tpu.memory_space<vmem>> -> memref<1x128xf32, #tpu.memory_space<vmem>>
        %dma_wait3A_1195 = tpu.memref_squeeze %dma_wait3A_1194 : memref<1x128xf32, #tpu.memory_space<vmem>> -> memref<128xf32, #tpu.memory_space<vmem>>
        %dma_wait3A_1196 = arith.constant 0 : i32
        %dma_wait3A_1197 = tpu.memref_slice %arg19[%run_scoped3A_1175, %dma_wait3A_1196] : memref<2x128xi32, #tpu.memory_space<vmem>> -> memref<1x128xi32, #tpu.memory_space<vmem>>
        %dma_wait3A_1198 = tpu.memref_squeeze %dma_wait3A_1197 : memref<1x128xi32, #tpu.memory_space<vmem>> -> memref<128xi32, #tpu.memory_space<vmem>>
        %dma_wait3A_1199 = arith.constant 0 : i32
        %dma_wait3A_1200 = tpu.memref_slice %arg21[%dma_wait3A_1199] : memref<20480xf32, #tpu.memory_space<vmem_shared>> -> memref<20480xf32, #tpu.memory_space<vmem_shared>>
        tpu.wait_indirect_dma semaphore(%run_scoped3A_1184 : memref<!tpu.dma_semaphore, #tpu.memory_space<semaphore_mem>>) src(%dma_wait3A_1195 : memref<128xf32, #tpu.memory_space<vmem>>) dst(%dma_wait3A_1200 : memref<20480xf32, #tpu.memory_space<vmem_shared>>)
        tpu.yield
      }) : () -> ()
      %dma_wait3A_1176 = arith.constant 0 : i32
      %dma_wait3A_1177 = arith.constant 0 : i32
      %dma_wait3A_1178 = tpu.memref_slice %arg11[%dma_wait3A_1176, %dma_wait3A_1177] : memref<1x128xi32, #tpu.memory_space<vmem>> -> memref<1x128xi32, #tpu.memory_space<vmem>>
      %dma_wait3A_1179 = tpu.memref_squeeze %dma_wait3A_1178 : memref<1x128xi32, #tpu.memory_space<vmem>> -> memref<128xi32, #tpu.memory_space<vmem>>
      %dma_wait3A_1180 = arith.constant 0 : i32
      %dma_wait3A_1181 = arith.constant 0 : i32
      %dma_wait3A_1182 = tpu.memref_slice %arg5[%dma_wait3A_1180, %dma_wait3A_1181] : memref<10000x128xf32, #tpu.memory_space<hbm>> -> memref<10000x128xf32, #tpu.memory_space<hbm>>
      tpu.wait_indirect_dma semaphore(%arg23 : memref<!tpu.dma_semaphore, #tpu.memory_space<semaphore_mem>>) src(%dma_wait3A_1182 : memref<10000x128xf32, #tpu.memory_space<hbm>>) dst(%arg17 : memref<128x128xf32, #tpu.memory_space<vmem>>)
      %run_scoped3A_1183 = arith.constant 0 : i32
      "tpu.region"() ({
        %run_scoped3A_1184 = tpu.sem_alloc : memref<!tpu.dma_semaphore, #tpu.memory_space<semaphore_mem>>
        %dma_start3A_1185 = arith.constant 0 : i32
        %dma_start3A_1186 = tpu.memref_slice %arg13[%run_scoped3A_1183, %dma_start3A_1185] : memref<1x128xi32, #tpu.memory_space<vmem>> -> memref<1x128xi32, #tpu.memory_space<vmem>>
        %dma_start3A_1187 = tpu.memref_squeeze %dma_start3A_1186 : memref<1x128xi32, #tpu.memory_space<vmem>> -> memref<128xi32, #tpu.memory_space<vmem>>
        %dma_start3A_1188 = arith.constant 0 : i32
        %dma_start3A_1189 = arith.constant 0 : i32
        %dma_start3A_1190 = tpu.memref_slice %arg20[%dma_start3A_1188, %dma_start3A_1189] : memref<10240x128xf32, #tpu.memory_space<vmem_shared>> -> memref<10240x128xf32, #tpu.memory_space<vmem_shared>>
        tpu.enqueue_indirect_dma source(%arg17 : memref<128x128xf32, #tpu.memory_space<vmem>>) target(%dma_start3A_1190 : memref<10240x128xf32, #tpu.memory_space<vmem_shared>>) offsets(%dma_start3A_1187 : memref<128xi32, #tpu.memory_space<vmem>>) semaphore(%run_scoped3A_1184 : memref<!tpu.dma_semaphore, #tpu.memory_space<semaphore_mem>>) {add = true}
        %dma_wait3A_1191 = arith.constant 0 : i32
        %dma_wait3A_1192 = tpu.memref_slice %arg13[%run_scoped3A_1183, %dma_wait3A_1191] : memref<1x128xi32, #tpu.memory_space<vmem>> -> memref<1x128xi32, #tpu.memory_space<vmem>>
        %dma_wait3A_1193 = tpu.memref_squeeze %dma_wait3A_1192 : memref<1x128xi32, #tpu.memory_space<vmem>> -> memref<128xi32, #tpu.memory_space<vmem>>
        %dma_wait3A_1194 = arith.constant 0 : i32
        %dma_wait3A_1195 = arith.constant 0 : i32
        %dma_wait3A_1196 = tpu.memref_slice %arg20[%dma_wait3A_1194, %dma_wait3A_1195] : memref<10240x128xf32, #tpu.memory_space<vmem_shared>> -> memref<10240x128xf32, #tpu.memory_space<vmem_shared>>
        tpu.wait_indirect_dma semaphore(%run_scoped3A_1184 : memref<!tpu.dma_semaphore, #tpu.memory_space<semaphore_mem>>) src(%arg17 : memref<128x128xf32, #tpu.memory_space<vmem>>) dst(%dma_wait3A_1196 : memref<10240x128xf32, #tpu.memory_space<vmem_shared>>)
        tpu.yield
      }) : () -> ()
    }
    %dma_wait3A = arith.constant 0 : i32
    %dma_wait3A_65 = arith.constant 0 : i32
    %dma_wait3A_66 = tpu.memref_slice %arg2[%select_n3A, %dma_wait3A, %dma_wait3A_65] : memref<2561x1x128xi32, #tpu.memory_space<hbm>> -> memref<1x1x128xi32, #tpu.memory_space<hbm>>
    %dma_wait3A_67 = tpu.memref_squeeze %dma_wait3A_66 : memref<1x1x128xi32, #tpu.memory_space<hbm>> -> memref<1x128xi32, #tpu.memory_space<hbm>>
    %dma_wait3A_68 = arith.constant 0 : i32
    %dma_wait3A_69 = arith.constant 0 : i32
    %dma_wait3A_70 = tpu.memref_slice %arg2[%select_n3A, %dma_wait3A_68, %dma_wait3A_69] : memref<2561x1x128xi32, #tpu.memory_space<hbm>> -> memref<1x1x128xi32, #tpu.memory_space<hbm>>
    %dma_wait3A_71 = tpu.memref_squeeze %dma_wait3A_70 : memref<1x1x128xi32, #tpu.memory_space<hbm>> -> memref<1x128xi32, #tpu.memory_space<hbm>>
    tpu.wait_dma2 semaphore(%arg24 : memref<!tpu.dma_semaphore, #tpu.memory_space<semaphore_mem>>) src(%dma_wait3A_71 : memref<1x128xi32, #tpu.memory_space<hbm>>) dst(%arg10 : memref<1x128xi32, #tpu.memory_space<vmem>>)
    %dma_wait3A_72 = arith.constant 0 : i32
    %dma_wait3A_73 = arith.constant 0 : i32
    %dma_wait3A_74 = tpu.memref_slice %arg3[%select_n3A, %dma_wait3A_72, %dma_wait3A_73] : memref<2561x1x128xi32, #tpu.memory_space<hbm>> -> memref<1x1x128xi32, #tpu.memory_space<hbm>>
    %dma_wait3A_75 = tpu.memref_squeeze %dma_wait3A_74 : memref<1x1x128xi32, #tpu.memory_space<hbm>> -> memref<1x128xi32, #tpu.memory_space<hbm>>
    %dma_wait3A_76 = arith.constant 0 : i32
    %dma_wait3A_77 = arith.constant 0 : i32
    %dma_wait3A_78 = tpu.memref_slice %arg3[%select_n3A, %dma_wait3A_76, %dma_wait3A_77] : memref<2561x1x128xi32, #tpu.memory_space<hbm>> -> memref<1x1x128xi32, #tpu.memory_space<hbm>>
    %dma_wait3A_79 = tpu.memref_squeeze %dma_wait3A_78 : memref<1x1x128xi32, #tpu.memory_space<hbm>> -> memref<1x128xi32, #tpu.memory_space<hbm>>
    tpu.wait_dma2 semaphore(%arg24 : memref<!tpu.dma_semaphore, #tpu.memory_space<semaphore_mem>>) src(%dma_wait3A_79 : memref<1x128xi32, #tpu.memory_space<hbm>>) dst(%arg12 : memref<1x128xi32, #tpu.memory_space<vmem>>)
    %dma_wait3A_80 = arith.constant 0 : i32
    %dma_wait3A_81 = arith.constant 0 : i32
    %dma_wait3A_82 = tpu.memref_slice %arg4[%select_n3A, %dma_wait3A_80, %dma_wait3A_81] : memref<2561x1x128xf32, #tpu.memory_space<hbm>> -> memref<1x1x128xf32, #tpu.memory_space<hbm>>
    %dma_wait3A_83 = tpu.memref_squeeze %dma_wait3A_82 : memref<1x1x128xf32, #tpu.memory_space<hbm>> -> memref<1x128xf32, #tpu.memory_space<hbm>>
    %dma_wait3A_84 = arith.constant 0 : i32
    %dma_wait3A_85 = arith.constant 0 : i32
    %dma_wait3A_86 = tpu.memref_slice %arg4[%select_n3A, %dma_wait3A_84, %dma_wait3A_85] : memref<2561x1x128xf32, #tpu.memory_space<hbm>> -> memref<1x1x128xf32, #tpu.memory_space<hbm>>
    %dma_wait3A_87 = tpu.memref_squeeze %dma_wait3A_86 : memref<1x1x128xf32, #tpu.memory_space<hbm>> -> memref<1x128xf32, #tpu.memory_space<hbm>>
    tpu.wait_dma2 semaphore(%arg24 : memref<!tpu.dma_semaphore, #tpu.memory_space<semaphore_mem>>) src(%dma_wait3A_87 : memref<1x128xf32, #tpu.memory_space<hbm>>) dst(%arg14 : memref<1x128xf32, #tpu.memory_space<vmem>>)
    %barrier3A_88 = arith.constant 0 : index
    tpu.barrier barrier_id(%barrier3A_88)
    %mul3A_89 = arith.constant 640 : i32
    %mul3A_90 = arith.muli %arg1, %mul3A_89 : i32
    %add3A_91 = arith.constant 0 : i32
    %add3A_92 = arith.addi %mul3A_90, %add3A_91 : i32
    %mul3A_93 = arith.constant 640 : i32
    %mul3A_94 = arith.muli %arg1, %mul3A_93 : i32
    %add3A_95 = arith.constant 0 : i32
    %add3A_96 = arith.addi %mul3A_94, %add3A_95 : i32
    "tpu.region"() ({
      %run_scoped3A = tpu.sem_alloc : memref<!tpu.dma_semaphore, #tpu.memory_space<semaphore_mem>>
      %dma_start3A_137 = arith.constant 0 : i32
      %dma_start3A_138 = tpu.memref_slice %arg8[%arg0, %add3A_96, %dma_start3A_137] : memref<2x10240x128xf32, #tpu.memory_space<hbm>> -> memref<1x128x128xf32, #tpu.memory_space<hbm>>
      %dma_start3A_139 = tpu.memref_squeeze %dma_start3A_138 : memref<1x128x128xf32, #tpu.memory_space<hbm>> -> memref<128x128xf32, #tpu.memory_space<hbm>>
      %dma_start3A_140 = arith.constant 0 : i32
      %dma_start3A_141 = tpu.memref_slice %arg20[%add3A_92, %dma_start3A_140] : memref<10240x128xf32, #tpu.memory_space<vmem_shared>> -> memref<128x128xf32, #tpu.memory_space<vmem_shared>>
      tpu.enqueue_dma source(%dma_start3A_141 : memref<128x128xf32, #tpu.memory_space<vmem_shared>>) target(%dma_start3A_139 : memref<128x128xf32, #tpu.memory_space<hbm>>) target_semaphore(%run_scoped3A : memref<!tpu.dma_semaphore, #tpu.memory_space<semaphore_mem>>)
      %dma_wait3A_142 = arith.constant 0 : i32
      %dma_wait3A_143 = tpu.memref_slice %arg8[%arg0, %add3A_96, %dma_wait3A_142] : memref<2x10240x128xf32, #tpu.memory_space<hbm>> -> memref<1x128x128xf32, #tpu.memory_space<hbm>>
      %dma_wait3A_144 = tpu.memref_squeeze %dma_wait3A_143 : memref<1x128x128xf32, #tpu.memory_space<hbm>> -> memref<128x128xf32, #tpu.memory_space<hbm>>
      %dma_wait3A_145 = arith.constant 0 : i32
      %dma_wait3A_146 = tpu.memref_slice %arg20[%add3A_92, %dma_wait3A_145] : memref<10240x128xf32, #tpu.memory_space<vmem_shared>> -> memref<128x128xf32, #tpu.memory_space<vmem_shared>>
      tpu.wait_dma2 semaphore(%run_scoped3A : memref<!tpu.dma_semaphore, #tpu.memory_space<semaphore_mem>>) src(%dma_wait3A_146 : memref<128x128xf32, #tpu.memory_space<vmem_shared>>) dst(%dma_wait3A_144 : memref<128x128xf32, #tpu.memory_space<hbm>>)
      tpu.yield
    }) : () -> ()
    %mul3A_97 = arith.constant 640 : i32
    %mul3A_98 = arith.muli %arg1, %mul3A_97 : i32
    %add3A_99 = arith.constant 128 : i32
    %add3A_100 = arith.addi %mul3A_98, %add3A_99 : i32
    %mul3A_101 = arith.constant 640 : i32
    %mul3A_102 = arith.muli %arg1, %mul3A_101 : i32
    %add3A_103 = arith.constant 128 : i32
    %add3A_104 = arith.addi %mul3A_102, %add3A_103 : i32
    "tpu.region"() ({
      %run_scoped3A = tpu.sem_alloc : memref<!tpu.dma_semaphore, #tpu.memory_space<semaphore_mem>>
      %dma_start3A_137 = arith.constant 0 : i32
      %dma_start3A_138 = tpu.memref_slice %arg8[%arg0, %add3A_104, %dma_start3A_137] : memref<2x10240x128xf32, #tpu.memory_space<hbm>> -> memref<1x128x128xf32, #tpu.memory_space<hbm>>
      %dma_start3A_139 = tpu.memref_squeeze %dma_start3A_138 : memref<1x128x128xf32, #tpu.memory_space<hbm>> -> memref<128x128xf32, #tpu.memory_space<hbm>>
      %dma_start3A_140 = arith.constant 0 : i32
      %dma_start3A_141 = tpu.memref_slice %arg20[%add3A_100, %dma_start3A_140] : memref<10240x128xf32, #tpu.memory_space<vmem_shared>> -> memref<128x128xf32, #tpu.memory_space<vmem_shared>>
      tpu.enqueue_dma source(%dma_start3A_141 : memref<128x128xf32, #tpu.memory_space<vmem_shared>>) target(%dma_start3A_139 : memref<128x128xf32, #tpu.memory_space<hbm>>) target_semaphore(%run_scoped3A : memref<!tpu.dma_semaphore, #tpu.memory_space<semaphore_mem>>)
      %dma_wait3A_142 = arith.constant 0 : i32
      %dma_wait3A_143 = tpu.memref_slice %arg8[%arg0, %add3A_104, %dma_wait3A_142] : memref<2x10240x128xf32, #tpu.memory_space<hbm>> -> memref<1x128x128xf32, #tpu.memory_space<hbm>>
      %dma_wait3A_144 = tpu.memref_squeeze %dma_wait3A_143 : memref<1x128x128xf32, #tpu.memory_space<hbm>> -> memref<128x128xf32, #tpu.memory_space<hbm>>
      %dma_wait3A_145 = arith.constant 0 : i32
      %dma_wait3A_146 = tpu.memref_slice %arg20[%add3A_100, %dma_wait3A_145] : memref<10240x128xf32, #tpu.memory_space<vmem_shared>> -> memref<128x128xf32, #tpu.memory_space<vmem_shared>>
      tpu.wait_dma2 semaphore(%run_scoped3A : memref<!tpu.dma_semaphore, #tpu.memory_space<semaphore_mem>>) src(%dma_wait3A_146 : memref<128x128xf32, #tpu.memory_space<vmem_shared>>) dst(%dma_wait3A_144 : memref<128x128xf32, #tpu.memory_space<hbm>>)
      tpu.yield
    }) : () -> ()
    %mul3A_105 = arith.constant 640 : i32
    %mul3A_106 = arith.muli %arg1, %mul3A_105 : i32
    %add3A_107 = arith.constant 256 : i32
    %add3A_108 = arith.addi %mul3A_106, %add3A_107 : i32
    %mul3A_109 = arith.constant 640 : i32
    %mul3A_110 = arith.muli %arg1, %mul3A_109 : i32
    %add3A_111 = arith.constant 256 : i32
    %add3A_112 = arith.addi %mul3A_110, %add3A_111 : i32
    "tpu.region"() ({
      %run_scoped3A = tpu.sem_alloc : memref<!tpu.dma_semaphore, #tpu.memory_space<semaphore_mem>>
      %dma_start3A_137 = arith.constant 0 : i32
      %dma_start3A_138 = tpu.memref_slice %arg8[%arg0, %add3A_112, %dma_start3A_137] : memref<2x10240x128xf32, #tpu.memory_space<hbm>> -> memref<1x128x128xf32, #tpu.memory_space<hbm>>
      %dma_start3A_139 = tpu.memref_squeeze %dma_start3A_138 : memref<1x128x128xf32, #tpu.memory_space<hbm>> -> memref<128x128xf32, #tpu.memory_space<hbm>>
      %dma_start3A_140 = arith.constant 0 : i32
      %dma_start3A_141 = tpu.memref_slice %arg20[%add3A_108, %dma_start3A_140] : memref<10240x128xf32, #tpu.memory_space<vmem_shared>> -> memref<128x128xf32, #tpu.memory_space<vmem_shared>>
      tpu.enqueue_dma source(%dma_start3A_141 : memref<128x128xf32, #tpu.memory_space<vmem_shared>>) target(%dma_start3A_139 : memref<128x128xf32, #tpu.memory_space<hbm>>) target_semaphore(%run_scoped3A : memref<!tpu.dma_semaphore, #tpu.memory_space<semaphore_mem>>)
      %dma_wait3A_142 = arith.constant 0 : i32
      %dma_wait3A_143 = tpu.memref_slice %arg8[%arg0, %add3A_112, %dma_wait3A_142] : memref<2x10240x128xf32, #tpu.memory_space<hbm>> -> memref<1x128x128xf32, #tpu.memory_space<hbm>>
      %dma_wait3A_144 = tpu.memref_squeeze %dma_wait3A_143 : memref<1x128x128xf32, #tpu.memory_space<hbm>> -> memref<128x128xf32, #tpu.memory_space<hbm>>
      %dma_wait3A_145 = arith.constant 0 : i32
      %dma_wait3A_146 = tpu.memref_slice %arg20[%add3A_108, %dma_wait3A_145] : memref<10240x128xf32, #tpu.memory_space<vmem_shared>> -> memref<128x128xf32, #tpu.memory_space<vmem_shared>>
      tpu.wait_dma2 semaphore(%run_scoped3A : memref<!tpu.dma_semaphore, #tpu.memory_space<semaphore_mem>>) src(%dma_wait3A_146 : memref<128x128xf32, #tpu.memory_space<vmem_shared>>) dst(%dma_wait3A_144 : memref<128x128xf32, #tpu.memory_space<hbm>>)
      tpu.yield
    }) : () -> ()
    %mul3A_113 = arith.constant 640 : i32
    %mul3A_114 = arith.muli %arg1, %mul3A_113 : i32
    %add3A_115 = arith.constant 384 : i32
    %add3A_116 = arith.addi %mul3A_114, %add3A_115 : i32
    %mul3A_117 = arith.constant 640 : i32
    %mul3A_118 = arith.muli %arg1, %mul3A_117 : i32
    %add3A_119 = arith.constant 384 : i32
    %add3A_120 = arith.addi %mul3A_118, %add3A_119 : i32
    "tpu.region"() ({
      %run_scoped3A = tpu.sem_alloc : memref<!tpu.dma_semaphore, #tpu.memory_space<semaphore_mem>>
      %dma_start3A_137 = arith.constant 0 : i32
      %dma_start3A_138 = tpu.memref_slice %arg8[%arg0, %add3A_120, %dma_start3A_137] : memref<2x10240x128xf32, #tpu.memory_space<hbm>> -> memref<1x128x128xf32, #tpu.memory_space<hbm>>
      %dma_start3A_139 = tpu.memref_squeeze %dma_start3A_138 : memref<1x128x128xf32, #tpu.memory_space<hbm>> -> memref<128x128xf32, #tpu.memory_space<hbm>>
      %dma_start3A_140 = arith.constant 0 : i32
      %dma_start3A_141 = tpu.memref_slice %arg20[%add3A_116, %dma_start3A_140] : memref<10240x128xf32, #tpu.memory_space<vmem_shared>> -> memref<128x128xf32, #tpu.memory_space<vmem_shared>>
      tpu.enqueue_dma source(%dma_start3A_141 : memref<128x128xf32, #tpu.memory_space<vmem_shared>>) target(%dma_start3A_139 : memref<128x128xf32, #tpu.memory_space<hbm>>) target_semaphore(%run_scoped3A : memref<!tpu.dma_semaphore, #tpu.memory_space<semaphore_mem>>)
      %dma_wait3A_142 = arith.constant 0 : i32
      %dma_wait3A_143 = tpu.memref_slice %arg8[%arg0, %add3A_120, %dma_wait3A_142] : memref<2x10240x128xf32, #tpu.memory_space<hbm>> -> memref<1x128x128xf32, #tpu.memory_space<hbm>>
      %dma_wait3A_144 = tpu.memref_squeeze %dma_wait3A_143 : memref<1x128x128xf32, #tpu.memory_space<hbm>> -> memref<128x128xf32, #tpu.memory_space<hbm>>
      %dma_wait3A_145 = arith.constant 0 : i32
      %dma_wait3A_146 = tpu.memref_slice %arg20[%add3A_116, %dma_wait3A_145] : memref<10240x128xf32, #tpu.memory_space<vmem_shared>> -> memref<128x128xf32, #tpu.memory_space<vmem_shared>>
      tpu.wait_dma2 semaphore(%run_scoped3A : memref<!tpu.dma_semaphore, #tpu.memory_space<semaphore_mem>>) src(%dma_wait3A_146 : memref<128x128xf32, #tpu.memory_space<vmem_shared>>) dst(%dma_wait3A_144 : memref<128x128xf32, #tpu.memory_space<hbm>>)
      tpu.yield
    }) : () -> ()
    %mul3A_121 = arith.constant 640 : i32
    %mul3A_122 = arith.muli %arg1, %mul3A_121 : i32
    %add3A_123 = arith.constant 512 : i32
    %add3A_124 = arith.addi %mul3A_122, %add3A_123 : i32
    %mul3A_125 = arith.constant 640 : i32
    %mul3A_126 = arith.muli %arg1, %mul3A_125 : i32
    %add3A_127 = arith.constant 512 : i32
    %add3A_128 = arith.addi %mul3A_126, %add3A_127 : i32
    "tpu.region"() ({
      %run_scoped3A = tpu.sem_alloc : memref<!tpu.dma_semaphore, #tpu.memory_space<semaphore_mem>>
      %dma_start3A_137 = arith.constant 0 : i32
      %dma_start3A_138 = tpu.memref_slice %arg8[%arg0, %add3A_128, %dma_start3A_137] : memref<2x10240x128xf32, #tpu.memory_space<hbm>> -> memref<1x128x128xf32, #tpu.memory_space<hbm>>
      %dma_start3A_139 = tpu.memref_squeeze %dma_start3A_138 : memref<1x128x128xf32, #tpu.memory_space<hbm>> -> memref<128x128xf32, #tpu.memory_space<hbm>>
      %dma_start3A_140 = arith.constant 0 : i32
      %dma_start3A_141 = tpu.memref_slice %arg20[%add3A_124, %dma_start3A_140] : memref<10240x128xf32, #tpu.memory_space<vmem_shared>> -> memref<128x128xf32, #tpu.memory_space<vmem_shared>>
      tpu.enqueue_dma source(%dma_start3A_141 : memref<128x128xf32, #tpu.memory_space<vmem_shared>>) target(%dma_start3A_139 : memref<128x128xf32, #tpu.memory_space<hbm>>) target_semaphore(%run_scoped3A : memref<!tpu.dma_semaphore, #tpu.memory_space<semaphore_mem>>)
      %dma_wait3A_142 = arith.constant 0 : i32
      %dma_wait3A_143 = tpu.memref_slice %arg8[%arg0, %add3A_128, %dma_wait3A_142] : memref<2x10240x128xf32, #tpu.memory_space<hbm>> -> memref<1x128x128xf32, #tpu.memory_space<hbm>>
      %dma_wait3A_144 = tpu.memref_squeeze %dma_wait3A_143 : memref<1x128x128xf32, #tpu.memory_space<hbm>> -> memref<128x128xf32, #tpu.memory_space<hbm>>
      %dma_wait3A_145 = arith.constant 0 : i32
      %dma_wait3A_146 = tpu.memref_slice %arg20[%add3A_124, %dma_wait3A_145] : memref<10240x128xf32, #tpu.memory_space<vmem_shared>> -> memref<128x128xf32, #tpu.memory_space<vmem_shared>>
      tpu.wait_dma2 semaphore(%run_scoped3A : memref<!tpu.dma_semaphore, #tpu.memory_space<semaphore_mem>>) src(%dma_wait3A_146 : memref<128x128xf32, #tpu.memory_space<vmem_shared>>) dst(%dma_wait3A_144 : memref<128x128xf32, #tpu.memory_space<hbm>>)
      tpu.yield
    }) : () -> ()
    %mul3A_129 = arith.constant 2 : i32
    %mul3A_130 = arith.muli %arg1, %mul3A_129 : i32
    %mul3A_131 = arith.constant 640 : i32
    %mul3A_132 = arith.muli %mul3A_130, %mul3A_131 : i32
    %mul3A_133 = arith.constant 2 : i32
    %mul3A_134 = arith.muli %arg1, %mul3A_133 : i32
    %mul3A_135 = arith.constant 640 : i32
    %mul3A_136 = arith.muli %mul3A_134, %mul3A_135 : i32
    "tpu.region"() ({
      %run_scoped3A = tpu.sem_alloc : memref<!tpu.dma_semaphore, #tpu.memory_space<semaphore_mem>>
      %dma_start3A_137 = tpu.memref_slice %arg9[%arg0, %mul3A_136] : memref<2x20480xf32, #tpu.memory_space<hbm>> -> memref<1x1280xf32, #tpu.memory_space<hbm>>
      %dma_start3A_138 = tpu.memref_squeeze %dma_start3A_137 : memref<1x1280xf32, #tpu.memory_space<hbm>> -> memref<1280xf32, #tpu.memory_space<hbm>>
      %dma_start3A_139 = tpu.memref_slice %arg21[%mul3A_132] : memref<20480xf32, #tpu.memory_space<vmem_shared>> -> memref<1280xf32, #tpu.memory_space<vmem_shared>>
      tpu.enqueue_dma source(%dma_start3A_139 : memref<1280xf32, #tpu.memory_space<vmem_shared>>) target(%dma_start3A_138 : memref<1280xf32, #tpu.memory_space<hbm>>) target_semaphore(%run_scoped3A : memref<!tpu.dma_semaphore, #tpu.memory_space<semaphore_mem>>)
      %dma_wait3A_140 = tpu.memref_slice %arg9[%arg0, %mul3A_136] : memref<2x20480xf32, #tpu.memory_space<hbm>> -> memref<1x1280xf32, #tpu.memory_space<hbm>>
      %dma_wait3A_141 = tpu.memref_squeeze %dma_wait3A_140 : memref<1x1280xf32, #tpu.memory_space<hbm>> -> memref<1280xf32, #tpu.memory_space<hbm>>
      %dma_wait3A_142 = tpu.memref_slice %arg21[%mul3A_132] : memref<20480xf32, #tpu.memory_space<vmem_shared>> -> memref<1280xf32, #tpu.memory_space<vmem_shared>>
      tpu.wait_dma2 semaphore(%run_scoped3A : memref<!tpu.dma_semaphore, #tpu.memory_space<semaphore_mem>>) src(%dma_wait3A_142 : memref<1280xf32, #tpu.memory_space<vmem_shared>>) dst(%dma_wait3A_141 : memref<1280xf32, #tpu.memory_space<hbm>>)
      tpu.yield
    }) : () -> ()
    return
  }
}

module attributes {stable_mosaic.version = 14 : i64} {
  func.func @_tc_epilogue(%arg0: i32, %arg1: memref<1024x128xf32, #tpu.memory_space<vmem>>, %arg2: memref<2x1024x128xf32, #tpu.memory_space<vmem>>, %arg3: memref<2x1x2x1024xf32, #tpu.memory_space<vmem>>, %arg4: memref<128x128xf32, #tpu.memory_space<vmem>>, %arg5: memref<128x128xf32, #tpu.memory_space<vmem>>, %arg6: memref<128x128xf32, #tpu.memory_space<vmem>>, %arg7: memref<1x128xf32, #tpu.memory_space<vmem>>, %arg8: memref<1x128xf32, #tpu.memory_space<vmem>>, %arg9: memref<1024x128xf32, #tpu.memory_space<vmem>>) attributes {dimension_semantics = [#tpu.dimension_semantics<arbitrary>], iteration_bounds = array<i64: 10>, scalar_prefetch = 0 : i64, scratch_operands = 0 : i64, tpu.core_type = #tpu.core_type<tc>, window_params = [{transform_indices = @transform_0, window_bounds = array<i64: 1024, 128>}, {transform_indices = @transform_1, window_bounds = array<i64: 2, 1024, 128>}, {transform_indices = @transform_2, window_bounds = array<i64: 2, 1, 2, 1024>}, {pipeline_mode = #tpu.pipeline_mode<synchronous>, transform_indices = @transform_3, window_bounds = array<i64: 128, 128>}, {pipeline_mode = #tpu.pipeline_mode<synchronous>, transform_indices = @transform_4, window_bounds = array<i64: 128, 128>}, {pipeline_mode = #tpu.pipeline_mode<synchronous>, transform_indices = @transform_5, window_bounds = array<i64: 128, 128>}, {pipeline_mode = #tpu.pipeline_mode<synchronous>, transform_indices = @transform_6, window_bounds = array<i64: 1, 128>}, {pipeline_mode = #tpu.pipeline_mode<synchronous>, transform_indices = @transform_7, window_bounds = array<i64: 1, 128>}, {transform_indices = @transform_8, window_bounds = array<i64: 1024, 128>}]} {
    %get3A = arith.constant 0 : index
    %get3A_0 = arith.constant 0 : index
    %get3A_1 = vector.load %arg8[%get3A, %get3A_0] : memref<1x128xf32, #tpu.memory_space<vmem>>, vector<1x128xf32>
    %max3A = arith.constant 0.000000e+00 : f32
    %max3A_2 = vector.broadcast %max3A : f32 to vector<1x128xf32>
    %max3A_3 = arith.maximumf %get3A_1, %max3A_2 : vector<1x128xf32>
    %neg3A = arith.constant 0.000000e+00 : f32
    %neg3A_4 = vector.broadcast %neg3A : f32 to vector<1x128xf32>
    %neg3A_5 = arith.subf %neg3A_4, %get3A_1 : vector<1x128xf32>
    %max3A_6 = arith.constant 0.000000e+00 : f32
    %max3A_7 = vector.broadcast %max3A_6 : f32 to vector<1x128xf32>
    %max3A_8 = arith.maximumf %neg3A_5, %max3A_7 : vector<1x128xf32>
    %concatenate3A = tpu.concatenate %max3A_3, %max3A_8 in 0 : vector<1x128xf32>, vector<1x128xf32> -> vector<2x128xf32>
    %get3A_9 = arith.constant 0 : index
    %get3A_10 = arith.constant 0 : index
    %get3A_11 = vector.load %arg6[%get3A_9, %get3A_10] : memref<128x128xf32, #tpu.memory_space<vmem>>, vector<128x128xf32>
    %dot_general3A = arith.constant dense<0.000000e+00> : vector<2x128xf32>
    %dot_general3A_12 = tpu.matmul %concatenate3A, %get3A_11, %dot_general3A {dimension_numbers = #tpu.dot_dimension_numbers<[1], [1], [0], [0], [0, 0, 1, 0], [], []>, transpose_lhs_hint = false} : vector<2x128xf32>, vector<128x128xf32>, vector<2x128xf32> -> vector<2x128xf32>
    %get3A_13 = arith.constant 0 : index
    %get3A_14 = arith.constant 0 : index
    %get3A_15 = arith.constant 0 : index
    %get3A_16 = arith.constant 0 : index
    %get3A_17 = vector.load %arg3[%get3A_13, %get3A_14, %get3A_15, %get3A_16] : memref<2x1x2x1024xf32, #tpu.memory_space<vmem>>, vector<1x1x2x1024xf32>
    %get3A_18 = vector.shape_cast %get3A_17 : vector<1x1x2x1024xf32> to vector<2x1024xf32>
    %get3A_19 = arith.constant 1 : index
    %get3A_20 = arith.constant 0 : index
    %get3A_21 = arith.constant 0 : index
    %get3A_22 = arith.constant 0 : index
    %get3A_23 = vector.load %arg3[%get3A_19, %get3A_20, %get3A_21, %get3A_22] : memref<2x1x2x1024xf32, #tpu.memory_space<vmem>>, vector<1x1x2x1024xf32>
    %get3A_24 = vector.shape_cast %get3A_23 : vector<1x1x2x1024xf32> to vector<2x1024xf32>
    %add3A = arith.addf %get3A_18, %get3A_24 : vector<2x1024xf32>
    %get3A_25 = arith.constant 0 : index
    %get3A_26 = arith.constant 0 : index
    %get3A_27 = arith.constant 0 : index
    %get3A_28 = vector.load %arg2[%get3A_25, %get3A_26, %get3A_27] : memref<2x1024x128xf32, #tpu.memory_space<vmem>>, vector<1x1024x128xf32>
    %get3A_29 = vector.shape_cast %get3A_28 : vector<1x1024x128xf32> to vector<1024x128xf32>
    %get3A_30 = arith.constant 1 : index
    %get3A_31 = arith.constant 0 : index
    %get3A_32 = arith.constant 0 : index
    %get3A_33 = vector.load %arg2[%get3A_30, %get3A_31, %get3A_32] : memref<2x1024x128xf32, #tpu.memory_space<vmem>>, vector<1x1024x128xf32>
    %get3A_34 = vector.shape_cast %get3A_33 : vector<1x1024x128xf32> to vector<1024x128xf32>
    %add3A_35 = arith.addf %get3A_29, %get3A_34 : vector<1024x128xf32>
    %get3A_36 = arith.constant 0 : index
    %get3A_37 = arith.constant 0 : index
    %get3A_38 = vector.load %arg1[%get3A_36, %get3A_37] : memref<1024x128xf32, #tpu.memory_space<vmem>>, vector<1024x128xf32>
    %get3A_39 = arith.constant 0 : index
    %get3A_40 = arith.constant 0 : index
    %get3A_41 = vector.load %arg4[%get3A_39, %get3A_40] : memref<128x128xf32, #tpu.memory_space<vmem>>, vector<128x128xf32>
    %dot_general3A_42 = arith.constant dense<0.000000e+00> : vector<1024x128xf32>
    %dot_general3A_43 = tpu.matmul %get3A_38, %get3A_41, %dot_general3A_42 {dimension_numbers = #tpu.dot_dimension_numbers<[1], [1], [0], [0], [0, 0, 1, 0], [], []>, transpose_lhs_hint = false} : vector<1024x128xf32>, vector<128x128xf32>, vector<1024x128xf32> -> vector<1024x128xf32>
    %get3A_44 = arith.constant 0 : index
    %get3A_45 = arith.constant 0 : index
    %get3A_46 = vector.load %arg5[%get3A_44, %get3A_45] : memref<128x128xf32, #tpu.memory_space<vmem>>, vector<128x128xf32>
    %dot_general3A_47 = arith.constant dense<0.000000e+00> : vector<1024x128xf32>
    %dot_general3A_48 = tpu.matmul %add3A_35, %get3A_46, %dot_general3A_47 {dimension_numbers = #tpu.dot_dimension_numbers<[1], [1], [0], [0], [0, 0, 1, 0], [], []>, transpose_lhs_hint = false} : vector<1024x128xf32>, vector<128x128xf32>, vector<1024x128xf32> -> vector<1024x128xf32>
    %add3A_49 = arith.addf %dot_general3A_43, %dot_general3A_48 : vector<1024x128xf32>
    %dot_general3A_50 = arith.constant dense<0.000000e+00> : vector<1024x128xf32>
    %dot_general3A_51 = tpu.matmul %add3A, %dot_general3A_12, %dot_general3A_50 {dimension_numbers = #tpu.dot_dimension_numbers<[0], [0], [1], [1], [0, 1, 1, 1], [], []>, transpose_lhs_hint = false} : vector<2x1024xf32>, vector<2x128xf32>, vector<1024x128xf32> -> vector<1024x128xf32>
    %add3A_52 = arith.addf %add3A_49, %dot_general3A_51 : vector<1024x128xf32>
    %get3A_53 = arith.constant 0 : index
    %get3A_54 = arith.constant 0 : index
    %get3A_55 = vector.load %arg7[%get3A_53, %get3A_54] : memref<1x128xf32, #tpu.memory_space<vmem>>, vector<1x128xf32>
    %add3A_56 = vector.broadcast %get3A_55 : vector<1x128xf32> to vector<1024x128xf32>
    %add3A_57 = arith.addf %add3A_52, %add3A_56 : vector<1024x128xf32>
    %max3A_58 = arith.constant 0.000000e+00 : f32
    %max3A_59 = vector.broadcast %max3A_58 : f32 to vector<1024x128xf32>
    %max3A_60 = arith.maximumf %add3A_57, %max3A_59 : vector<1024x128xf32>
    %swap3A = arith.constant 0 : index
    %swap3A_61 = arith.constant 0 : index
    %swap3A_62 = vector.load %arg9[%swap3A, %swap3A_61] : memref<1024x128xf32, #tpu.memory_space<vmem>>, vector<1024x128xf32>
    tpu.vector_store %arg9[%swap3A, %swap3A_61], %max3A_60 {strides = array<i32>} : memref<1024x128xf32, #tpu.memory_space<vmem>>, vector<1024x128xf32>,
    return
  }
  func.func @transform_0(%arg0: i32) -> (i32, i32) {
    %c0_i32 = arith.constant 0 : i32
    %c0_i32_0 = arith.constant 0 : i32
    return %arg0, %c0_i32 : i32, i32
  }
  func.func @transform_1(%arg0: i32) -> (i32, i32, i32) {
    %c0_i32 = arith.constant 0 : i32
    %c0_i32_0 = arith.constant 0 : i32
    %c0_i32_1 = arith.constant 0 : i32
    return %c0_i32, %arg0, %c0_i32_0 : i32, i32, i32
  }
  func.func @transform_2(%arg0: i32) -> (i32, i32, i32, i32) {
    %c0_i32 = arith.constant 0 : i32
    %c0_i32_0 = arith.constant 0 : i32
    %c0_i32_1 = arith.constant 0 : i32
    %c0_i32_2 = arith.constant 0 : i32
    return %c0_i32, %arg0, %c0_i32_0, %c0_i32_1 : i32, i32, i32, i32
  }
  func.func @transform_3(%arg0: i32) -> (i32, i32) {
    %c0_i32 = arith.constant 0 : i32
    %c0_i32_0 = arith.constant 0 : i32
    %c0_i32_1 = arith.constant 0 : i32
    return %c0_i32, %c0_i32_0 : i32, i32
  }
  func.func @transform_4(%arg0: i32) -> (i32, i32) {
    %c0_i32 = arith.constant 0 : i32
    %c0_i32_0 = arith.constant 0 : i32
    %c0_i32_1 = arith.constant 0 : i32
    return %c0_i32, %c0_i32_0 : i32, i32
  }
  func.func @transform_5(%arg0: i32) -> (i32, i32) {
    %c0_i32 = arith.constant 0 : i32
    %c0_i32_0 = arith.constant 0 : i32
    %c0_i32_1 = arith.constant 0 : i32
    return %c0_i32, %c0_i32_0 : i32, i32
  }
  func.func @transform_6(%arg0: i32) -> (i32, i32) {
    %c0_i32 = arith.constant 0 : i32
    %c0_i32_0 = arith.constant 0 : i32
    %c0_i32_1 = arith.constant 0 : i32
    return %c0_i32, %c0_i32_0 : i32, i32
  }
  func.func @transform_7(%arg0: i32) -> (i32, i32) {
    %c0_i32 = arith.constant 0 : i32
    %c0_i32_0 = arith.constant 0 : i32
    %c0_i32_1 = arith.constant 0 : i32
    return %c0_i32, %c0_i32_0 : i32, i32
  }
  func.func @transform_8(%arg0: i32) -> (i32, i32) {
    %c0_i32 = arith.constant 0 : i32
    %c0_i32_0 = arith.constant 0 : i32
    return %arg0, %c0_i32 : i32, i32
  }
}

</mosaic_0001>

<sc_bundles>
// kernel: kernel.4.cloned.1.call-start
scs
__scs_entry_jumppad:
0x0: {  	(pc) =	sbr.rel $0x88, $3  }
0x1: {  	(tag) =	ssettag $0x0;
	lr =	simm.s32 $0x1  }
0x2: {  	[smem:$0x3F98] =	sst lr;
	_ =	strace $0xD0000000  }
0x3: {  	_ = 	snop  }
0x4: {  	_ = 	snop  }
0x5: {  	_ = 	snop  }
0x6: {  	_ = 	snop  }
0x7: {  	_ = 	snop  }
__scs_overlays_trampoline_lowered:
0x8: {  	[smem:$0x3FA7] =	sst s0  }
0x9: {  	[smem:$0x3FA8] =	sst s1  }
0xa: {  	[smem:$0x3FA9] =	sst s2  }
0xb: {  	[smem:$0x3FAA] =	sst s3  }
0xc: {  	[smem:$0x3FAB] =	sst s4  }
0xd: {  	[smem:$0x3FAC] =	sst s5  }
0xe: {  	[smem:$0x3FAD] =	sst s6  }
0xf: {  	[smem:$0x3FAE] =	sst s7  }
0x10: {  	[smem:$0x3FAF] =	sst s8  }
0x11: {  	[smem:$0x3FB0] =	sst s9;
	s0 =	simm.s32 @!p0 $0x0  }
0x12: {  	s1 =	sld [smem:$0x3F96];
	s0 =	simm.s32 @p0 $0x1  }
0x13: {  	[smem:$0x3FB1] =	sst s0;
	s0 =	simm.s32 @!p1 $0x0  }
0x14: {  	s2 =	sld [smem:$0x3F95];
	s0 =	simm.s32 @p1 $0x1  }
0x15: {  	[smem:$0x3FB2] =	sst s0;
	s0 =	simm.s32 @!p2 $0x0  }
0x16: {  	s3 =	sld [smem:$0x3FDB];
	s0 =	simm.s32 @p2 $0x1  }
0x17: {  	s4 =	simm.s32 $0x1BF5;
	[smem:$0x3FB4] =	sst s0  }
0x18: {  	s0 =	sld [smem:$0x3F97];
	_ =	swait.ge [sflag:s4], $0x0  }
0x19: {  	s7 =	sld [smem:$0x3F98]  }
0x1a: {  	s8 =	sadd.s32 $0xFFFFE003, lr  }
0x1b: {  	s9 =	sadd.s32 $0xFFFFFEF7, lr;
	s5 =	simm.s32 $0xFFFFFFFF;
	p2 =	slt.u32 s8, $0xFFFFF086  }
0x1c: {  	p1 =	slt.u32 s9, $0xF7A;
	s5 =	simm.s32 @!p2 $0x0  }
0x1d: {  	s5 =	simm.s32 @p1 $0x1;
	p0 =	seq.s32 s7, s2  }
0x1e: {  	s7 =	smul.u32 @!p0 $0xF7A, s2;
	p2 =	seq.s32 @!p0 s5, $0x0  }
0x1f: {  	s9 =	smul.u32 $0xF7A, s1;
	s8 =	simm.s32 @!p0 $0x1BF5;
	p2 =	por !p2, p0  }
0x20: {  	[sflag:s8] =	ssyncset.s32 @!p0 $0xFFFFF086;
	s6 =	sadd.s32 @!p0 s3, s7;
	s7 =	simm.s32 @!p0 $0x108  }
0x21: {  	s3 =	sadd.s32 s3, s9;
	s6 =	sadd.s32 @!p0 $0x88, s6;
	s7 =	simm.s32 @p2 $0x1082  }
0x22: {  	[simem:s7], [sflag:s8] =	dma.local @!p0 [hbm:s6], $0xF7A  }
0x23: {  	s9 =	sor.u32 $0xD0000000, s2;
	s6 =	simm.s32 $0x108;
	_ =	swait.ge @!p0 [sflag:s8], $0x0  }
0x24: {  	s3 =	sadd.s32 $0x88, s3;
	s6 =	simm.s32 @!p1 $0x1082;
	[sflag:s4] =	ssyncset.s32 $0xFFFFF086  }
0x25: {  	[simem:s6], [sflag:s4] =	dma.local [hbm:s3], $0xF7A  }
0x26: {  	[smem:$0x3F98] =	sst s1;
	(tag) =	ssettag s2;
	_ =	strace s9  }
0x27: {  	s1 =	sld [smem:$0x3FA8]  }
0x28: {  	s2 =	sld [smem:$0x3FA9]  }
0x29: {  	s4 =	sld [smem:$0x3FAB]  }
0x2a: {  	p0 =	seq.s32 s5, $0x0;
	s5 =	sld [smem:$0x3FAC]  }
0x2b: {  	s6 =	sld [smem:$0x3FAD]  }
0x2c: {  	s7 =	sld [smem:$0x3FAE]  }
0x2d: {  	s3 =	simm.s32 $0x108;
	s8 =	sld [smem:$0x3FAF]  }
0x2e: {  	s3 =	simm.s32 @!p0 $0x1082;
	s9 =	sld [smem:$0x3FB0]  }
0x2f: {  	lr =	sadd.s32 s0, s3;
	s0 =	sld [smem:$0x3FA7]  }
0x30: {  	s3 =	sld [smem:$0x3FAA]  }
0x31: {  	[smem:$0x3FB3] =	sst s10  }
0x32: {  	s10 =	sld [smem:$0x3FB1];
	_ =	sdelay $0x3  }
0x33: {  	p0 =	seq.s32 s10, $0x1;
	s10 =	sld [smem:$0x3FB3];
	_ =	sdelay $0x3  }
0x34: {  	[smem:$0x3FB3] =	sst s10  }
0x35: {  	s10 =	sld [smem:$0x3FB2];
	_ =	sdelay $0x3  }
0x36: {  	p1 =	seq.s32 s10, $0x1;
	s10 =	sld [smem:$0x3FB3];
	_ =	sdelay $0x3  }
0x37: {  	[smem:$0x3FB3] =	sst s10  }
0x38: {  	s10 =	sld [smem:$0x3FB4]  }
0x39: {  	_ = 	snop;
	(pc) =	sbr.ind lr, $3  }
0x3a: {  	_ = 	snop  }
0x3b: {  	_ = 	snop  }
0x3c: {  	p2 =	seq.s32 s10, $0x1;
	s10 =	sld [smem:$0x3FB3]  }
0x3d: {  	_ =	shalt  }
0x3e: {  	_ =	shalt  }
0x3f: {  	_ =	shalt  }
0x40: {  	_ =	shalt  }
0x41: {  	_ =	shalt  }
0x42: {  	_ =	shalt  }
0x43: {  	_ =	shalt  }
0x44: {  	_ =	shalt  }
0x45: {  	_ =	shalt  }
0x46: {  	_ =	shalt  }
0x47: {  	_ =	shalt  }
0x48: {  	_ =	shalt  }
0x49: {  	_ =	shalt  }
0x4a: {  	_ =	shalt  }
0x4b: {  	_ =	shalt  }
0x4c: {  	_ =	shalt  }
0x4d: {  	_ =	shalt  }
0x4e: {  	_ =	shalt  }
0x4f: {  	_ =	shalt  }
0x50: {  	_ =	shalt  }
0x51: {  	_ =	shalt  }
0x52: {  	_ =	shalt  }
0x53: {  	_ =	shalt  }
0x54: {  	_ =	shalt  }
0x55: {  	_ =	shalt  }
0x56: {  	_ =	shalt  }
0x57: {  	_ =	shalt  }
0x58: {  	_ =	shalt  }
0x59: {  	_ =	shalt  }
0x5a: {  	_ =	shalt  }
0x5b: {  	_ =	shalt  }
0x5c: {  	_ =	shalt  }
0x5d: {  	_ =	shalt  }
0x5e: {  	_ =	shalt  }
0x5f: {  	_ =	shalt  }
0x60: {  	_ =	shalt  }
0x61: {  	_ =	shalt  }
0x62: {  	_ =	shalt  }
0x63: {  	_ =	shalt  }
0x64: {  	_ =	shalt  }
0x65: {  	_ =	shalt  }
0x66: {  	_ =	shalt  }
0x67: {  	_ =	shalt  }
0x68: {  	_ =	shalt  }
0x69: {  	_ =	shalt  }
0x6a: {  	_ =	shalt  }
0x6b: {  	_ =	shalt  }
0x6c: {  	_ =	shalt  }
0x6d: {  	_ =	shalt  }
0x6e: {  	_ =	shalt  }
0x6f: {  	_ =	shalt  }
0x70: {  	_ =	shalt  }
0x71: {  	_ =	shalt  }
0x72: {  	_ =	shalt  }
0x73: {  	_ =	shalt  }
0x74: {  	_ =	shalt  }
0x75: {  	_ =	shalt  }
0x76: {  	_ =	shalt  }
0x77: {  	_ =	shalt  }
0x78: {  	_ =	shalt  }
0x79: {  	_ =	shalt  }
0x7a: {  	_ =	shalt  }
0x7b: {  	_ =	shalt  }
0x7c: {  	_ =	shalt  }
0x7d: {  	_ =	shalt  }
0x7e: {  	_ =	shalt  }
0x7f: {  	_ =	shalt  }
0x80: {  	_ =	shalt  }
0x81: {  	_ =	shalt  }
0x82: {  	_ =	shalt  }
0x83: {  	_ =	shalt  }
0x84: {  	_ =	shalt  }
0x85: {  	_ =	shalt  }
0x86: {  	_ =	shalt  }
0x87: {  	_ =	shalt  }
.Lfunc_end0:
.L_simem_size_0:
called_computation_lowered:
.L_overlay_start_0:
0x88: {  	s2 =	sld [smem:$0x3FD9]  }
0x89: {  	s3 =	sld [smem:$0x3FFE];
	_ =	sdelay $0x1  }
0x8a: {  	s1 =	srdreg.scid  }
0x8b: {  	s0 =	sand.u32 $0x1, s1  }
0x8c: {  	s17 =	sshll.u32 s0, $0xA;
	s2 =	sadd.s32 s3, s2  }
0x8d: {  	s2 =	sadd.s32 s2, s17  }
0x8e: {  	[smem:$0x3FBF] =	sst s2  }
0x8f: {  	_ = 	snop  }
0x90: {  	s2 =	sld [smem:$0x3FC8]  }
0x91: {  	s18 =	sld [smem:$0x3FD0];
	(tm) =	ssettm $0x1  }
0x92: {  	s4 =	sld [smem:$0x3FFB];
	_ =	sdelay $0x3  }
0x93: {  	_ =	strace s4  }
0x94: {  	s4 =	sld [smem:$0x3FFC];
	_ =	sdelay $0x3  }
0x95: {  	_ =	strace s4  }
0x96: {  	s4 =	sld [smem:$0x3FFD];
	_ =	sdelay $0x3  }
0x97: {  	_ =	strace s4  }
0x98: {  	_ =	strace $0x8FFFFFFF  }
0x99: {  	s19 =	sld [smem:$0x3FDB];
	_ =	sdelay $0x1  }
0x9a: {  	s5 =	simm.s32 $_scs_section_size  }
0x9b: {  	s6 =	simm.s32 $_size__tile_overlayer_lowered;
	s7 =	simm.s32 $_tile_overlayer_lowered  }
0x9c: {  	s22 =	simm.s32 $0x1BFF;
	s21 =	sshll.u32 s7, $0x1;
	s4 =	sadd.s32 s5, s19  }
0x9d: {  	s8 =	simm.s32 $0x0;
	s20 =	sshll.u32 s6, $0x1;
	s6 =	sadd.s32 s21, s4  }
0x9e: {  	[timem:s8], [sflag:s22] =	dma.local [hbm:s6], s20  }
0x9f: {  	_ =	swait.ge [sflag:s22], s20  }
0xa0: {  	s5 =	ssub.s32 $0x0, s20;
	[sflag:s22] =	ssyncset.done $0x0  }
0xa1: {  	[sflag:s22] =	ssyncadd.s32 s5;
	_ =	sdelay $0x1  }
0xa2: {  	s23 =	simm.s32 $0x1B8B  }
0xa3: {  	_ =	swait.ge [sflag:s23], $0x1  }
0xa4: {  	[sflag:s23] =	ssyncset.done $0x0  }
0xa5: {  	s25 =	simm.s32 $0x1B8E;
	s24 =	sld [smem:$0x3FFE];
	[sflag:s23] =	ssyncadd.s32 $0xFFFFFFFF  }
0xa6: {  	s26 =	simm.s32 $execute0_lowered;
	[smem:$0x3FD2] =	sst s25  }
0xa7: {  	s6 =	sshll.u32 s26, $0x1;
	_ =	strace $0x80000046;
	[dreg:$0x1] =	wrdreg $0xFFFFFFFF  }
0xa8: {  	s28 =	simm.s32 $_size_execute0_lowered;
	s4 =	sadd.s32 s4, s6;
	[dreg:$0x0] =	wrdreg $0x0  }
0xa9: {  	s6 =	sshll.u32 s28, $0x1;
	[dreg:$0x2] =	wrdreg s4  }
0xaa: {  	[dreg:$0x3] =	wrdreg s6  }
0xab: {  	[dreg:$0x4] =	wrdreg $0xC0  }
0xac: {  	_ =	task [dreg:s8], $0x5FFFF  }
0xad: {  	[dreg:$0x1] =	wrdreg $0xFFFFFFFF  }
0xae: {  	[dreg:$0x0] =	wrdreg $0x60  }
0xaf: {  	[dreg:$0x2] =	wrdreg s18  }
0xb0: {  	[dreg:$0x3] =	wrdreg s24  }
0xb1: {  	[dreg:$0x4] =	wrdreg s2  }
0xb2: {  	[dreg:$0x5] =	wrdreg $0x85000  }
0xb3: {  	[dreg:$0x6] =	wrdreg $0x1C5000  }
0xb4: {  	[dreg:$0x7] =	wrdreg $0x9  }
0xb5: {  	_ =	task.clear_ibuf [dreg:s8], $0x8FFFF;
	_ =	strace $0x90000046  }
0xb6: {  	s29 =	simm.s32 $0x9;
	_ =	strace $0x80000048  }
0xb7: {  	_ =	swait.ge [sflag:s29], $0x1  }
0xb8: {  	[sflag:s29] =	ssyncadd.s32 $0xFFFFFFFF  }
0xb9: {  	_ =	strace $0x90000048  }
0xba: {  	_ =	sfence  }
0xbb: {  	s30 =	sld [smem:$0x0];
	_ =	sdelay $0x2  }
0xbc: {  	s31 =	sshll.u32 s1, $0xD;
	s1 =	sshrl.u32 s1, $0x2  }
0xbd: {  	s3 =	sand.u32 $0x4000, s31;
	s1 =	sadd.s32 s1, s30  }
0xbe: {  	s0 =	sor.u32 s3, s0;
	s1 =	sshll.u32 s1, $0x11  }
0xbf: {  	s0 =	sor.u32 s1, s0  }
0xc0: {  	s0 =	sadd.s32 $0x8F2B, s0  }
0xc1: {  	[sflag:s0] =	ssyncadd.remote.s32 $0x1  }
0xc2: {  	_ =	sfence.sel $0xFFFF  }
0xc3: {  	[dreg:$0x0] =	wrdreg $0xFFFFFFFF;
	(pc) =	sbr.abs _section_cstart, $3  }
0xc4: {  	[dreg:$0x1] =	wrdreg $0xFFFFFFFF  }
0xc5: {  	_ =	task.clear_ibuf [dreg:s8], $0x2FFFF;
	_ =	strace $0x9FFFFFFF  }
0xc6: {  	(tm) =	ssettm $0x7FFFFFFF  }
0xc7: {  	_ =	shalt  }
tec
execute0_lowered:
.L_overlay_start_1:
0x0: {  	(tag) =	ssettag $0x1  }
0x1: {  	s0 =	rddreg [dreg:$0x0]  }
0x2: {  	s1 =	rddreg [dreg:$0x1]  }
0x3: {  	s2 =	rddreg [dreg:$0x2]  }
0x4: {  	s3 =	rddreg [dreg:$0x3]  }
0x5: {  	s4 =	rddreg [dreg:$0x4];
	s17 =	stileid.u32  }
0x6: {  	s6 =	srdreg.scid;
	s5 =	simm.s32 $0x0;
	s7 =	smul.u32 $0x18, s17  }
0x7: {  	s29 =	simm.s32 $0x300;
	s30 =	simm.s32 $0x5;
	s8 =	smul.u32 $0x88, s17  }
0x8: {  	s31 =	simm.s32 $0x100;
	s6 =	sand.u32 $0x1, s6;
	s9 =	smul.u32 $0xA00, s17  }
0x9: {  	[smem:$0x7FF] =	sst s5;
	s10 =	sadd.s32 $0x15E00, s1;
	s11 =	smul.u32 $0x50000, s17  }
0xa: {  	s16 =	sadd.s32 $0x15C00, s1;
	s13 =	sadd.s32 $0x17A00, s1;
	s20 =	smul.u32 $0x14000, s17  }
0xb: {  	s17 =	smul.u32 $0x1400, s17;
	_ =	strace $0x80000047;
	[dreg:$0x9] =	wrdreg s10  }
0xc: {  	p0 =	seq.s32 s6, $0x0;
	s15 =	sshll.u32 s6, $0x7;
	[dreg:$0xa] =	wrdreg s16  }
0xd: {  	s18 =	ssub.s32 $0x2, s6;
	s10 =	simm.s32 $0x880;
	s6 =	smul.u32 $0x140000, s6  }
0xe: {  	s7 =	sadd.s32 $0x880, s7;
	s12 =	sshrl.u32 s18, $0x1;
	s10 =	simm.s32 @!p0 $0x180  }
0xf: {  	s19 =	sshrl.u32 s11, $0x2;
	s16 =	sadd.s32 $0x8000, s20;
	s17 =	sshrl.u32 s17, $0x2  }
0x10: {  	s7 =	smov.u32 @p0 s8;
	s8 =	sor.u32 s15, s9;
	[dreg:$0x6] =	wrdreg s10  }
0x11: {  	s23 =	sadd.s32 s19, s3;
	s15 =	sadd.s32 $0x4000, s20;
	s19 =	sadd.s32 $0x10000, s20  }
0x12: {  	s17 =	sadd.s32 s17, s4;
	s21 =	sadd.s32 s20, s6;
	s7 =	sshll.u32 s7, $0x4  }
0x13: {  	s8 =	sshrl.u32 s8, $0x3;
	s10 =	sadd.s32 s15, s3;
	s14 =	sadd.s32 s19, s3  }
0x14: {  	[dreg:$0xf] =	wrdreg s17;
	s24 =	sadd.s32 s6, s15;
	s15 =	simm.s32 $0x8400  }
0x15: {  	[dreg:$0x1c] =	wrdreg s23;
	s9 =	sadd.s32 s7, s1;
	s1 =	sadd.s32 s8, s1  }
0x16: {  	s8 =	ssub.s32 s18, s12;
	s12 =	sadd.s32 s16, s3;
	s18 =	sadd.s32 $0xC000, s20  }
0x17: {  	s17 =	sadd.s32 s0, s7;
	s0 =	sshrl.u32 s21, $0x3;
	[dreg:$0xb] =	wrdreg s10  }
0x18: {  	s16 =	sadd.s32 s6, s16;
	s7 =	sshrl.u32 s24, $0x3;
	[dreg:$0xe] =	wrdreg s14  }
0x19: {  	s11 =	sadd.s32 s18, s3;
	s22 =	sadd.s32 $0xBA00, s9;
	[dreg:$0x10] =	wrdreg s17  }
0x1a: {  	s25 =	sadd.s32 s6, s18;
	s6 =	sadd.s32 s6, s19;
	[dreg:$0xc] =	wrdreg s12  }
0x1b: {  	s26 =	sadd.s32 $0x1800, s9;
	s0 =	sadd.s32 s13, s0;
	[dreg:$0x11] =	wrdreg s22  }
0x1c: {  	s18 =	sshrl.u32 s16, $0x3;
	s24 =	sadd.s32 $0x1820, s9;
	[dreg:$0x12] =	wrdreg s26  }
0x1d: {  	s28 =	sadd.s32 $0x10, s17;
	s16 =	simm.s32 $0x8300;
	[dreg:$0x13] =	wrdreg s0  }
0x1e: {  	s0 =	sadd.s32 s13, s7;
	s19 =	sshrl.u32 s25, $0x3;
	[dreg:$0x7] =	wrdreg s24  }
0x1f: {  	s21 =	sshrl.u32 s6, $0x3;
	s22 =	sadd.s32 $0x16600, s1;
	[dreg:$0xd] =	wrdreg s11  }
0x20: {  	s25 =	smax.u32 s8, $0x1;
	s26 =	sadd.s32 $0xBA20, s9;
	[dreg:$0x14] =	wrdreg s0  }
0x21: {  	s24 =	sadd.s32 $0xBA10, s9;
	s1 =	simm.s32 $0x3;
	[dreg:$0x18] =	wrdreg s22  }
0x22: {  	s6 =	simm.s32 $0x80;
	s7 =	simm.s32 $0x180;
	[dreg:$0x19] =	wrdreg s25  }
0x23: {  	s0 =	sadd.s32 s13, s18;
	s20 =	sadd.s32 s13, s19;
	[dreg:$0x8] =	wrdreg s26  }
0x24: {  	s25 =	sadd.s32 $0x1810, s9;
	s26 =	sadd.s32 $0x20, s17;
	s17 =	simm.s32 $0x8480  }
0x25: {  	s18 =	simm.s32 $0x8380;
	s19 =	simm.s32 $0x1;
	[dreg:$0x15] =	wrdreg s0  }
0x26: {  	s22 =	simm.s32 $0x2;
	s9 =	simm.s32 $0x0;
	[dreg:$0x16] =	wrdreg s20  }
0x27: {  	s0 =	sadd.s32 s13, s21;
	s13 =	simm.s32 $0x280;
	s20 =	simm.s32 $0x4  }
0x28: {  	s21 =	simm.s32 $0x4300;
	[dreg:$0x17] =	wrdreg s0;
	s0 =	simm.s32 $0x200  }
.LBB2_1:
0x29: {  	[dreg:$0x1a] =	wrdreg s9  }
0x2a: {  	s8 =	rddreg [dreg:$0x9]  }
0x2b: {  	[tilespmem:s29], [sflag:$0x5] =	stream.linear.gather [hbm4b:s8+s5], $0x4000, $0x38;
	[tilespmem:$0x1CA00] =	vst v63  }
0x2c: {  	_ =	swait.ge [sflag:s30], $0x4000  }
0x2d: {  	[sflag:s30] =	ssyncset.done $0x0  }
0x2e: {  	[sflag:s30] =	ssyncadd.s32 $0xFFFFC000  }
0x2f: {  	[spmem:s23] =	stream.linear.scatter [tilespmem:s29], [sflag:$0x5], $0x4000, $0x38;
	[tilespmem:$0x1CA00] =	vst v63  }
0x30: {  	_ =	swait.ge [sflag:s30], $0x4000  }
0x31: {  	[sflag:s30] =	ssyncset.done $0x0  }
0x32: {  	[sflag:s30] =	ssyncadd.s32 $0xFFFFC000  }
0x33: {  	[spmem:s10] =	stream.linear.scatter [tilespmem:s29], [sflag:$0x5], $0x4000, $0x38;
	[tilespmem:$0x1CA00] =	vst v63  }
0x34: {  	_ =	swait.ge [sflag:s30], $0x4000  }
0x35: {  	[sflag:s30] =	ssyncset.done $0x0  }
0x36: {  	s9 =	smov.u32 s12;
	[sflag:s30] =	ssyncadd.s32 $0xFFFFC000  }
0x37: {  	[spmem:s9] =	stream.linear.scatter [tilespmem:s29], [sflag:$0x5], $0x4000, $0x38;
	[tilespmem:$0x1CA00] =	vst v63  }
0x38: {  	_ =	swait.ge [sflag:s30], $0x4000  }
0x39: {  	[sflag:s30] =	ssyncset.done $0x0  }
0x3a: {  	[sflag:s30] =	ssyncadd.s32 $0xFFFFC000  }
0x3b: {  	[spmem:s11] =	stream.linear.scatter [tilespmem:s29], [sflag:$0x5], $0x4000, $0x38;
	[tilespmem:$0x1CA00] =	vst v63  }
0x3c: {  	_ =	swait.ge [sflag:s30], $0x4000  }
0x3d: {  	[sflag:s30] =	ssyncset.done $0x0  }
0x3e: {  	[sflag:s30] =	ssyncadd.s32 $0xFFFFC000  }
0x3f: {  	[spmem:s14] =	stream.linear.scatter [tilespmem:s29], [sflag:$0x5], $0x4000, $0x38;
	[tilespmem:$0x1CA00] =	vst v63  }
0x40: {  	s10 =	stileid.u32;
	_ =	swait.ge [sflag:s30], $0x4000  }
0x41: {  	s12 =	smov.u32 s23;
	s8 =	sshll.u32 s10, $0x6;
	s11 =	rddreg [dreg:$0xf]  }
0x42: {  	[sflag:s30] =	ssyncset.done $0x0;
	s23 =	rddreg [dreg:$0xa];
	s14 =	sshrl.u32 s11, $0x3  }
0x43: {  	s8 =	sor.u32 $0x1C05, s8;
	[sflag:s30] =	ssyncadd.s32 $0xFFFFC000;
	[dreg:$0x1b] =	wrdreg s14  }
0x44: {  	[spmem:s14], [sflag:s8] =	dma.local [hbm:s23], $0xA0  }
0x45: {  	_ =	swait.ge [sflag:s30], $0xA0  }
0x46: {  	[sflag:s30] =	ssyncset.done $0x0  }
0x47: {  	[sflag:s30] =	ssyncadd.s32 $0xFFFFFF60  }
0x48: {  	[bflag:$0x0] =	sbarrier.arrive $0xFFFF  }
0x49: {  	s11 =	rddreg [dreg:$0x10]  }
0x4a: {  	[tilespmem:s5], [sflag:$0x3] =	stream.linear.gather [hbm4b:s11+s5], $0x80, $0x38;
	[tilespmem:$0x1CA00] =	vst v63  }
0x4b: {  	s14 =	rddreg [dreg:$0x11]  }
0x4c: {  	[tilespmem:s31], [sflag:$0x3] =	stream.linear.gather [hbm4b:s14+s5], $0x80, $0x38;
	[tilespmem:$0x1CA00] =	vst v63  }
0x4d: {  	s9 =	simm.s32 $0x0;
	s23 =	rddreg [dreg:$0x12]  }
0x4e: {  	[tilespmem:s0], [sflag:$0x3] =	stream.linear.gather [hbm4b:s23+s5], $0x80, $0x38;
	[tilespmem:$0x1CA00] =	vst v63  }
.LBB2_2:
0x4f: {  	_ =	swait.ge [sflag:s1], $0x80  }
0x50: {  	[sflag:s1] =	ssyncset.done $0x0  }
0x51: {  	[sflag:s1] =	ssyncadd.s32 $0xFFFFFF80  }
0x52: {  	_ =	swait.ge [sflag:s1], $0x80  }
0x53: {  	[sflag:s1] =	ssyncset.done $0x0  }
0x54: {  	[sflag:s1] =	ssyncadd.s32 $0xFFFFFF80  }
0x55: {  	_ =	swait.ge [sflag:s1], $0x80  }
0x56: {  	[sflag:s1] =	ssyncset.done $0x0  }
0x57: {  	[sflag:s1] =	ssyncadd.s32 $0xFFFFFF80  }
0x58: {  	[tilespmem:s29], [sflag:$0x1] =	stream.indirect.gather [hbm4b:s2+s6], $0x80, s5, s6, $0xb8;
	[tilespmem:$0x1CA00] =	vst v63  }
0x59: {  	s10 =	sadd.s32 s9, s28  }
0x5a: {  	[tilespmem:s6], [sflag:$0x4] =	stream.linear.gather [hbm4b:s10+s5], $0x80, $0x38;
	[tilespmem:$0x1CA00] =	vst v63  }
0x5b: {  	s11 =	sadd.s32 s9, s24  }
0x5c: {  	[tilespmem:s7], [sflag:$0x4] =	stream.linear.gather [hbm4b:s11+s5], $0x80, $0x38;
	[tilespmem:$0x1CA00] =	vst v63  }
0x5d: {  	s14 =	sadd.s32 s9, s25  }
0x5e: {  	[tilespmem:s13], [sflag:$0x4] =	stream.linear.gather [hbm4b:s14+s5], $0x80, $0x38;
	[tilespmem:$0x1CA00] =	vst v63  }
0x5f: {  	v0 =	vld [tilespmem:$0x200]  }
0x60: {  	v1 =	vld [tilespmem:$0x100]  }
0x61: {  	v2 =	vld [tilespmem:$0x210]  }
0x62: {  	v46 =	vld [tilespmem:$0x220]  }
0x63: {  	v51 =	vld [tilespmem:$0x230];
	_ =	sdelay $0x1  }
0x64: {  	v3 =	vsub.f32 $0.0e+00, v0;
	v0 =	vmax.f32 v0, $0.0e+00  }
0x65: {  	v47 =	vsub.f32 $0.0e+00, v2;
	v2 =	vmax.f32 v2, $0.0e+00;
	[tilespmem:$0x8300] =	vst v0  }
0x66: {  	[tilespmem:$0x8310] =	vst v2;
	v0 =	vmax.f32 v46, $0.0e+00  }
0x67: {  	v56 =	vld [tilespmem:$0x240];
	v5 =	vshll.u32 v1, $0x1;
	v2 =	vmax.f32 v51, $0.0e+00;
	[tilespmem:$0x8320] =	vst v0  }
0x68: {  	v1 =	vand.u32 $0x3FF, v1;
	v5 =	vand.u32 $0xFFFFF800, v5;
	v45 =	vmax.f32 v3, $0.0e+00;
	[tilespmem:$0x8330] =	vst v2  }
0x69: {  	v52 =	vsub.f32 $0.0e+00, v46;
	v1 =	vor.u32 v1, v5;
	[tilespmem:$0x8380] =	vst v45  }
0x6a: {  	v61 =	vld [tilespmem:$0x250];
	v57 =	vsub.f32 $0.0e+00, v51;
	v50 =	vmax.f32 v47, $0.0e+00;
	[tilespmem:$0x8400] =	vst v1  }
0x6b: {  	v4 =	vld [tilespmem:$0x110];
	v55 =	vmax.f32 v52, $0.0e+00;
	[tilespmem:$0x8390] =	vst v50  }
0x6c: {  	v62 =	vsub.f32 $0.0e+00, v56;
	v60 =	vmax.f32 v57, $0.0e+00;
	[tilespmem:$0x83A0] =	vst v55  }
0x6d: {  	v9 =	vld [tilespmem:$0x260];
	v0 =	vmax.f32 v56, $0.0e+00;
	[tilespmem:$0x83B0] =	vst v60  }
0x6e: {  	v48 =	vld [tilespmem:$0x120];
	v8 =	vmax.f32 v62, $0.0e+00;
	[tilespmem:$0x8340] =	vst v0  }
0x6f: {  	v10 =	vsub.f32 $0.0e+00, v61;
	v2 =	vmax.f32 v61, $0.0e+00;
	[tilespmem:$0x83C0] =	vst v8  }
0x70: {  	v49 =	vshll.u32 v4, $0x1;
	v1 =	vor.u32 $0x400, v1;
	[tilespmem:$0x8350] =	vst v2  }
0x71: {  	v53 =	vld [tilespmem:$0x130];
	v4 =	vand.u32 $0x3FF, v4;
	v13 =	vmax.f32 v10, $0.0e+00;
	[tilespmem:$0x8480] =	vst v1;
	v1 =	vand.u32 $0xFFFFF800, v49  }
0x72: {  	v15 =	vsub.f32 $0.0e+00, v9;
	[tilespmem:$0x83D0] =	vst v13;
	v1 =	vor.u32 v4, v1  }
0x73: {  	v58 =	vld [tilespmem:$0x140];
	v54 =	vshll.u32 v48, $0x1;
	[tilespmem:$0x8410] =	vst v1;
	v1 =	vor.u32 $0x400, v1  }
0x74: {  	v63 =	vld [tilespmem:$0x150];
	v5 =	vand.u32 $0x3FF, v48;
	v18 =	vmax.f32 v15, $0.0e+00;
	[tilespmem:$0x8490] =	vst v1;
	v1 =	vand.u32 $0xFFFFF800, v54  }
0x75: {  	v14 =	vld [tilespmem:$0x270];
	[tilespmem:$0x83E0] =	vst v18;
	v1 =	vor.u32 v5, v1  }
0x76: {  	v16 =	vld [tilespmem:$0x170];
	v59 =	vshll.u32 v53, $0x1;
	[tilespmem:$0x8420] =	vst v1;
	v1 =	vor.u32 $0x400, v1  }
0x77: {  	v0 =	vmax.f32 v9, $0.0e+00;
	v4 =	vand.u32 $0x3FF, v53;
	[tilespmem:$0x84A0] =	vst v1;
	v1 =	vand.u32 $0xFFFFF800, v59  }
0x78: {  	[tilespmem:$0x8360] =	vst v0;
	v1 =	vor.u32 v4, v1  }
0x79: {  	v7 =	vshll.u32 v58, $0x1;
	[tilespmem:$0x8430] =	vst v1;
	v1 =	vor.u32 $0x400, v1  }
0x7a: {  	v11 =	vld [tilespmem:$0x160];
	v2 =	vmax.f32 v14, $0.0e+00;
	v5 =	vand.u32 $0x3FF, v58;
	[tilespmem:$0x84B0] =	vst v1;
	v1 =	vand.u32 $0xFFFFF800, v7  }
0x7b: {  	v12 =	vshll.u32 v63, $0x1;
	v21 =	vshll.u32 v16, $0x1;
	[tilespmem:$0x8370] =	vst v2;
	v1 =	vor.u32 v5, v1  }
0x7c: {  	v22 =	vand.u32 $0x3FF, v16;
	v0 =	vand.u32 $0xFFFFF800, v21;
	[tilespmem:$0x8440] =	vst v1;
	v1 =	vor.u32 $0x400, v1  }
0x7d: {  	v0 =	vor.u32 v22, v0;
	v4 =	vand.u32 $0x3FF, v63;
	[tilespmem:$0x84C0] =	vst v1;
	v1 =	vand.u32 $0xFFFFF800, v12  }
0x7e: {  	[tilespmem:$0x8470] =	vst v0;
	v1 =	vor.u32 v4, v1  }
0x7f: {  	v17 =	vshll.u32 v11, $0x1;
	[tilespmem:$0x8450] =	vst v1;
	v1 =	vor.u32 $0x400, v1  }
0x80: {  	v0 =	vor.u32 $0x400, v0;
	v5 =	vand.u32 $0x3FF, v11;
	[tilespmem:$0x84D0] =	vst v1;
	v1 =	vand.u32 $0xFFFFF800, v17  }
0x81: {  	v20 =	vsub.f32 $0.0e+00, v14;
	[tilespmem:$0x84F0] =	vst v0;
	v1 =	vor.u32 v5, v1  }
0x82: {  	[tilespmem:$0x8460] =	vst v1;
	v19 =	vor.u32 $0x400, v1  }
0x83: {  	v1 =	vmax.f32 v20, $0.0e+00;
	[tilespmem:$0x84E0] =	vst v19  }
0x84: {  	[tilespmem:$0x83F0] =	vst v1  }
0x85: {  	[spmem:s4] =	stream.indirect.scatter.add.f32 [tilespmem:s16], [sflag:$0x5], $0x1, s15, s6, $0xb8;
	[tilespmem:$0x1CA00] =	vst v63  }
0x86: {  	_ =	swait.ge [sflag:s30], $0x80  }
0x87: {  	[sflag:s30] =	ssyncset.done $0x0  }
0x88: {  	[sflag:s30] =	ssyncadd.s32 $0xFFFFFF80  }
0x89: {  	[spmem:s4] =	stream.indirect.scatter.add.f32 [tilespmem:s18], [sflag:$0x5], $0x1, s17, s6, $0xb8;
	[tilespmem:$0x1CA00] =	vst v63  }
0x8a: {  	_ =	swait.ge [sflag:s30], $0x80  }
0x8b: {  	[sflag:s30] =	ssyncset.done $0x0  }
0x8c: {  	[sflag:s30] =	ssyncadd.s32 $0xFFFFFF80  }
0x8d: {  	_ =	swait.ge [sflag:s19], $0x4000  }
0x8e: {  	[sflag:s19] =	ssyncset.done $0x0  }
0x8f: {  	[sflag:s19] =	ssyncadd.s32 $0xFFFFC000  }
0x90: {  	[spmem:s3] =	stream.indirect.scatter.add.f32 [tilespmem:s29], [sflag:$0x5], $0x80, s31, s6, $0xb8;
	[tilespmem:$0x1CA00] =	vst v63  }
0x91: {  	_ =	swait.ge [sflag:s30], $0x4000  }
0x92: {  	[sflag:s30] =	ssyncset.done $0x0  }
0x93: {  	[sflag:s30] =	ssyncadd.s32 $0xFFFFC000  }
0x94: {  	_ =	swait.ge [sflag:s20], $0x80  }
0x95: {  	[sflag:s20] =	ssyncset.done $0x0  }
0x96: {  	[sflag:s20] =	ssyncadd.s32 $0xFFFFFF80  }
0x97: {  	_ =	swait.ge [sflag:s20], $0x80  }
0x98: {  	[sflag:s20] =	ssyncset.done $0x0  }
0x99: {  	[sflag:s20] =	ssyncadd.s32 $0xFFFFFF80  }
0x9a: {  	_ =	swait.ge [sflag:s20], $0x80  }
0x9b: {  	[sflag:s20] =	ssyncset.done $0x0  }
0x9c: {  	[sflag:s20] =	ssyncadd.s32 $0xFFFFFF80  }
0x9d: {  	[tilespmem:s21], [sflag:$0x2] =	stream.indirect.gather [hbm4b:s2+s6], $0x80, s6, s6, $0xb8;
	[tilespmem:$0x1CA00] =	vst v63  }
0x9e: {  	s23 =	sadd.s32 s9, s26;
	s11 =	rddreg [dreg:$0x8]  }
0x9f: {  	[tilespmem:s5], [sflag:$0x3] =	stream.linear.gather [hbm4b:s23+s5], $0x80, $0x38;
	[tilespmem:$0x1CA00] =	vst v63  }
0xa0: {  	s14 =	rddreg [dreg:$0x7];
	s11 =	sadd.s32 s9, s11  }
0xa1: {  	[tilespmem:s31], [sflag:$0x3] =	stream.linear.gather [hbm4b:s11+s5], $0x80, $0x38;
	[tilespmem:$0x1CA00] =	vst v63  }
0xa2: {  	s10 =	sadd.s32 s9, s14  }
0xa3: {  	[tilespmem:s0], [sflag:$0x3] =	stream.linear.gather [hbm4b:s10+s5], $0x80, $0x38;
	[tilespmem:$0x1CA00] =	vst v63  }
0xa4: {  	v23 =	vld [tilespmem:$0x280]  }
0xa5: {  	v24 =	vld [tilespmem:$0x180]  }
0xa6: {  	v25 =	vld [tilespmem:$0x290]  }
0xa7: {  	v30 =	vld [tilespmem:$0x2A0]  }
0xa8: {  	v35 =	vld [tilespmem:$0x2B0];
	_ =	sdelay $0x1  }
0xa9: {  	v0 =	vmax.f32 v23, $0.0e+00  }
0xaa: {  	v2 =	vmax.f32 v25, $0.0e+00;
	[tilespmem:$0x8300] =	vst v0  }
0xab: {  	v26 =	vsub.f32 $0.0e+00, v23;
	[tilespmem:$0x8310] =	vst v2;
	v0 =	vmax.f32 v30, $0.0e+00  }
0xac: {  	v40 =	vld [tilespmem:$0x2C0];
	v28 =	vshll.u32 v24, $0x1;
	v1 =	vand.u32 $0x3FF, v24;
	v2 =	vmax.f32 v35, $0.0e+00;
	[tilespmem:$0x8320] =	vst v0  }
0xad: {  	v31 =	vsub.f32 $0.0e+00, v25;
	v5 =	vand.u32 $0xFFFFF800, v28;
	v29 =	vmax.f32 v26, $0.0e+00;
	[tilespmem:$0x8330] =	vst v2  }
0xae: {  	v45 =	vld [tilespmem:$0x2D0];
	v36 =	vsub.f32 $0.0e+00, v30;
	v1 =	vor.u32 v1, v5;
	[tilespmem:$0x8380] =	vst v29  }
0xaf: {  	v50 =	vld [tilespmem:$0x2E0];
	v41 =	vsub.f32 $0.0e+00, v35;
	v34 =	vmax.f32 v31, $0.0e+00;
	[tilespmem:$0x8400] =	vst v1  }
0xb0: {  	v39 =	vmax.f32 v36, $0.0e+00;
	[tilespmem:$0x8390] =	vst v34  }
0xb1: {  	v46 =	vsub.f32 $0.0e+00, v40;
	v44 =	vmax.f32 v41, $0.0e+00;
	[tilespmem:$0x83A0] =	vst v39  }
0xb2: {  	v27 =	vld [tilespmem:$0x190];
	v0 =	vmax.f32 v40, $0.0e+00;
	[tilespmem:$0x83B0] =	vst v44  }
0xb3: {  	v32 =	vld [tilespmem:$0x1A0];
	v51 =	vsub.f32 $0.0e+00, v45;
	v49 =	vmax.f32 v46, $0.0e+00;
	[tilespmem:$0x8340] =	vst v0  }
0xb4: {  	v55 =	vld [tilespmem:$0x2F0];
	v56 =	vsub.f32 $0.0e+00, v50;
	v2 =	vmax.f32 v45, $0.0e+00;
	[tilespmem:$0x83C0] =	vst v49  }
0xb5: {  	v52 =	vld [tilespmem:$0x1E0];
	v54 =	vmax.f32 v51, $0.0e+00;
	[tilespmem:$0x8350] =	vst v2  }
0xb6: {  	v3 =	vmax.f32 v56, $0.0e+00;
	[tilespmem:$0x83D0] =	vst v54  }
0xb7: {  	v1 =	vor.u32 $0x400, v1;
	[tilespmem:$0x83E0] =	vst v3  }
0xb8: {  	v33 =	vshll.u32 v27, $0x1;
	v0 =	vmax.f32 v50, $0.0e+00;
	[tilespmem:$0x8480] =	vst v1  }
0xb9: {  	v37 =	vld [tilespmem:$0x1B0];
	v4 =	vand.u32 $0x3FF, v27;
	v2 =	vmax.f32 v55, $0.0e+00;
	v1 =	vand.u32 $0xFFFFF800, v33;
	[tilespmem:$0x8360] =	vst v0  }
0xba: {  	v42 =	vld [tilespmem:$0x1C0];
	v38 =	vshll.u32 v32, $0x1;
	v58 =	vshll.u32 v52, $0x1;
	[tilespmem:$0x8370] =	vst v2;
	v1 =	vor.u32 v4, v1  }
0xbb: {  	v57 =	vld [tilespmem:$0x1F0];
	v60 =	vand.u32 $0x3FF, v52;
	v59 =	vand.u32 $0xFFFFF800, v58;
	[tilespmem:$0x8410] =	vst v1;
	v1 =	vor.u32 $0x400, v1  }
0xbc: {  	v5 =	vand.u32 $0x3FF, v32;
	v0 =	vor.u32 v60, v59;
	[tilespmem:$0x8490] =	vst v1;
	v1 =	vand.u32 $0xFFFFF800, v38  }
0xbd: {  	[tilespmem:$0x8460] =	vst v0;
	v1 =	vor.u32 v5, v1  }
0xbe: {  	v43 =	vshll.u32 v37, $0x1;
	[tilespmem:$0x8420] =	vst v1;
	v1 =	vor.u32 $0x400, v1  }
0xbf: {  	v47 =	vld [tilespmem:$0x1D0];
	v4 =	vand.u32 $0x3FF, v37;
	v0 =	vor.u32 $0x400, v0;
	[tilespmem:$0x84A0] =	vst v1;
	v1 =	vand.u32 $0xFFFFF800, v43  }
0xc0: {  	v48 =	vshll.u32 v42, $0x1;
	v62 =	vshll.u32 v57, $0x1;
	[tilespmem:$0x84E0] =	vst v0;
	v1 =	vor.u32 v4, v1  }
0xc1: {  	v63 =	vand.u32 $0x3FF, v57;
	v0 =	vand.u32 $0xFFFFF800, v62;
	[tilespmem:$0x8430] =	vst v1;
	v1 =	vor.u32 $0x400, v1  }
0xc2: {  	v0 =	vor.u32 v63, v0;
	v5 =	vand.u32 $0x3FF, v42;
	[tilespmem:$0x84B0] =	vst v1;
	v1 =	vand.u32 $0xFFFFF800, v48  }
0xc3: {  	[tilespmem:$0x8470] =	vst v0;
	v1 =	vor.u32 v5, v1  }
0xc4: {  	v53 =	vshll.u32 v47, $0x1;
	[tilespmem:$0x8440] =	vst v1;
	v1 =	vor.u32 $0x400, v1  }
0xc5: {  	v0 =	vor.u32 $0x400, v0;
	v4 =	vand.u32 $0x3FF, v47;
	[tilespmem:$0x84C0] =	vst v1;
	v1 =	vand.u32 $0xFFFFF800, v53  }
0xc6: {  	v61 =	vsub.f32 $0.0e+00, v55;
	[tilespmem:$0x84F0] =	vst v0;
	v1 =	vor.u32 v4, v1  }
0xc7: {  	[tilespmem:$0x8450] =	vst v1;
	v1 =	vor.u32 $0x400, v1  }
0xc8: {  	[tilespmem:$0x84D0] =	vst v1;
	v1 =	vmax.f32 v61, $0.0e+00  }
0xc9: {  	[tilespmem:$0x83F0] =	vst v1  }
0xca: {  	[spmem:s4] =	stream.indirect.scatter.add.f32 [tilespmem:s16], [sflag:$0x5], $0x1, s15, s6, $0xb8;
	[tilespmem:$0x1CA00] =	vst v63  }
0xcb: {  	_ =	swait.ge [sflag:s30], $0x80  }
0xcc: {  	[sflag:s30] =	ssyncset.done $0x0  }
0xcd: {  	[sflag:s30] =	ssyncadd.s32 $0xFFFFFF80  }
0xce: {  	[spmem:s4] =	stream.indirect.scatter.add.f32 [tilespmem:s18], [sflag:$0x5], $0x1, s17, s6, $0xb8;
	[tilespmem:$0x1CA00] =	vst v63  }
0xcf: {  	_ =	swait.ge [sflag:s30], $0x80  }
0xd0: {  	[sflag:s30] =	ssyncset.done $0x0  }
0xd1: {  	[sflag:s30] =	ssyncadd.s32 $0xFFFFFF80  }
0xd2: {  	_ =	swait.ge [sflag:s22], $0x4000  }
0xd3: {  	[sflag:s22] =	ssyncset.done $0x0  }
0xd4: {  	[sflag:s22] =	ssyncadd.s32 $0xFFFFC000  }
0xd5: {  	[spmem:s3] =	stream.indirect.scatter.add.f32 [tilespmem:s21], [sflag:$0x5], $0x80, s7, s6, $0xb8;
	[tilespmem:$0x1CA00] =	vst v63  }
0xd6: {  	_ =	swait.ge [sflag:s30], $0x4000  }
0xd7: {  	s9 =	sadd.s32 $0x20, s9;
	s23 =	rddreg [dreg:$0x6]  }
0xd8: {  	p0 =	sne.s32 s23, s9  }
.Ltmp0:
0xd9: {  	_ = 	snop;
	(pc) =	sbr.rel @p0 .LBB2_2-.Ltmp0, $3  }
0xda: {  	_ =	sdelay $0x1  }
0xdb: {  	[sflag:s30] =	ssyncset.done $0x0  }
0xdc: {  	[sflag:s30] =	ssyncadd.s32 $0xFFFFC000  }
0xdd: {  	_ =	swait.ge [sflag:s1], $0x80  }
0xde: {  	[sflag:s1] =	ssyncset.done $0x0  }
0xdf: {  	[sflag:s1] =	ssyncadd.s32 $0xFFFFFF80  }
0xe0: {  	_ =	swait.ge [sflag:s1], $0x80  }
0xe1: {  	[sflag:s1] =	ssyncset.done $0x0  }
0xe2: {  	[sflag:s1] =	ssyncadd.s32 $0xFFFFFF80  }
0xe3: {  	_ =	swait.ge [sflag:s1], $0x80  }
0xe4: {  	[sflag:s1] =	ssyncset.done $0x0  }
0xe5: {  	[sflag:s1] =	ssyncadd.s32 $0xFFFFFF80  }
0xe6: {  	[bflag:$0x0] =	sbarrier.arrive $0xFFFF  }
0xe7: {  	s9 =	sshrl.u32 s12, $0x3;
	s11 =	rddreg [dreg:$0x13]  }
0xe8: {  	[hbm:s11], [sflag:s8] =	dma.local [spmem:s9], $0x800  }
0xe9: {  	_ =	swait.ge [sflag:s30], $0x800  }
0xea: {  	[sflag:s30] =	ssyncset.done $0x0;
	s23 =	rddreg [dreg:$0xb]  }
0xeb: {  	s11 =	rddreg [dreg:$0x14];
	[sflag:s30] =	ssyncadd.s32 $0xFFFFF800;
	s10 =	sshrl.u32 s23, $0x3  }
0xec: {  	[hbm:s11], [sflag:s8] =	dma.local [spmem:s10], $0x800  }
0xed: {  	_ =	swait.ge [sflag:s30], $0x800  }
0xee: {  	[sflag:s30] =	ssyncset.done $0x0;
	s10 =	rddreg [dreg:$0xc]  }
0xef: {  	s14 =	rddreg [dreg:$0x15];
	[sflag:s30] =	ssyncadd.s32 $0xFFFFF800;
	s13 =	sshrl.u32 s10, $0x3  }
0xf0: {  	[hbm:s14], [sflag:s8] =	dma.local [spmem:s13], $0x800  }
0xf1: {  	_ =	swait.ge [sflag:s30], $0x800  }
0xf2: {  	[sflag:s30] =	ssyncset.done $0x0;
	s11 =	rddreg [dreg:$0xd]  }
0xf3: {  	s0 =	rddreg [dreg:$0x16];
	[sflag:s30] =	ssyncadd.s32 $0xFFFFF800;
	s14 =	sshrl.u32 s11, $0x3  }
0xf4: {  	[hbm:s0], [sflag:s8] =	dma.local [spmem:s14], $0x800  }
0xf5: {  	_ =	swait.ge [sflag:s30], $0x800  }
0xf6: {  	s0 =	smov.u32 s8;
	[sflag:s30] =	ssyncset.done $0x0;
	s14 =	rddreg [dreg:$0xe]  }
0xf7: {  	s13 =	rddreg [dreg:$0x17];
	[sflag:s30] =	ssyncadd.s32 $0xFFFFF800;
	s12 =	sshrl.u32 s14, $0x3  }
0xf8: {  	[hbm:s13], [sflag:s0] =	dma.local [spmem:s12], $0x800  }
0xf9: {  	_ =	swait.ge [sflag:s30], $0x800  }
0xfa: {  	s9 =	simm.s32 $0x20;
	[sflag:s30] =	ssyncset.done $0x0;
	s8 =	rddreg [dreg:$0x18]  }
0xfb: {  	s13 =	simm.s32 $0x10;
	s12 =	rddreg [dreg:$0x1b];
	[sflag:s30] =	ssyncadd.s32 $0xFFFFF800  }
0xfc: {  	[hbm:s8@s9], [sflag:s0] =	dma.strided [spmem:s12@s13], $0xA0, s19, $0x10   }
0xfd: {  	s12 =	smov.u32 s10  }
0xfe: {  	s10 =	smov.u32 s23;
	s23 =	rddreg [dreg:$0x1c];
	_ =	swait.ge [sflag:s30], $0xA0  }
0xff: {  	s8 =	rddreg [dreg:$0x1a]  }
0x100: {  	s9 =	sadd.s32 $0x1, s8;
	s8 =	rddreg [dreg:$0x19]  }
0x101: {  	p0 =	sne.s32 s9, s8  }
.Ltmp1:
0x102: {  	_ = 	snop;
	(pc) =	sbr.rel @p0 .LBB2_1-.Ltmp1, $3  }
0x103: {  	_ =	sdelay $0x1  }
0x104: {  	[sflag:s30] =	ssyncset.done $0x0  }
0x105: {  	s0 =	simm.s32 $0x200;
	s13 =	simm.s32 $0x280;
	[sflag:s30] =	ssyncadd.s32 $0xFFFFFF60  }
0x106: {  	_ =	sfence.sel $0x180000  }
0x107: {  	[bflag:$0x0] =	sbarrier.arrive $0xFFFF  }
0x108: {  	_ =	strace $0x90000047  }
0x109: {  	s0 =	stileid.u32;
	[bflag:$0x2] =	sbarrier.arrive $0xFFFF  }
0x10a: {  	p0 =	sne.s32 s0, $0x0;
	s0 =	rddreg [dreg:$0x5]  }
0x10b: {  	s0 =	sadd.s32 @!p0 $0x100000, s0  }
0x10c: {  	[sflag:s0] =	ssyncadd.tile.s32 @!p0 $0x1;
	_ =	shalt  }
.Lfunc_end2:
_tile_overlayer_lowered:
.L_overlay_start_2:
0x10d: {  	(tag) =	ssettag $0x2  }
0x10e: {  	s0 =	rddreg [dreg:$0x0];
	s2 =	stileid.u32  }
0x10f: {  	s1 =	rddreg [dreg:$0x1];
	p0 =	sne.s32 s2, $0x0  }
0x110: {  	s3 =	rddreg [dreg:$0x2];
	[bflag:$0x3] =	sbarrier.arrive $0xFFFF;
	s2 =	simm.s32 @!p0 $0x1C05  }
0x111: {  	[timem:s3], [sflag:s2] =	dma.local @!p0 [hbm:s0], s1  }
0x112: {  	s0 =	simm.s32 @!p0 $0x5  }
0x113: {  	_ =	swait.ge @!p0 [sflag:s0], s1  }
0x114: {  	s1 =	ssub.s32 @!p0 $0x0, s1;
	[sflag:s0] =	ssyncset.done @!p0 $0x0  }
0x115: {  	[sflag:s0] =	ssyncadd.s32 @!p0 s1  }
0x116: {  	[bflag:$0x3] =	sbarrier.arrive $0xFFFF  }
0x117: {  	_ =	shalt  }

</sc_bundles>
